<compile_context>
chip_gen: v7x
topology: tpu7x:2x2x1
jax: 0.10.2.dev20260603
libtpu: 0.0.44.dev20260713+nightly
codegen_flags: <defaults>
</compile_context>

<pallas_src>
import functools

import jax
import jax.numpy as jnp
from jax import lax
from jax.experimental import pallas as pl
from jax.experimental.pallas import tpu as pltpu
from jax.experimental.pallas import tpu_sc as plsc

N_NODES = 10000
D_FEAT = 128
N_EDGES = 320000

NUM_CORES = 2
NUM_SUBCORES = 16
NUM_WORKERS = NUM_CORES * NUM_SUBCORES
EDGES_PER_WORKER = N_EDGES // NUM_WORKERS
CHUNK = 80
NUM_CHUNKS = EDGES_PER_WORKER // CHUNK
GROUPS = CHUNK // 16
UNROLL = 8


def _sc_kernel(src_emb, tgt_emb, src_idx, tgt_idx, out,
               idx_s_v, idx_t_v, rs0, rt0, rs1, rt1, ov0, ov1,
               sem0, sem1, semo0, semo1):
    wid = lax.axis_index("s") * NUM_CORES + lax.axis_index("c")
    base = wid * EDGES_PER_WORKER

    pltpu.sync_copy(src_idx.at[pl.ds(base, EDGES_PER_WORKER)], idx_s_v)
    pltpu.sync_copy(tgt_idx.at[pl.ds(base, EDGES_PER_WORKER)], idx_t_v)

    lanes = lax.iota(jnp.int32, 16)
    zf = jnp.zeros((16,), jnp.float32)
    zi = jnp.zeros((16,), jnp.int32)

    def fire(k, rs, rt, sem):
        off = k * CHUNK
        pltpu.async_copy(src_emb.at[idx_s_v.at[pl.ds(off, CHUNK)]], rs, sem)
        pltpu.async_copy(tgt_emb.at[idx_t_v.at[pl.ds(off, CHUNK)]], rt, sem)

    def wait(rs, rt, sem):
        pltpu.make_async_copy(src_emb.at[pl.ds(0, CHUNK)], rs, sem).wait()
        pltpu.make_async_copy(tgt_emb.at[pl.ds(0, CHUNK)], rt, sem).wait()

    def compute(k, rs, rt, ov, semo):
        off = k * CHUNK
        pltpu.make_async_copy(out.at[pl.ds(base, CHUNK)], ov, semo).wait()
        for g in range(GROUPS):
            row_ids = g * 16 + lanes

            def d_body(it, carry, rs=rs, rt=rt, row_ids=row_ids):
                a0, a1, a2, a3, dvl = carry
                accs = [a0, a1, a2, a3]
                for j in range(UNROLL):
                    col = (dvl + j) & (D_FEAT - 1) if j else dvl & (D_FEAT - 1)
                    s = plsc.load_gather(rs, [row_ids, col])
                    t = plsc.load_gather(rt, [row_ids, col])
                    accs[j % 4] = accs[j % 4] + s * t
                return (*accs, dvl + UNROLL)

            a0, a1, a2, a3, _ = lax.fori_loop(
                0, D_FEAT // UNROLL, d_body, (zf, zf, zf, zf, lanes))
            ov[pl.ds(g * 16, 16)] = (a0 + a1) + (a2 + a3)
        pltpu.async_copy(ov, out.at[pl.ds(base + off, CHUNK)], semo)

    pltpu.async_copy(out.at[pl.ds(base, CHUNK)], ov0, semo0)
    pltpu.async_copy(out.at[pl.ds(base, CHUNK)], ov1, semo1)

    fire(0, rs0, rt0, sem0)

    @pl.loop(0, NUM_CHUNKS - 1, step=2)
    def _(k):
        fire(k + 1, rs1, rt1, sem1)
        wait(rs0, rt0, sem0)
        compute(k, rs0, rt0, ov0, semo0)
        fire(k + 2, rs0, rt0, sem0)
        wait(rs1, rt1, sem1)
        compute(k + 1, rs1, rt1, ov1, semo1)

    wait(rs0, rt0, sem0)
    compute(NUM_CHUNKS - 1, rs0, rt0, ov0, semo0)

    pltpu.make_async_copy(out.at[pl.ds(base, CHUNK)], ov0, semo0).wait()
    pltpu.make_async_copy(out.at[pl.ds(base, CHUNK)], ov1, semo1).wait()


@jax.jit
def kernel(source_node_emb, target_node_emb, edge_label_index):
    mesh = plsc.VectorSubcoreMesh(core_axis_name="c", subcore_axis_name="s")
    k = functools.partial(
        pl.kernel,
        mesh=mesh,
        out_type=jax.ShapeDtypeStruct((N_EDGES,), jnp.float32),
        scratch_types=[
            pltpu.VMEM((EDGES_PER_WORKER,), jnp.int32),
            pltpu.VMEM((EDGES_PER_WORKER,), jnp.int32),
            pltpu.VMEM((CHUNK, D_FEAT), jnp.float32),
            pltpu.VMEM((CHUNK, D_FEAT), jnp.float32),
            pltpu.VMEM((CHUNK, D_FEAT), jnp.float32),
            pltpu.VMEM((CHUNK, D_FEAT), jnp.float32),
            pltpu.VMEM((CHUNK,), jnp.float32),
            pltpu.VMEM((CHUNK,), jnp.float32),
            pltpu.SemaphoreType.DMA,
            pltpu.SemaphoreType.DMA,
            pltpu.SemaphoreType.DMA,
            pltpu.SemaphoreType.DMA,
        ],
        compiler_params=pltpu.CompilerParams(needs_layout_passes=False),
    )(_sc_kernel)
    return k(source_node_emb, target_node_emb,
             edge_label_index[0], edge_label_index[1])

# --- scband reference (transcript-rebuilt; emitter-appended) ---
"""Pipeline reference for scband-classifier-17867063951906 (READ-ONLY COPY).

The authoritative reference and input builder live on the scoring server;
editing this copy changes nothing except your own understanding.
"""

import jax, jax.numpy as jnp
import numpy as np

N_NODES = 10000
D_FEAT = 128
N_EDGES = 320000


def setup_inputs(seed: int = 0) -> dict:
    key = jax.random.key(seed)
    k1, k2, k3 = jax.random.split(key, 3)
    source_node_emb = jax.random.normal(k1, (N_NODES, D_FEAT), dtype=jnp.float32)
    target_node_emb = jax.random.normal(k2, (N_NODES, D_FEAT), dtype=jnp.float32)
    edge_label_index = jax.random.randint(k3, (2, N_EDGES), 0, N_NODES, dtype=jnp.int32)
    return {
        "source_node_emb": source_node_emb,
        "target_node_emb": target_node_emb,
        "edge_label_index": edge_label_index,
    }


def reference(source_node_emb, target_node_emb, edge_label_index):
    # Gather per-edge node features (embedding lookup / gather)
    edge_feat_source = jnp.take(source_node_emb, edge_label_index[0], axis=0)
    edge_feat_target = jnp.take(target_node_emb, edge_label_index[1], axis=0)
    # Elementwise product + reduce over feature dim -> per-edge score
    return (edge_feat_source * edge_feat_target).sum(axis=-1)

if __name__ == "__main__":
    import jax
    _d = setup_inputs()
    print(jax.jit(kernel)(*tuple(_d.values())))

</pallas_src>

<mosaic_0001>
#map = affine_map<(d0, d1) -> (0, 0)>
#map1 = affine_map<(d0, d1) -> (0)>
module attributes {stable_mosaic.version = 14 : i64} {
  func.func @_sc_kernel(%arg0: i32, %arg1: i32, %arg2: memref<10000x128xf32, #tpu.memory_space<hbm>>, %arg3: memref<10000x128xf32, #tpu.memory_space<hbm>>, %arg4: memref<320000xi32, #tpu.memory_space<hbm>>, %arg5: memref<320000xi32, #tpu.memory_space<hbm>>, %arg6: memref<320000xf32, #tpu.memory_space<hbm>>, %arg7: memref<10000xi32, #tpu.memory_space<vmem>>, %arg8: memref<10000xi32, #tpu.memory_space<vmem>>, %arg9: memref<80x128xf32, #tpu.memory_space<vmem>>, %arg10: memref<80x128xf32, #tpu.memory_space<vmem>>, %arg11: memref<80x128xf32, #tpu.memory_space<vmem>>, %arg12: memref<80x128xf32, #tpu.memory_space<vmem>>, %arg13: memref<80xf32, #tpu.memory_space<vmem>>, %arg14: memref<80xf32, #tpu.memory_space<vmem>>, %arg15: memref<!tpu.dma_semaphore, #tpu.memory_space<semaphore_mem>>, %arg16: memref<!tpu.dma_semaphore, #tpu.memory_space<semaphore_mem>>, %arg17: memref<!tpu.dma_semaphore, #tpu.memory_space<semaphore_mem>>, %arg18: memref<!tpu.dma_semaphore, #tpu.memory_space<semaphore_mem>>) attributes {dimension_semantics = [#tpu.dimension_semantics<core_parallel>, #tpu.dimension_semantics<subcore_parallel>], iteration_bounds = array<i64: 2, 16>, scalar_prefetch = 0 : i64, scratch_operands = 12 : i64, tpu.core_type = #tpu.core_type<sc_vector_subcore>, window_params = [{transform_indices = #map}, {transform_indices = #map}, {transform_indices = #map1}, {transform_indices = #map1}, {transform_indices = #map1}]} {
    %mul3A = arith.constant 2 : i32
    %mul3A_0 = arith.muli %arg1, %mul3A : i32
    %add3A = arith.addi %mul3A_0, %arg0 : i32
    %mul3A_1 = arith.constant 10000 : i32
    %mul3A_2 = arith.muli %add3A, %mul3A_1 : i32
    "tpu.region"() ({
      %run_scoped3A = tpu.sem_alloc : memref<!tpu.dma_semaphore, #tpu.memory_space<semaphore_mem>>
      %dma_start3A_113 = tpu.memref_slice %arg4[%mul3A_2] : memref<320000xi32, #tpu.memory_space<hbm>> -> memref<10000xi32, #tpu.memory_space<hbm>>
      %dma_start3A_114 = tpu.memref_slice %arg4[%mul3A_2] : memref<320000xi32, #tpu.memory_space<hbm>> -> memref<10000xi32, #tpu.memory_space<hbm>>
      tpu.enqueue_dma source(%dma_start3A_114 : memref<10000xi32, #tpu.memory_space<hbm>>) target(%arg7 : memref<10000xi32, #tpu.memory_space<vmem>>) target_semaphore(%run_scoped3A : memref<!tpu.dma_semaphore, #tpu.memory_space<semaphore_mem>>)
      %dma_wait3A_115 = tpu.memref_slice %arg4[%mul3A_2] : memref<320000xi32, #tpu.memory_space<hbm>> -> memref<10000xi32, #tpu.memory_space<hbm>>
      %dma_wait3A_116 = tpu.memref_slice %arg4[%mul3A_2] : memref<320000xi32, #tpu.memory_space<hbm>> -> memref<10000xi32, #tpu.memory_space<hbm>>
      tpu.wait_dma2 semaphore(%run_scoped3A : memref<!tpu.dma_semaphore, #tpu.memory_space<semaphore_mem>>) src(%dma_wait3A_116 : memref<10000xi32, #tpu.memory_space<hbm>>) dst(%arg7 : memref<10000xi32, #tpu.memory_space<vmem>>)
      tpu.yield
    }) : () -> ()
    "tpu.region"() ({
      %run_scoped3A = tpu.sem_alloc : memref<!tpu.dma_semaphore, #tpu.memory_space<semaphore_mem>>
      %dma_start3A_113 = tpu.memref_slice %arg5[%mul3A_2] : memref<320000xi32, #tpu.memory_space<hbm>> -> memref<10000xi32, #tpu.memory_space<hbm>>
      %dma_start3A_114 = tpu.memref_slice %arg5[%mul3A_2] : memref<320000xi32, #tpu.memory_space<hbm>> -> memref<10000xi32, #tpu.memory_space<hbm>>
      tpu.enqueue_dma source(%dma_start3A_114 : memref<10000xi32, #tpu.memory_space<hbm>>) target(%arg8 : memref<10000xi32, #tpu.memory_space<vmem>>) target_semaphore(%run_scoped3A : memref<!tpu.dma_semaphore, #tpu.memory_space<semaphore_mem>>)
      %dma_wait3A_115 = tpu.memref_slice %arg5[%mul3A_2] : memref<320000xi32, #tpu.memory_space<hbm>> -> memref<10000xi32, #tpu.memory_space<hbm>>
      %dma_wait3A_116 = tpu.memref_slice %arg5[%mul3A_2] : memref<320000xi32, #tpu.memory_space<hbm>> -> memref<10000xi32, #tpu.memory_space<hbm>>
      tpu.wait_dma2 semaphore(%run_scoped3A : memref<!tpu.dma_semaphore, #tpu.memory_space<semaphore_mem>>) src(%dma_wait3A_116 : memref<10000xi32, #tpu.memory_space<hbm>>) dst(%arg8 : memref<10000xi32, #tpu.memory_space<vmem>>)
      tpu.yield
    }) : () -> ()
    %iota3A = tpu.iota {dimensions = array<i32: 0>} : vector<16xi32>
    %broadcast_in_dim3A = arith.constant 0.000000e+00 : f32
    %broadcast_in_dim3A_3 = vector.broadcast %broadcast_in_dim3A : f32 to vector<16xf32>
    %broadcast_in_dim3A_4 = arith.constant 0 : i32
    %broadcast_in_dim3A_5 = vector.broadcast %broadcast_in_dim3A_4 : i32 to vector<16xi32>
    %dma_start3A = tpu.memref_slice %arg6[%mul3A_2] : memref<320000xf32, #tpu.memory_space<hbm>> -> memref<80xf32, #tpu.memory_space<hbm>>
    %dma_start3A_6 = tpu.memref_slice %arg6[%mul3A_2] : memref<320000xf32, #tpu.memory_space<hbm>> -> memref<80xf32, #tpu.memory_space<hbm>>
    tpu.enqueue_dma source(%dma_start3A_6 : memref<80xf32, #tpu.memory_space<hbm>>) target(%arg13 : memref<80xf32, #tpu.memory_space<vmem>>) target_semaphore(%arg17 : memref<!tpu.dma_semaphore, #tpu.memory_space<semaphore_mem>>)
    %dma_start3A_7 = tpu.memref_slice %arg6[%mul3A_2] : memref<320000xf32, #tpu.memory_space<hbm>> -> memref<80xf32, #tpu.memory_space<hbm>>
    %dma_start3A_8 = tpu.memref_slice %arg6[%mul3A_2] : memref<320000xf32, #tpu.memory_space<hbm>> -> memref<80xf32, #tpu.memory_space<hbm>>
    tpu.enqueue_dma source(%dma_start3A_8 : memref<80xf32, #tpu.memory_space<hbm>>) target(%arg14 : memref<80xf32, #tpu.memory_space<vmem>>) target_semaphore(%arg18 : memref<!tpu.dma_semaphore, #tpu.memory_space<semaphore_mem>>)
    %dma_start3A_9 = arith.constant 0 : i32
    %dma_start3A_10 = tpu.memref_slice %arg7[%dma_start3A_9] : memref<10000xi32, #tpu.memory_space<vmem>> -> memref<80xi32, #tpu.memory_space<vmem>>
    %dma_start3A_11 = arith.constant 0 : i32
    %dma_start3A_12 = arith.constant 0 : i32
    %dma_start3A_13 = tpu.memref_slice %arg2[%dma_start3A_11, %dma_start3A_12] : memref<10000x128xf32, #tpu.memory_space<hbm>> -> memref<10000x128xf32, #tpu.memory_space<hbm>>
    tpu.enqueue_indirect_dma source(%dma_start3A_13 : memref<10000x128xf32, #tpu.memory_space<hbm>>) target(%arg9 : memref<80x128xf32, #tpu.memory_space<vmem>>) offsets(%dma_start3A_10 : memref<80xi32, #tpu.memory_space<vmem>>) semaphore(%arg15 : memref<!tpu.dma_semaphore, #tpu.memory_space<semaphore_mem>>)
    %dma_start3A_14 = arith.constant 0 : i32
    %dma_start3A_15 = tpu.memref_slice %arg8[%dma_start3A_14] : memref<10000xi32, #tpu.memory_space<vmem>> -> memref<80xi32, #tpu.memory_space<vmem>>
    %dma_start3A_16 = arith.constant 0 : i32
    %dma_start3A_17 = arith.constant 0 : i32
    %dma_start3A_18 = tpu.memref_slice %arg3[%dma_start3A_16, %dma_start3A_17] : memref<10000x128xf32, #tpu.memory_space<hbm>> -> memref<10000x128xf32, #tpu.memory_space<hbm>>
    tpu.enqueue_indirect_dma source(%dma_start3A_18 : memref<10000x128xf32, #tpu.memory_space<hbm>>) target(%arg10 : memref<80x128xf32, #tpu.memory_space<vmem>>) offsets(%dma_start3A_15 : memref<80xi32, #tpu.memory_space<vmem>>) semaphore(%arg15 : memref<!tpu.dma_semaphore, #tpu.memory_space<semaphore_mem>>)
    %scan3A = arith.constant 0 : i32
    %scan3A_19 = arith.constant 62 : i32
    %scan3A_20 = arith.addi %scan3A, %scan3A_19 : i32
    %scan3A_21 = arith.constant 1 : i32
    scf.for %scan3A_113 = %scan3A to %scan3A_20 step %scan3A_21  : i32 {
      %mul3A_114 = arith.constant 2 : i32
      %mul3A_115 = arith.muli %scan3A_113, %mul3A_114 : i32
      %add3A_116 = arith.constant 0 : i32
      %add3A_117 = arith.addi %add3A_116, %mul3A_115 : i32
      %add3A_118 = arith.constant 1 : i32
      %add3A_119 = arith.addi %add3A_117, %add3A_118 : i32
      %mul3A_120 = arith.constant 80 : i32
      %mul3A_121 = arith.muli %add3A_119, %mul3A_120 : i32
      %dma_start3A_122 = tpu.memref_slice %arg7[%mul3A_121] : memref<10000xi32, #tpu.memory_space<vmem>> -> memref<80xi32, #tpu.memory_space<vmem>>
      %dma_start3A_123 = arith.constant 0 : i32
      %dma_start3A_124 = arith.constant 0 : i32
      %dma_start3A_125 = tpu.memref_slice %arg2[%dma_start3A_123, %dma_start3A_124] : memref<10000x128xf32, #tpu.memory_space<hbm>> -> memref<10000x128xf32, #tpu.memory_space<hbm>>
      tpu.enqueue_indirect_dma source(%dma_start3A_125 : memref<10000x128xf32, #tpu.memory_space<hbm>>) target(%arg11 : memref<80x128xf32, #tpu.memory_space<vmem>>) offsets(%dma_start3A_122 : memref<80xi32, #tpu.memory_space<vmem>>) semaphore(%arg16 : memref<!tpu.dma_semaphore, #tpu.memory_space<semaphore_mem>>)
      %dma_start3A_126 = tpu.memref_slice %arg8[%mul3A_121] : memref<10000xi32, #tpu.memory_space<vmem>> -> memref<80xi32, #tpu.memory_space<vmem>>
      %dma_start3A_127 = arith.constant 0 : i32
      %dma_start3A_128 = arith.constant 0 : i32
      %dma_start3A_129 = tpu.memref_slice %arg3[%dma_start3A_127, %dma_start3A_128] : memref<10000x128xf32, #tpu.memory_space<hbm>> -> memref<10000x128xf32, #tpu.memory_space<hbm>>
      tpu.enqueue_indirect_dma source(%dma_start3A_129 : memref<10000x128xf32, #tpu.memory_space<hbm>>) target(%arg12 : memref<80x128xf32, #tpu.memory_space<vmem>>) offsets(%dma_start3A_126 : memref<80xi32, #tpu.memory_space<vmem>>) semaphore(%arg16 : memref<!tpu.dma_semaphore, #tpu.memory_space<semaphore_mem>>)
      %dma_wait3A_130 = arith.constant 0 : i32
      %dma_wait3A_131 = arith.constant 0 : i32
      %dma_wait3A_132 = tpu.memref_slice %arg2[%dma_wait3A_130, %dma_wait3A_131] : memref<10000x128xf32, #tpu.memory_space<hbm>> -> memref<80x128xf32, #tpu.memory_space<hbm>>
      %dma_wait3A_133 = arith.constant 0 : i32
      %dma_wait3A_134 = arith.constant 0 : i32
      %dma_wait3A_135 = tpu.memref_slice %arg2[%dma_wait3A_133, %dma_wait3A_134] : memref<10000x128xf32, #tpu.memory_space<hbm>> -> memref<80x128xf32, #tpu.memory_space<hbm>>
      tpu.wait_dma2 semaphore(%arg15 : memref<!tpu.dma_semaphore, #tpu.memory_space<semaphore_mem>>) src(%dma_wait3A_135 : memref<80x128xf32, #tpu.memory_space<hbm>>) dst(%arg9 : memref<80x128xf32, #tpu.memory_space<vmem>>)
      %dma_wait3A_136 = arith.constant 0 : i32
      %dma_wait3A_137 = arith.constant 0 : i32
      %dma_wait3A_138 = tpu.memref_slice %arg3[%dma_wait3A_136, %dma_wait3A_137] : memref<10000x128xf32, #tpu.memory_space<hbm>> -> memref<80x128xf32, #tpu.memory_space<hbm>>
      %dma_wait3A_139 = arith.constant 0 : i32
      %dma_wait3A_140 = arith.constant 0 : i32
      %dma_wait3A_141 = tpu.memref_slice %arg3[%dma_wait3A_139, %dma_wait3A_140] : memref<10000x128xf32, #tpu.memory_space<hbm>> -> memref<80x128xf32, #tpu.memory_space<hbm>>
      tpu.wait_dma2 semaphore(%arg15 : memref<!tpu.dma_semaphore, #tpu.memory_space<semaphore_mem>>) src(%dma_wait3A_141 : memref<80x128xf32, #tpu.memory_space<hbm>>) dst(%arg10 : memref<80x128xf32, #tpu.memory_space<vmem>>)
      %mul3A_142 = arith.constant 80 : i32
      %mul3A_143 = arith.muli %add3A_117, %mul3A_142 : i32
      %dma_wait3A_144 = tpu.memref_slice %arg6[%mul3A_2] : memref<320000xf32, #tpu.memory_space<hbm>> -> memref<80xf32, #tpu.memory_space<hbm>>
      %dma_wait3A_145 = tpu.memref_slice %arg6[%mul3A_2] : memref<320000xf32, #tpu.memory_space<hbm>> -> memref<80xf32, #tpu.memory_space<hbm>>
      tpu.wait_dma2 semaphore(%arg17 : memref<!tpu.dma_semaphore, #tpu.memory_space<semaphore_mem>>) src(%dma_wait3A_145 : memref<80xf32, #tpu.memory_space<hbm>>) dst(%arg13 : memref<80xf32, #tpu.memory_space<vmem>>)
      %add3A_146 = arith.constant 0 : i32
      %add3A_147 = vector.broadcast %add3A_146 : i32 to vector<16xi32>
      %add3A_148 = arith.addi %add3A_147, %iota3A : vector<16xi32>
      %scan3A_149 = arith.constant 0 : i32
      %scan3A_150 = arith.constant 16 : i32
      %scan3A_151 = arith.addi %scan3A_149, %scan3A_150 : i32
      %scan3A_152 = arith.constant 1 : i32
      %scan3A_153:5 = scf.for %scan3A_322 = %scan3A_149 to %scan3A_151 step %scan3A_152 iter_args(%scan3A_323 = %broadcast_in_dim3A_3, %scan3A_324 = %broadcast_in_dim3A_3, %scan3A_325 = %broadcast_in_dim3A_3, %scan3A_326 = %broadcast_in_dim3A_3, %scan3A_327 = %iota3A) -> (vector<16xf32>, vector<16xf32>, vector<16xf32>, vector<16xf32>, vector<16xi32>)  : i32 {
        %and3A = arith.constant 127 : i32
        %and3A_328 = vector.broadcast %and3A : i32 to vector<16xi32>
        %and3A_329 = arith.andi %scan3A_327, %and3A_328 : vector<16xi32>
        %gather3A = tpu.vector_load_idx %arg9[%add3A_148, %and3A_329] : memref<80x128xf32, #tpu.memory_space<vmem>>[vector<16xi32>, vector<16xi32>], vector<16xf32>,
        %gather3A_330 = tpu.vector_load_idx %arg10[%add3A_148, %and3A_329] : memref<80x128xf32, #tpu.memory_space<vmem>>[vector<16xi32>, vector<16xi32>], vector<16xf32>,
        %mul3A_331 = arith.mulf %gather3A, %gather3A_330 : vector<16xf32>
        %add3A_332 = arith.addf %scan3A_323, %mul3A_331 : vector<16xf32>
        %add3A_333 = arith.constant 1 : i32
        %add3A_334 = vector.broadcast %add3A_333 : i32 to vector<16xi32>
        %add3A_335 = arith.addi %scan3A_327, %add3A_334 : vector<16xi32>
        %and3A_336 = arith.constant 127 : i32
        %and3A_337 = vector.broadcast %and3A_336 : i32 to vector<16xi32>
        %and3A_338 = arith.andi %add3A_335, %and3A_337 : vector<16xi32>
        %gather3A_339 = tpu.vector_load_idx %arg9[%add3A_148, %and3A_338] : memref<80x128xf32, #tpu.memory_space<vmem>>[vector<16xi32>, vector<16xi32>], vector<16xf32>,
        %gather3A_340 = tpu.vector_load_idx %arg10[%add3A_148, %and3A_338] : memref<80x128xf32, #tpu.memory_space<vmem>>[vector<16xi32>, vector<16xi32>], vector<16xf32>,
        %mul3A_341 = arith.mulf %gather3A_339, %gather3A_340 : vector<16xf32>
        %add3A_342 = arith.addf %scan3A_324, %mul3A_341 : vector<16xf32>
        %add3A_343 = arith.constant 2 : i32
        %add3A_344 = vector.broadcast %add3A_343 : i32 to vector<16xi32>
        %add3A_345 = arith.addi %scan3A_327, %add3A_344 : vector<16xi32>
        %and3A_346 = arith.constant 127 : i32
        %and3A_347 = vector.broadcast %and3A_346 : i32 to vector<16xi32>
        %and3A_348 = arith.andi %add3A_345, %and3A_347 : vector<16xi32>
        %gather3A_349 = tpu.vector_load_idx %arg9[%add3A_148, %and3A_348] : memref<80x128xf32, #tpu.memory_space<vmem>>[vector<16xi32>, vector<16xi32>], vector<16xf32>,
        %gather3A_350 = tpu.vector_load_idx %arg10[%add3A_148, %and3A_348] : memref<80x128xf32, #tpu.memory_space<vmem>>[vector<16xi32>, vector<16xi32>], vector<16xf32>,
        %mul3A_351 = arith.mulf %gather3A_349, %gather3A_350 : vector<16xf32>
        %add3A_352 = arith.addf %scan3A_325, %mul3A_351 : vector<16xf32>
        %add3A_353 = arith.constant 3 : i32
        %add3A_354 = vector.broadcast %add3A_353 : i32 to vector<16xi32>
        %add3A_355 = arith.addi %scan3A_327, %add3A_354 : vector<16xi32>
        %and3A_356 = arith.constant 127 : i32
        %and3A_357 = vector.broadcast %and3A_356 : i32 to vector<16xi32>
        %and3A_358 = arith.andi %add3A_355, %and3A_357 : vector<16xi32>
        %gather3A_359 = tpu.vector_load_idx %arg9[%add3A_148, %and3A_358] : memref<80x128xf32, #tpu.memory_space<vmem>>[vector<16xi32>, vector<16xi32>], vector<16xf32>,
        %gather3A_360 = tpu.vector_load_idx %arg10[%add3A_148, %and3A_358] : memref<80x128xf32, #tpu.memory_space<vmem>>[vector<16xi32>, vector<16xi32>], vector<16xf32>,
        %mul3A_361 = arith.mulf %gather3A_359, %gather3A_360 : vector<16xf32>
        %add3A_362 = arith.addf %scan3A_326, %mul3A_361 : vector<16xf32>
        %add3A_363 = arith.constant 4 : i32
        %add3A_364 = vector.broadcast %add3A_363 : i32 to vector<16xi32>
        %add3A_365 = arith.addi %scan3A_327, %add3A_364 : vector<16xi32>
        %and3A_366 = arith.constant 127 : i32
        %and3A_367 = vector.broadcast %and3A_366 : i32 to vector<16xi32>
        %and3A_368 = arith.andi %add3A_365, %and3A_367 : vector<16xi32>
        %gather3A_369 = tpu.vector_load_idx %arg9[%add3A_148, %and3A_368] : memref<80x128xf32, #tpu.memory_space<vmem>>[vector<16xi32>, vector<16xi32>], vector<16xf32>,
        %gather3A_370 = tpu.vector_load_idx %arg10[%add3A_148, %and3A_368] : memref<80x128xf32, #tpu.memory_space<vmem>>[vector<16xi32>, vector<16xi32>], vector<16xf32>,
        %mul3A_371 = arith.mulf %gather3A_369, %gather3A_370 : vector<16xf32>
        %add3A_372 = arith.addf %add3A_332, %mul3A_371 : vector<16xf32>
        %add3A_373 = arith.constant 5 : i32
        %add3A_374 = vector.broadcast %add3A_373 : i32 to vector<16xi32>
        %add3A_375 = arith.addi %scan3A_327, %add3A_374 : vector<16xi32>
        %and3A_376 = arith.constant 127 : i32
        %and3A_377 = vector.broadcast %and3A_376 : i32 to vector<16xi32>
        %and3A_378 = arith.andi %add3A_375, %and3A_377 : vector<16xi32>
        %gather3A_379 = tpu.vector_load_idx %arg9[%add3A_148, %and3A_378] : memref<80x128xf32, #tpu.memory_space<vmem>>[vector<16xi32>, vector<16xi32>], vector<16xf32>,
        %gather3A_380 = tpu.vector_load_idx %arg10[%add3A_148, %and3A_378] : memref<80x128xf32, #tpu.memory_space<vmem>>[vector<16xi32>, vector<16xi32>], vector<16xf32>,
        %mul3A_381 = arith.mulf %gather3A_379, %gather3A_380 : vector<16xf32>
        %add3A_382 = arith.addf %add3A_342, %mul3A_381 : vector<16xf32>
        %add3A_383 = arith.constant 6 : i32
        %add3A_384 = vector.broadcast %add3A_383 : i32 to vector<16xi32>
        %add3A_385 = arith.addi %scan3A_327, %add3A_384 : vector<16xi32>
        %and3A_386 = arith.constant 127 : i32
        %and3A_387 = vector.broadcast %and3A_386 : i32 to vector<16xi32>
        %and3A_388 = arith.andi %add3A_385, %and3A_387 : vector<16xi32>
        %gather3A_389 = tpu.vector_load_idx %arg9[%add3A_148, %and3A_388] : memref<80x128xf32, #tpu.memory_space<vmem>>[vector<16xi32>, vector<16xi32>], vector<16xf32>,
        %gather3A_390 = tpu.vector_load_idx %arg10[%add3A_148, %and3A_388] : memref<80x128xf32, #tpu.memory_space<vmem>>[vector<16xi32>, vector<16xi32>], vector<16xf32>,
        %mul3A_391 = arith.mulf %gather3A_389, %gather3A_390 : vector<16xf32>
        %add3A_392 = arith.addf %add3A_352, %mul3A_391 : vector<16xf32>
        %add3A_393 = arith.constant 7 : i32
        %add3A_394 = vector.broadcast %add3A_393 : i32 to vector<16xi32>
        %add3A_395 = arith.addi %scan3A_327, %add3A_394 : vector<16xi32>
        %and3A_396 = arith.constant 127 : i32
        %and3A_397 = vector.broadcast %and3A_396 : i32 to vector<16xi32>
        %and3A_398 = arith.andi %add3A_395, %and3A_397 : vector<16xi32>
        %gather3A_399 = tpu.vector_load_idx %arg9[%add3A_148, %and3A_398] : memref<80x128xf32, #tpu.memory_space<vmem>>[vector<16xi32>, vector<16xi32>], vector<16xf32>,
        %gather3A_400 = tpu.vector_load_idx %arg10[%add3A_148, %and3A_398] : memref<80x128xf32, #tpu.memory_space<vmem>>[vector<16xi32>, vector<16xi32>], vector<16xf32>,
        %mul3A_401 = arith.mulf %gather3A_399, %gather3A_400 : vector<16xf32>
        %add3A_402 = arith.addf %add3A_362, %mul3A_401 : vector<16xf32>
        %add3A_403 = arith.constant 8 : i32
        %add3A_404 = vector.broadcast %add3A_403 : i32 to vector<16xi32>
        %add3A_405 = arith.addi %scan3A_327, %add3A_404 : vector<16xi32>
        scf.yield %add3A_372, %add3A_382, %add3A_392, %add3A_402, %add3A_405 : vector<16xf32>, vector<16xf32>, vector<16xf32>, vector<16xf32>, vector<16xi32>
      }
      %scan3A_154 = arith.constant 16 : i32
      %add3A_155 = arith.addf %scan3A_153#0, %scan3A_153#1 : vector<16xf32>
      %add3A_156 = arith.addf %scan3A_153#2, %scan3A_153#3 : vector<16xf32>
      %add3A_157 = arith.addf %add3A_155, %add3A_156 : vector<16xf32>
      %swap3A_158 = arith.constant 0 : index
      %swap3A_159 = tpu.vector_load %arg13[%swap3A_158] {strides = array<i32>} : memref<80xf32, #tpu.memory_space<vmem>>, vector<16xf32>,
      tpu.vector_store %arg13[%swap3A_158], %add3A_157 {strides = array<i32>} : memref<80xf32, #tpu.memory_space<vmem>>, vector<16xf32>,
      %add3A_160 = arith.constant 16 : i32
      %add3A_161 = vector.broadcast %add3A_160 : i32 to vector<16xi32>
      %add3A_162 = arith.addi %add3A_161, %iota3A : vector<16xi32>
      %scan3A_163 = arith.constant 0 : i32
      %scan3A_164 = arith.constant 16 : i32
      %scan3A_165 = arith.addi %scan3A_163, %scan3A_164 : i32
      %scan3A_166 = arith.constant 1 : i32
      %scan3A_167:5 = scf.for %scan3A_322 = %scan3A_163 to %scan3A_165 step %scan3A_166 iter_args(%scan3A_323 = %broadcast_in_dim3A_3, %scan3A_324 = %broadcast_in_dim3A_3, %scan3A_325 = %broadcast_in_dim3A_3, %scan3A_326 = %broadcast_in_dim3A_3, %scan3A_327 = %iota3A) -> (vector<16xf32>, vector<16xf32>, vector<16xf32>, vector<16xf32>, vector<16xi32>)  : i32 {
        %and3A = arith.constant 127 : i32
        %and3A_328 = vector.broadcast %and3A : i32 to vector<16xi32>
        %and3A_329 = arith.andi %scan3A_327, %and3A_328 : vector<16xi32>
        %gather3A = tpu.vector_load_idx %arg9[%add3A_162, %and3A_329] : memref<80x128xf32, #tpu.memory_space<vmem>>[vector<16xi32>, vector<16xi32>], vector<16xf32>,
        %gather3A_330 = tpu.vector_load_idx %arg10[%add3A_162, %and3A_329] : memref<80x128xf32, #tpu.memory_space<vmem>>[vector<16xi32>, vector<16xi32>], vector<16xf32>,
        %mul3A_331 = arith.mulf %gather3A, %gather3A_330 : vector<16xf32>
        %add3A_332 = arith.addf %scan3A_323, %mul3A_331 : vector<16xf32>
        %add3A_333 = arith.constant 1 : i32
        %add3A_334 = vector.broadcast %add3A_333 : i32 to vector<16xi32>
        %add3A_335 = arith.addi %scan3A_327, %add3A_334 : vector<16xi32>
        %and3A_336 = arith.constant 127 : i32
        %and3A_337 = vector.broadcast %and3A_336 : i32 to vector<16xi32>
        %and3A_338 = arith.andi %add3A_335, %and3A_337 : vector<16xi32>
        %gather3A_339 = tpu.vector_load_idx %arg9[%add3A_162, %and3A_338] : memref<80x128xf32, #tpu.memory_space<vmem>>[vector<16xi32>, vector<16xi32>], vector<16xf32>,
        %gather3A_340 = tpu.vector_load_idx %arg10[%add3A_162, %and3A_338] : memref<80x128xf32, #tpu.memory_space<vmem>>[vector<16xi32>, vector<16xi32>], vector<16xf32>,
        %mul3A_341 = arith.mulf %gather3A_339, %gather3A_340 : vector<16xf32>
        %add3A_342 = arith.addf %scan3A_324, %mul3A_341 : vector<16xf32>
        %add3A_343 = arith.constant 2 : i32
        %add3A_344 = vector.broadcast %add3A_343 : i32 to vector<16xi32>
        %add3A_345 = arith.addi %scan3A_327, %add3A_344 : vector<16xi32>
        %and3A_346 = arith.constant 127 : i32
        %and3A_347 = vector.broadcast %and3A_346 : i32 to vector<16xi32>
        %and3A_348 = arith.andi %add3A_345, %and3A_347 : vector<16xi32>
        %gather3A_349 = tpu.vector_load_idx %arg9[%add3A_162, %and3A_348] : memref<80x128xf32, #tpu.memory_space<vmem>>[vector<16xi32>, vector<16xi32>], vector<16xf32>,
        %gather3A_350 = tpu.vector_load_idx %arg10[%add3A_162, %and3A_348] : memref<80x128xf32, #tpu.memory_space<vmem>>[vector<16xi32>, vector<16xi32>], vector<16xf32>,
        %mul3A_351 = arith.mulf %gather3A_349, %gather3A_350 : vector<16xf32>
        %add3A_352 = arith.addf %scan3A_325, %mul3A_351 : vector<16xf32>
        %add3A_353 = arith.constant 3 : i32
        %add3A_354 = vector.broadcast %add3A_353 : i32 to vector<16xi32>
        %add3A_355 = arith.addi %scan3A_327, %add3A_354 : vector<16xi32>
        %and3A_356 = arith.constant 127 : i32
        %and3A_357 = vector.broadcast %and3A_356 : i32 to vector<16xi32>
        %and3A_358 = arith.andi %add3A_355, %and3A_357 : vector<16xi32>
        %gather3A_359 = tpu.vector_load_idx %arg9[%add3A_162, %and3A_358] : memref<80x128xf32, #tpu.memory_space<vmem>>[vector<16xi32>, vector<16xi32>], vector<16xf32>,
        %gather3A_360 = tpu.vector_load_idx %arg10[%add3A_162, %and3A_358] : memref<80x128xf32, #tpu.memory_space<vmem>>[vector<16xi32>, vector<16xi32>], vector<16xf32>,
        %mul3A_361 = arith.mulf %gather3A_359, %gather3A_360 : vector<16xf32>
        %add3A_362 = arith.addf %scan3A_326, %mul3A_361 : vector<16xf32>
        %add3A_363 = arith.constant 4 : i32
        %add3A_364 = vector.broadcast %add3A_363 : i32 to vector<16xi32>
        %add3A_365 = arith.addi %scan3A_327, %add3A_364 : vector<16xi32>
        %and3A_366 = arith.constant 127 : i32
        %and3A_367 = vector.broadcast %and3A_366 : i32 to vector<16xi32>
        %and3A_368 = arith.andi %add3A_365, %and3A_367 : vector<16xi32>
        %gather3A_369 = tpu.vector_load_idx %arg9[%add3A_162, %and3A_368] : memref<80x128xf32, #tpu.memory_space<vmem>>[vector<16xi32>, vector<16xi32>], vector<16xf32>,
        %gather3A_370 = tpu.vector_load_idx %arg10[%add3A_162, %and3A_368] : memref<80x128xf32, #tpu.memory_space<vmem>>[vector<16xi32>, vector<16xi32>], vector<16xf32>,
        %mul3A_371 = arith.mulf %gather3A_369, %gather3A_370 : vector<16xf32>
        %add3A_372 = arith.addf %add3A_332, %mul3A_371 : vector<16xf32>
        %add3A_373 = arith.constant 5 : i32
        %add3A_374 = vector.broadcast %add3A_373 : i32 to vector<16xi32>
        %add3A_375 = arith.addi %scan3A_327, %add3A_374 : vector<16xi32>
        %and3A_376 = arith.constant 127 : i32
        %and3A_377 = vector.broadcast %and3A_376 : i32 to vector<16xi32>
        %and3A_378 = arith.andi %add3A_375, %and3A_377 : vector<16xi32>
        %gather3A_379 = tpu.vector_load_idx %arg9[%add3A_162, %and3A_378] : memref<80x128xf32, #tpu.memory_space<vmem>>[vector<16xi32>, vector<16xi32>], vector<16xf32>,
        %gather3A_380 = tpu.vector_load_idx %arg10[%add3A_162, %and3A_378] : memref<80x128xf32, #tpu.memory_space<vmem>>[vector<16xi32>, vector<16xi32>], vector<16xf32>,
        %mul3A_381 = arith.mulf %gather3A_379, %gather3A_380 : vector<16xf32>
        %add3A_382 = arith.addf %add3A_342, %mul3A_381 : vector<16xf32>
        %add3A_383 = arith.constant 6 : i32
        %add3A_384 = vector.broadcast %add3A_383 : i32 to vector<16xi32>
        %add3A_385 = arith.addi %scan3A_327, %add3A_384 : vector<16xi32>
        %and3A_386 = arith.constant 127 : i32
        %and3A_387 = vector.broadcast %and3A_386 : i32 to vector<16xi32>
        %and3A_388 = arith.andi %add3A_385, %and3A_387 : vector<16xi32>
        %gather3A_389 = tpu.vector_load_idx %arg9[%add3A_162, %and3A_388] : memref<80x128xf32, #tpu.memory_space<vmem>>[vector<16xi32>, vector<16xi32>], vector<16xf32>,
        %gather3A_390 = tpu.vector_load_idx %arg10[%add3A_162, %and3A_388] : memref<80x128xf32, #tpu.memory_space<vmem>>[vector<16xi32>, vector<16xi32>], vector<16xf32>,
        %mul3A_391 = arith.mulf %gather3A_389, %gather3A_390 : vector<16xf32>
        %add3A_392 = arith.addf %add3A_352, %mul3A_391 : vector<16xf32>
        %add3A_393 = arith.constant 7 : i32
        %add3A_394 = vector.broadcast %add3A_393 : i32 to vector<16xi32>
        %add3A_395 = arith.addi %scan3A_327, %add3A_394 : vector<16xi32>
        %and3A_396 = arith.constant 127 : i32
        %and3A_397 = vector.broadcast %and3A_396 : i32 to vector<16xi32>
        %and3A_398 = arith.andi %add3A_395, %and3A_397 : vector<16xi32>
        %gather3A_399 = tpu.vector_load_idx %arg9[%add3A_162, %and3A_398] : memref<80x128xf32, #tpu.memory_space<vmem>>[vector<16xi32>, vector<16xi32>], vector<16xf32>,
        %gather3A_400 = tpu.vector_load_idx %arg10[%add3A_162, %and3A_398] : memref<80x128xf32, #tpu.memory_space<vmem>>[vector<16xi32>, vector<16xi32>], vector<16xf32>,
        %mul3A_401 = arith.mulf %gather3A_399, %gather3A_400 : vector<16xf32>
        %add3A_402 = arith.addf %add3A_362, %mul3A_401 : vector<16xf32>
        %add3A_403 = arith.constant 8 : i32
        %add3A_404 = vector.broadcast %add3A_403 : i32 to vector<16xi32>
        %add3A_405 = arith.addi %scan3A_327, %add3A_404 : vector<16xi32>
        scf.yield %add3A_372, %add3A_382, %add3A_392, %add3A_402, %add3A_405 : vector<16xf32>, vector<16xf32>, vector<16xf32>, vector<16xf32>, vector<16xi32>
      }
      %scan3A_168 = arith.constant 16 : i32
      %add3A_169 = arith.addf %scan3A_167#0, %scan3A_167#1 : vector<16xf32>
      %add3A_170 = arith.addf %scan3A_167#2, %scan3A_167#3 : vector<16xf32>
      %add3A_171 = arith.addf %add3A_169, %add3A_170 : vector<16xf32>
      %swap3A_172 = arith.constant 16 : index
      %swap3A_173 = tpu.vector_load %arg13[%swap3A_172] {strides = array<i32>} : memref<80xf32, #tpu.memory_space<vmem>>, vector<16xf32>,
      tpu.vector_store %arg13[%swap3A_172], %add3A_171 {strides = array<i32>} : memref<80xf32, #tpu.memory_space<vmem>>, vector<16xf32>,
      %add3A_174 = arith.constant 32 : i32
      %add3A_175 = vector.broadcast %add3A_174 : i32 to vector<16xi32>
      %add3A_176 = arith.addi %add3A_175, %iota3A : vector<16xi32>
      %scan3A_177 = arith.constant 0 : i32
      %scan3A_178 = arith.constant 16 : i32
      %scan3A_179 = arith.addi %scan3A_177, %scan3A_178 : i32
      %scan3A_180 = arith.constant 1 : i32
      %scan3A_181:5 = scf.for %scan3A_322 = %scan3A_177 to %scan3A_179 step %scan3A_180 iter_args(%scan3A_323 = %broadcast_in_dim3A_3, %scan3A_324 = %broadcast_in_dim3A_3, %scan3A_325 = %broadcast_in_dim3A_3, %scan3A_326 = %broadcast_in_dim3A_3, %scan3A_327 = %iota3A) -> (vector<16xf32>, vector<16xf32>, vector<16xf32>, vector<16xf32>, vector<16xi32>)  : i32 {
        %and3A = arith.constant 127 : i32
        %and3A_328 = vector.broadcast %and3A : i32 to vector<16xi32>
        %and3A_329 = arith.andi %scan3A_327, %and3A_328 : vector<16xi32>
        %gather3A = tpu.vector_load_idx %arg9[%add3A_176, %and3A_329] : memref<80x128xf32, #tpu.memory_space<vmem>>[vector<16xi32>, vector<16xi32>], vector<16xf32>,
        %gather3A_330 = tpu.vector_load_idx %arg10[%add3A_176, %and3A_329] : memref<80x128xf32, #tpu.memory_space<vmem>>[vector<16xi32>, vector<16xi32>], vector<16xf32>,
        %mul3A_331 = arith.mulf %gather3A, %gather3A_330 : vector<16xf32>
        %add3A_332 = arith.addf %scan3A_323, %mul3A_331 : vector<16xf32>
        %add3A_333 = arith.constant 1 : i32
        %add3A_334 = vector.broadcast %add3A_333 : i32 to vector<16xi32>
        %add3A_335 = arith.addi %scan3A_327, %add3A_334 : vector<16xi32>
        %and3A_336 = arith.constant 127 : i32
        %and3A_337 = vector.broadcast %and3A_336 : i32 to vector<16xi32>
        %and3A_338 = arith.andi %add3A_335, %and3A_337 : vector<16xi32>
        %gather3A_339 = tpu.vector_load_idx %arg9[%add3A_176, %and3A_338] : memref<80x128xf32, #tpu.memory_space<vmem>>[vector<16xi32>, vector<16xi32>], vector<16xf32>,
        %gather3A_340 = tpu.vector_load_idx %arg10[%add3A_176, %and3A_338] : memref<80x128xf32, #tpu.memory_space<vmem>>[vector<16xi32>, vector<16xi32>], vector<16xf32>,
        %mul3A_341 = arith.mulf %gather3A_339, %gather3A_340 : vector<16xf32>
        %add3A_342 = arith.addf %scan3A_324, %mul3A_341 : vector<16xf32>
        %add3A_343 = arith.constant 2 : i32
        %add3A_344 = vector.broadcast %add3A_343 : i32 to vector<16xi32>
        %add3A_345 = arith.addi %scan3A_327, %add3A_344 : vector<16xi32>
        %and3A_346 = arith.constant 127 : i32
        %and3A_347 = vector.broadcast %and3A_346 : i32 to vector<16xi32>
        %and3A_348 = arith.andi %add3A_345, %and3A_347 : vector<16xi32>
        %gather3A_349 = tpu.vector_load_idx %arg9[%add3A_176, %and3A_348] : memref<80x128xf32, #tpu.memory_space<vmem>>[vector<16xi32>, vector<16xi32>], vector<16xf32>,
        %gather3A_350 = tpu.vector_load_idx %arg10[%add3A_176, %and3A_348] : memref<80x128xf32, #tpu.memory_space<vmem>>[vector<16xi32>, vector<16xi32>], vector<16xf32>,
        %mul3A_351 = arith.mulf %gather3A_349, %gather3A_350 : vector<16xf32>
        %add3A_352 = arith.addf %scan3A_325, %mul3A_351 : vector<16xf32>
        %add3A_353 = arith.constant 3 : i32
        %add3A_354 = vector.broadcast %add3A_353 : i32 to vector<16xi32>
        %add3A_355 = arith.addi %scan3A_327, %add3A_354 : vector<16xi32>
        %and3A_356 = arith.constant 127 : i32
        %and3A_357 = vector.broadcast %and3A_356 : i32 to vector<16xi32>
        %and3A_358 = arith.andi %add3A_355, %and3A_357 : vector<16xi32>
        %gather3A_359 = tpu.vector_load_idx %arg9[%add3A_176, %and3A_358] : memref<80x128xf32, #tpu.memory_space<vmem>>[vector<16xi32>, vector<16xi32>], vector<16xf32>,
        %gather3A_360 = tpu.vector_load_idx %arg10[%add3A_176, %and3A_358] : memref<80x128xf32, #tpu.memory_space<vmem>>[vector<16xi32>, vector<16xi32>], vector<16xf32>,
        %mul3A_361 = arith.mulf %gather3A_359, %gather3A_360 : vector<16xf32>
        %add3A_362 = arith.addf %scan3A_326, %mul3A_361 : vector<16xf32>
        %add3A_363 = arith.constant 4 : i32
        %add3A_364 = vector.broadcast %add3A_363 : i32 to vector<16xi32>
        %add3A_365 = arith.addi %scan3A_327, %add3A_364 : vector<16xi32>
        %and3A_366 = arith.constant 127 : i32
        %and3A_367 = vector.broadcast %and3A_366 : i32 to vector<16xi32>
        %and3A_368 = arith.andi %add3A_365, %and3A_367 : vector<16xi32>
        %gather3A_369 = tpu.vector_load_idx %arg9[%add3A_176, %and3A_368] : memref<80x128xf32, #tpu.memory_space<vmem>>[vector<16xi32>, vector<16xi32>], vector<16xf32>,
        %gather3A_370 = tpu.vector_load_idx %arg10[%add3A_176, %and3A_368] : memref<80x128xf32, #tpu.memory_space<vmem>>[vector<16xi32>, vector<16xi32>], vector<16xf32>,
        %mul3A_371 = arith.mulf %gather3A_369, %gather3A_370 : vector<16xf32>
        %add3A_372 = arith.addf %add3A_332, %mul3A_371 : vector<16xf32>
        %add3A_373 = arith.constant 5 : i32
        %add3A_374 = vector.broadcast %add3A_373 : i32 to vector<16xi32>
        %add3A_375 = arith.addi %scan3A_327, %add3A_374 : vector<16xi32>
        %and3A_376 = arith.constant 127 : i32
        %and3A_377 = vector.broadcast %and3A_376 : i32 to vector<16xi32>
        %and3A_378 = arith.andi %add3A_375, %and3A_377 : vector<16xi32>
        %gather3A_379 = tpu.vector_load_idx %arg9[%add3A_176, %and3A_378] : memref<80x128xf32, #tpu.memory_space<vmem>>[vector<16xi32>, vector<16xi32>], vector<16xf32>,
        %gather3A_380 = tpu.vector_load_idx %arg10[%add3A_176, %and3A_378] : memref<80x128xf32, #tpu.memory_space<vmem>>[vector<16xi32>, vector<16xi32>], vector<16xf32>,
        %mul3A_381 = arith.mulf %gather3A_379, %gather3A_380 : vector<16xf32>
        %add3A_382 = arith.addf %add3A_342, %mul3A_381 : vector<16xf32>
        %add3A_383 = arith.constant 6 : i32
        %add3A_384 = vector.broadcast %add3A_383 : i32 to vector<16xi32>
        %add3A_385 = arith.addi %scan3A_327, %add3A_384 : vector<16xi32>
        %and3A_386 = arith.constant 127 : i32
        %and3A_387 = vector.broadcast %and3A_386 : i32 to vector<16xi32>
        %and3A_388 = arith.andi %add3A_385, %and3A_387 : vector<16xi32>
        %gather3A_389 = tpu.vector_load_idx %arg9[%add3A_176, %and3A_388] : memref<80x128xf32, #tpu.memory_space<vmem>>[vector<16xi32>, vector<16xi32>], vector<16xf32>,
        %gather3A_390 = tpu.vector_load_idx %arg10[%add3A_176, %and3A_388] : memref<80x128xf32, #tpu.memory_space<vmem>>[vector<16xi32>, vector<16xi32>], vector<16xf32>,
        %mul3A_391 = arith.mulf %gather3A_389, %gather3A_390 : vector<16xf32>
        %add3A_392 = arith.addf %add3A_352, %mul3A_391 : vector<16xf32>
        %add3A_393 = arith.constant 7 : i32
        %add3A_394 = vector.broadcast %add3A_393 : i32 to vector<16xi32>
        %add3A_395 = arith.addi %scan3A_327, %add3A_394 : vector<16xi32>
        %and3A_396 = arith.constant 127 : i32
        %and3A_397 = vector.broadcast %and3A_396 : i32 to vector<16xi32>
        %and3A_398 = arith.andi %add3A_395, %and3A_397 : vector<16xi32>
        %gather3A_399 = tpu.vector_load_idx %arg9[%add3A_176, %and3A_398] : memref<80x128xf32, #tpu.memory_space<vmem>>[vector<16xi32>, vector<16xi32>], vector<16xf32>,
        %gather3A_400 = tpu.vector_load_idx %arg10[%add3A_176, %and3A_398] : memref<80x128xf32, #tpu.memory_space<vmem>>[vector<16xi32>, vector<16xi32>], vector<16xf32>,
        %mul3A_401 = arith.mulf %gather3A_399, %gather3A_400 : vector<16xf32>
        %add3A_402 = arith.addf %add3A_362, %mul3A_401 : vector<16xf32>
        %add3A_403 = arith.constant 8 : i32
        %add3A_404 = vector.broadcast %add3A_403 : i32 to vector<16xi32>
        %add3A_405 = arith.addi %scan3A_327, %add3A_404 : vector<16xi32>
        scf.yield %add3A_372, %add3A_382, %add3A_392, %add3A_402, %add3A_405 : vector<16xf32>, vector<16xf32>, vector<16xf32>, vector<16xf32>, vector<16xi32>
      }
      %scan3A_182 = arith.constant 16 : i32
      %add3A_183 = arith.addf %scan3A_181#0, %scan3A_181#1 : vector<16xf32>
      %add3A_184 = arith.addf %scan3A_181#2, %scan3A_181#3 : vector<16xf32>
      %add3A_185 = arith.addf %add3A_183, %add3A_184 : vector<16xf32>
      %swap3A_186 = arith.constant 32 : index
      %swap3A_187 = tpu.vector_load %arg13[%swap3A_186] {strides = array<i32>} : memref<80xf32, #tpu.memory_space<vmem>>, vector<16xf32>,
      tpu.vector_store %arg13[%swap3A_186], %add3A_185 {strides = array<i32>} : memref<80xf32, #tpu.memory_space<vmem>>, vector<16xf32>,
      %add3A_188 = arith.constant 48 : i32
      %add3A_189 = vector.broadcast %add3A_188 : i32 to vector<16xi32>
      %add3A_190 = arith.addi %add3A_189, %iota3A : vector<16xi32>
      %scan3A_191 = arith.constant 0 : i32
      %scan3A_192 = arith.constant 16 : i32
      %scan3A_193 = arith.addi %scan3A_191, %scan3A_192 : i32
      %scan3A_194 = arith.constant 1 : i32
      %scan3A_195:5 = scf.for %scan3A_322 = %scan3A_191 to %scan3A_193 step %scan3A_194 iter_args(%scan3A_323 = %broadcast_in_dim3A_3, %scan3A_324 = %broadcast_in_dim3A_3, %scan3A_325 = %broadcast_in_dim3A_3, %scan3A_326 = %broadcast_in_dim3A_3, %scan3A_327 = %iota3A) -> (vector<16xf32>, vector<16xf32>, vector<16xf32>, vector<16xf32>, vector<16xi32>)  : i32 {
        %and3A = arith.constant 127 : i32
        %and3A_328 = vector.broadcast %and3A : i32 to vector<16xi32>
        %and3A_329 = arith.andi %scan3A_327, %and3A_328 : vector<16xi32>
        %gather3A = tpu.vector_load_idx %arg9[%add3A_190, %and3A_329] : memref<80x128xf32, #tpu.memory_space<vmem>>[vector<16xi32>, vector<16xi32>], vector<16xf32>,
        %gather3A_330 = tpu.vector_load_idx %arg10[%add3A_190, %and3A_329] : memref<80x128xf32, #tpu.memory_space<vmem>>[vector<16xi32>, vector<16xi32>], vector<16xf32>,
        %mul3A_331 = arith.mulf %gather3A, %gather3A_330 : vector<16xf32>
        %add3A_332 = arith.addf %scan3A_323, %mul3A_331 : vector<16xf32>
        %add3A_333 = arith.constant 1 : i32
        %add3A_334 = vector.broadcast %add3A_333 : i32 to vector<16xi32>
        %add3A_335 = arith.addi %scan3A_327, %add3A_334 : vector<16xi32>
        %and3A_336 = arith.constant 127 : i32
        %and3A_337 = vector.broadcast %and3A_336 : i32 to vector<16xi32>
        %and3A_338 = arith.andi %add3A_335, %and3A_337 : vector<16xi32>
        %gather3A_339 = tpu.vector_load_idx %arg9[%add3A_190, %and3A_338] : memref<80x128xf32, #tpu.memory_space<vmem>>[vector<16xi32>, vector<16xi32>], vector<16xf32>,
        %gather3A_340 = tpu.vector_load_idx %arg10[%add3A_190, %and3A_338] : memref<80x128xf32, #tpu.memory_space<vmem>>[vector<16xi32>, vector<16xi32>], vector<16xf32>,
        %mul3A_341 = arith.mulf %gather3A_339, %gather3A_340 : vector<16xf32>
        %add3A_342 = arith.addf %scan3A_324, %mul3A_341 : vector<16xf32>
        %add3A_343 = arith.constant 2 : i32
        %add3A_344 = vector.broadcast %add3A_343 : i32 to vector<16xi32>
        %add3A_345 = arith.addi %scan3A_327, %add3A_344 : vector<16xi32>
        %and3A_346 = arith.constant 127 : i32
        %and3A_347 = vector.broadcast %and3A_346 : i32 to vector<16xi32>
        %and3A_348 = arith.andi %add3A_345, %and3A_347 : vector<16xi32>
        %gather3A_349 = tpu.vector_load_idx %arg9[%add3A_190, %and3A_348] : memref<80x128xf32, #tpu.memory_space<vmem>>[vector<16xi32>, vector<16xi32>], vector<16xf32>,
        %gather3A_350 = tpu.vector_load_idx %arg10[%add3A_190, %and3A_348] : memref<80x128xf32, #tpu.memory_space<vmem>>[vector<16xi32>, vector<16xi32>], vector<16xf32>,
        %mul3A_351 = arith.mulf %gather3A_349, %gather3A_350 : vector<16xf32>
        %add3A_352 = arith.addf %scan3A_325, %mul3A_351 : vector<16xf32>
        %add3A_353 = arith.constant 3 : i32
        %add3A_354 = vector.broadcast %add3A_353 : i32 to vector<16xi32>
        %add3A_355 = arith.addi %scan3A_327, %add3A_354 : vector<16xi32>
        %and3A_356 = arith.constant 127 : i32
        %and3A_357 = vector.broadcast %and3A_356 : i32 to vector<16xi32>
        %and3A_358 = arith.andi %add3A_355, %and3A_357 : vector<16xi32>
        %gather3A_359 = tpu.vector_load_idx %arg9[%add3A_190, %and3A_358] : memref<80x128xf32, #tpu.memory_space<vmem>>[vector<16xi32>, vector<16xi32>], vector<16xf32>,
        %gather3A_360 = tpu.vector_load_idx %arg10[%add3A_190, %and3A_358] : memref<80x128xf32, #tpu.memory_space<vmem>>[vector<16xi32>, vector<16xi32>], vector<16xf32>,
        %mul3A_361 = arith.mulf %gather3A_359, %gather3A_360 : vector<16xf32>
        %add3A_362 = arith.addf %scan3A_326, %mul3A_361 : vector<16xf32>
        %add3A_363 = arith.constant 4 : i32
        %add3A_364 = vector.broadcast %add3A_363 : i32 to vector<16xi32>
        %add3A_365 = arith.addi %scan3A_327, %add3A_364 : vector<16xi32>
        %and3A_366 = arith.constant 127 : i32
        %and3A_367 = vector.broadcast %and3A_366 : i32 to vector<16xi32>
        %and3A_368 = arith.andi %add3A_365, %and3A_367 : vector<16xi32>
        %gather3A_369 = tpu.vector_load_idx %arg9[%add3A_190, %and3A_368] : memref<80x128xf32, #tpu.memory_space<vmem>>[vector<16xi32>, vector<16xi32>], vector<16xf32>,
        %gather3A_370 = tpu.vector_load_idx %arg10[%add3A_190, %and3A_368] : memref<80x128xf32, #tpu.memory_space<vmem>>[vector<16xi32>, vector<16xi32>], vector<16xf32>,
        %mul3A_371 = arith.mulf %gather3A_369, %gather3A_370 : vector<16xf32>
        %add3A_372 = arith.addf %add3A_332, %mul3A_371 : vector<16xf32>
        %add3A_373 = arith.constant 5 : i32
        %add3A_374 = vector.broadcast %add3A_373 : i32 to vector<16xi32>
        %add3A_375 = arith.addi %scan3A_327, %add3A_374 : vector<16xi32>
        %and3A_376 = arith.constant 127 : i32
        %and3A_377 = vector.broadcast %and3A_376 : i32 to vector<16xi32>
        %and3A_378 = arith.andi %add3A_375, %and3A_377 : vector<16xi32>
        %gather3A_379 = tpu.vector_load_idx %arg9[%add3A_190, %and3A_378] : memref<80x128xf32, #tpu.memory_space<vmem>>[vector<16xi32>, vector<16xi32>], vector<16xf32>,
        %gather3A_380 = tpu.vector_load_idx %arg10[%add3A_190, %and3A_378] : memref<80x128xf32, #tpu.memory_space<vmem>>[vector<16xi32>, vector<16xi32>], vector<16xf32>,
        %mul3A_381 = arith.mulf %gather3A_379, %gather3A_380 : vector<16xf32>
        %add3A_382 = arith.addf %add3A_342, %mul3A_381 : vector<16xf32>
        %add3A_383 = arith.constant 6 : i32
        %add3A_384 = vector.broadcast %add3A_383 : i32 to vector<16xi32>
        %add3A_385 = arith.addi %scan3A_327, %add3A_384 : vector<16xi32>
        %and3A_386 = arith.constant 127 : i32
        %and3A_387 = vector.broadcast %and3A_386 : i32 to vector<16xi32>
        %and3A_388 = arith.andi %add3A_385, %and3A_387 : vector<16xi32>
        %gather3A_389 = tpu.vector_load_idx %arg9[%add3A_190, %and3A_388] : memref<80x128xf32, #tpu.memory_space<vmem>>[vector<16xi32>, vector<16xi32>], vector<16xf32>,
        %gather3A_390 = tpu.vector_load_idx %arg10[%add3A_190, %and3A_388] : memref<80x128xf32, #tpu.memory_space<vmem>>[vector<16xi32>, vector<16xi32>], vector<16xf32>,
        %mul3A_391 = arith.mulf %gather3A_389, %gather3A_390 : vector<16xf32>
        %add3A_392 = arith.addf %add3A_352, %mul3A_391 : vector<16xf32>
        %add3A_393 = arith.constant 7 : i32
        %add3A_394 = vector.broadcast %add3A_393 : i32 to vector<16xi32>
        %add3A_395 = arith.addi %scan3A_327, %add3A_394 : vector<16xi32>
        %and3A_396 = arith.constant 127 : i32
        %and3A_397 = vector.broadcast %and3A_396 : i32 to vector<16xi32>
        %and3A_398 = arith.andi %add3A_395, %and3A_397 : vector<16xi32>
        %gather3A_399 = tpu.vector_load_idx %arg9[%add3A_190, %and3A_398] : memref<80x128xf32, #tpu.memory_space<vmem>>[vector<16xi32>, vector<16xi32>], vector<16xf32>,
        %gather3A_400 = tpu.vector_load_idx %arg10[%add3A_190, %and3A_398] : memref<80x128xf32, #tpu.memory_space<vmem>>[vector<16xi32>, vector<16xi32>], vector<16xf32>,
        %mul3A_401 = arith.mulf %gather3A_399, %gather3A_400 : vector<16xf32>
        %add3A_402 = arith.addf %add3A_362, %mul3A_401 : vector<16xf32>
        %add3A_403 = arith.constant 8 : i32
        %add3A_404 = vector.broadcast %add3A_403 : i32 to vector<16xi32>
        %add3A_405 = arith.addi %scan3A_327, %add3A_404 : vector<16xi32>
        scf.yield %add3A_372, %add3A_382, %add3A_392, %add3A_402, %add3A_405 : vector<16xf32>, vector<16xf32>, vector<16xf32>, vector<16xf32>, vector<16xi32>
      }
      %scan3A_196 = arith.constant 16 : i32
      %add3A_197 = arith.addf %scan3A_195#0, %scan3A_195#1 : vector<16xf32>
      %add3A_198 = arith.addf %scan3A_195#2, %scan3A_195#3 : vector<16xf32>
      %add3A_199 = arith.addf %add3A_197, %add3A_198 : vector<16xf32>
      %swap3A_200 = arith.constant 48 : index
      %swap3A_201 = tpu.vector_load %arg13[%swap3A_200] {strides = array<i32>} : memref<80xf32, #tpu.memory_space<vmem>>, vector<16xf32>,
      tpu.vector_store %arg13[%swap3A_200], %add3A_199 {strides = array<i32>} : memref<80xf32, #tpu.memory_space<vmem>>, vector<16xf32>,
      %add3A_202 = arith.constant 64 : i32
      %add3A_203 = vector.broadcast %add3A_202 : i32 to vector<16xi32>
      %add3A_204 = arith.addi %add3A_203, %iota3A : vector<16xi32>
      %scan3A_205 = arith.constant 0 : i32
      %scan3A_206 = arith.constant 16 : i32
      %scan3A_207 = arith.addi %scan3A_205, %scan3A_206 : i32
      %scan3A_208 = arith.constant 1 : i32
      %scan3A_209:5 = scf.for %scan3A_322 = %scan3A_205 to %scan3A_207 step %scan3A_208 iter_args(%scan3A_323 = %broadcast_in_dim3A_3, %scan3A_324 = %broadcast_in_dim3A_3, %scan3A_325 = %broadcast_in_dim3A_3, %scan3A_326 = %broadcast_in_dim3A_3, %scan3A_327 = %iota3A) -> (vector<16xf32>, vector<16xf32>, vector<16xf32>, vector<16xf32>, vector<16xi32>)  : i32 {
        %and3A = arith.constant 127 : i32
        %and3A_328 = vector.broadcast %and3A : i32 to vector<16xi32>
        %and3A_329 = arith.andi %scan3A_327, %and3A_328 : vector<16xi32>
        %gather3A = tpu.vector_load_idx %arg9[%add3A_204, %and3A_329] : memref<80x128xf32, #tpu.memory_space<vmem>>[vector<16xi32>, vector<16xi32>], vector<16xf32>,
        %gather3A_330 = tpu.vector_load_idx %arg10[%add3A_204, %and3A_329] : memref<80x128xf32, #tpu.memory_space<vmem>>[vector<16xi32>, vector<16xi32>], vector<16xf32>,
        %mul3A_331 = arith.mulf %gather3A, %gather3A_330 : vector<16xf32>
        %add3A_332 = arith.addf %scan3A_323, %mul3A_331 : vector<16xf32>
        %add3A_333 = arith.constant 1 : i32
        %add3A_334 = vector.broadcast %add3A_333 : i32 to vector<16xi32>
        %add3A_335 = arith.addi %scan3A_327, %add3A_334 : vector<16xi32>
        %and3A_336 = arith.constant 127 : i32
        %and3A_337 = vector.broadcast %and3A_336 : i32 to vector<16xi32>
        %and3A_338 = arith.andi %add3A_335, %and3A_337 : vector<16xi32>
        %gather3A_339 = tpu.vector_load_idx %arg9[%add3A_204, %and3A_338] : memref<80x128xf32, #tpu.memory_space<vmem>>[vector<16xi32>, vector<16xi32>], vector<16xf32>,
        %gather3A_340 = tpu.vector_load_idx %arg10[%add3A_204, %and3A_338] : memref<80x128xf32, #tpu.memory_space<vmem>>[vector<16xi32>, vector<16xi32>], vector<16xf32>,
        %mul3A_341 = arith.mulf %gather3A_339, %gather3A_340 : vector<16xf32>
        %add3A_342 = arith.addf %scan3A_324, %mul3A_341 : vector<16xf32>
        %add3A_343 = arith.constant 2 : i32
        %add3A_344 = vector.broadcast %add3A_343 : i32 to vector<16xi32>
        %add3A_345 = arith.addi %scan3A_327, %add3A_344 : vector<16xi32>
        %and3A_346 = arith.constant 127 : i32
        %and3A_347 = vector.broadcast %and3A_346 : i32 to vector<16xi32>
        %and3A_348 = arith.andi %add3A_345, %and3A_347 : vector<16xi32>
        %gather3A_349 = tpu.vector_load_idx %arg9[%add3A_204, %and3A_348] : memref<80x128xf32, #tpu.memory_space<vmem>>[vector<16xi32>, vector<16xi32>], vector<16xf32>,
        %gather3A_350 = tpu.vector_load_idx %arg10[%add3A_204, %and3A_348] : memref<80x128xf32, #tpu.memory_space<vmem>>[vector<16xi32>, vector<16xi32>], vector<16xf32>,
        %mul3A_351 = arith.mulf %gather3A_349, %gather3A_350 : vector<16xf32>
        %add3A_352 = arith.addf %scan3A_325, %mul3A_351 : vector<16xf32>
        %add3A_353 = arith.constant 3 : i32
        %add3A_354 = vector.broadcast %add3A_353 : i32 to vector<16xi32>
        %add3A_355 = arith.addi %scan3A_327, %add3A_354 : vector<16xi32>
        %and3A_356 = arith.constant 127 : i32
        %and3A_357 = vector.broadcast %and3A_356 : i32 to vector<16xi32>
        %and3A_358 = arith.andi %add3A_355, %and3A_357 : vector<16xi32>
        %gather3A_359 = tpu.vector_load_idx %arg9[%add3A_204, %and3A_358] : memref<80x128xf32, #tpu.memory_space<vmem>>[vector<16xi32>, vector<16xi32>], vector<16xf32>,
        %gather3A_360 = tpu.vector_load_idx %arg10[%add3A_204, %and3A_358] : memref<80x128xf32, #tpu.memory_space<vmem>>[vector<16xi32>, vector<16xi32>], vector<16xf32>,
        %mul3A_361 = arith.mulf %gather3A_359, %gather3A_360 : vector<16xf32>
        %add3A_362 = arith.addf %scan3A_326, %mul3A_361 : vector<16xf32>
        %add3A_363 = arith.constant 4 : i32
        %add3A_364 = vector.broadcast %add3A_363 : i32 to vector<16xi32>
        %add3A_365 = arith.addi %scan3A_327, %add3A_364 : vector<16xi32>
        %and3A_366 = arith.constant 127 : i32
        %and3A_367 = vector.broadcast %and3A_366 : i32 to vector<16xi32>
        %and3A_368 = arith.andi %add3A_365, %and3A_367 : vector<16xi32>
        %gather3A_369 = tpu.vector_load_idx %arg9[%add3A_204, %and3A_368] : memref<80x128xf32, #tpu.memory_space<vmem>>[vector<16xi32>, vector<16xi32>], vector<16xf32>,
        %gather3A_370 = tpu.vector_load_idx %arg10[%add3A_204, %and3A_368] : memref<80x128xf32, #tpu.memory_space<vmem>>[vector<16xi32>, vector<16xi32>], vector<16xf32>,
        %mul3A_371 = arith.mulf %gather3A_369, %gather3A_370 : vector<16xf32>
        %add3A_372 = arith.addf %add3A_332, %mul3A_371 : vector<16xf32>
        %add3A_373 = arith.constant 5 : i32
        %add3A_374 = vector.broadcast %add3A_373 : i32 to vector<16xi32>
        %add3A_375 = arith.addi %scan3A_327, %add3A_374 : vector<16xi32>
        %and3A_376 = arith.constant 127 : i32
        %and3A_377 = vector.broadcast %and3A_376 : i32 to vector<16xi32>
        %and3A_378 = arith.andi %add3A_375, %and3A_377 : vector<16xi32>
        %gather3A_379 = tpu.vector_load_idx %arg9[%add3A_204, %and3A_378] : memref<80x128xf32, #tpu.memory_space<vmem>>[vector<16xi32>, vector<16xi32>], vector<16xf32>,
        %gather3A_380 = tpu.vector_load_idx %arg10[%add3A_204, %and3A_378] : memref<80x128xf32, #tpu.memory_space<vmem>>[vector<16xi32>, vector<16xi32>], vector<16xf32>,
        %mul3A_381 = arith.mulf %gather3A_379, %gather3A_380 : vector<16xf32>
        %add3A_382 = arith.addf %add3A_342, %mul3A_381 : vector<16xf32>
        %add3A_383 = arith.constant 6 : i32
        %add3A_384 = vector.broadcast %add3A_383 : i32 to vector<16xi32>
        %add3A_385 = arith.addi %scan3A_327, %add3A_384 : vector<16xi32>
        %and3A_386 = arith.constant 127 : i32
        %and3A_387 = vector.broadcast %and3A_386 : i32 to vector<16xi32>
        %and3A_388 = arith.andi %add3A_385, %and3A_387 : vector<16xi32>
        %gather3A_389 = tpu.vector_load_idx %arg9[%add3A_204, %and3A_388] : memref<80x128xf32, #tpu.memory_space<vmem>>[vector<16xi32>, vector<16xi32>], vector<16xf32>,
        %gather3A_390 = tpu.vector_load_idx %arg10[%add3A_204, %and3A_388] : memref<80x128xf32, #tpu.memory_space<vmem>>[vector<16xi32>, vector<16xi32>], vector<16xf32>,
        %mul3A_391 = arith.mulf %gather3A_389, %gather3A_390 : vector<16xf32>
        %add3A_392 = arith.addf %add3A_352, %mul3A_391 : vector<16xf32>
        %add3A_393 = arith.constant 7 : i32
        %add3A_394 = vector.broadcast %add3A_393 : i32 to vector<16xi32>
        %add3A_395 = arith.addi %scan3A_327, %add3A_394 : vector<16xi32>
        %and3A_396 = arith.constant 127 : i32
        %and3A_397 = vector.broadcast %and3A_396 : i32 to vector<16xi32>
        %and3A_398 = arith.andi %add3A_395, %and3A_397 : vector<16xi32>
        %gather3A_399 = tpu.vector_load_idx %arg9[%add3A_204, %and3A_398] : memref<80x128xf32, #tpu.memory_space<vmem>>[vector<16xi32>, vector<16xi32>], vector<16xf32>,
        %gather3A_400 = tpu.vector_load_idx %arg10[%add3A_204, %and3A_398] : memref<80x128xf32, #tpu.memory_space<vmem>>[vector<16xi32>, vector<16xi32>], vector<16xf32>,
        %mul3A_401 = arith.mulf %gather3A_399, %gather3A_400 : vector<16xf32>
        %add3A_402 = arith.addf %add3A_362, %mul3A_401 : vector<16xf32>
        %add3A_403 = arith.constant 8 : i32
        %add3A_404 = vector.broadcast %add3A_403 : i32 to vector<16xi32>
        %add3A_405 = arith.addi %scan3A_327, %add3A_404 : vector<16xi32>
        scf.yield %add3A_372, %add3A_382, %add3A_392, %add3A_402, %add3A_405 : vector<16xf32>, vector<16xf32>, vector<16xf32>, vector<16xf32>, vector<16xi32>
      }
      %scan3A_210 = arith.constant 16 : i32
      %add3A_211 = arith.addf %scan3A_209#0, %scan3A_209#1 : vector<16xf32>
      %add3A_212 = arith.addf %scan3A_209#2, %scan3A_209#3 : vector<16xf32>
      %add3A_213 = arith.addf %add3A_211, %add3A_212 : vector<16xf32>
      %swap3A_214 = arith.constant 64 : index
      %swap3A_215 = tpu.vector_load %arg13[%swap3A_214] {strides = array<i32>} : memref<80xf32, #tpu.memory_space<vmem>>, vector<16xf32>,
      tpu.vector_store %arg13[%swap3A_214], %add3A_213 {strides = array<i32>} : memref<80xf32, #tpu.memory_space<vmem>>, vector<16xf32>,
      %add3A_216 = arith.addi %mul3A_2, %mul3A_143 : i32
      %dma_start3A_217 = tpu.memref_slice %arg6[%add3A_216] : memref<320000xf32, #tpu.memory_space<hbm>> -> memref<80xf32, #tpu.memory_space<hbm>>
      %dma_start3A_218 = tpu.memref_slice %arg6[%add3A_216] : memref<320000xf32, #tpu.memory_space<hbm>> -> memref<80xf32, #tpu.memory_space<hbm>>
      tpu.enqueue_dma source(%arg13 : memref<80xf32, #tpu.memory_space<vmem>>) target(%dma_start3A_218 : memref<80xf32, #tpu.memory_space<hbm>>) target_semaphore(%arg17 : memref<!tpu.dma_semaphore, #tpu.memory_space<semaphore_mem>>)
      %add3A_219 = arith.constant 2 : i32
      %add3A_220 = arith.addi %add3A_117, %add3A_219 : i32
      %mul3A_221 = arith.constant 80 : i32
      %mul3A_222 = arith.muli %add3A_220, %mul3A_221 : i32
      %dma_start3A_223 = tpu.memref_slice %arg7[%mul3A_222] : memref<10000xi32, #tpu.memory_space<vmem>> -> memref<80xi32, #tpu.memory_space<vmem>>
      %dma_start3A_224 = arith.constant 0 : i32
      %dma_start3A_225 = arith.constant 0 : i32
      %dma_start3A_226 = tpu.memref_slice %arg2[%dma_start3A_224, %dma_start3A_225] : memref<10000x128xf32, #tpu.memory_space<hbm>> -> memref<10000x128xf32, #tpu.memory_space<hbm>>
      tpu.enqueue_indirect_dma source(%dma_start3A_226 : memref<10000x128xf32, #tpu.memory_space<hbm>>) target(%arg9 : memref<80x128xf32, #tpu.memory_space<vmem>>) offsets(%dma_start3A_223 : memref<80xi32, #tpu.memory_space<vmem>>) semaphore(%arg15 : memref<!tpu.dma_semaphore, #tpu.memory_space<semaphore_mem>>)
      %dma_start3A_227 = tpu.memref_slice %arg8[%mul3A_222] : memref<10000xi32, #tpu.memory_space<vmem>> -> memref<80xi32, #tpu.memory_space<vmem>>
      %dma_start3A_228 = arith.constant 0 : i32
      %dma_start3A_229 = arith.constant 0 : i32
      %dma_start3A_230 = tpu.memref_slice %arg3[%dma_start3A_228, %dma_start3A_229] : memref<10000x128xf32, #tpu.memory_space<hbm>> -> memref<10000x128xf32, #tpu.memory_space<hbm>>
      tpu.enqueue_indirect_dma source(%dma_start3A_230 : memref<10000x128xf32, #tpu.memory_space<hbm>>) target(%arg10 : memref<80x128xf32, #tpu.memory_space<vmem>>) offsets(%dma_start3A_227 : memref<80xi32, #tpu.memory_space<vmem>>) semaphore(%arg15 : memref<!tpu.dma_semaphore, #tpu.memory_space<semaphore_mem>>)
      %dma_wait3A_231 = arith.constant 0 : i32
      %dma_wait3A_232 = arith.constant 0 : i32
      %dma_wait3A_233 = tpu.memref_slice %arg2[%dma_wait3A_231, %dma_wait3A_232] : memref<10000x128xf32, #tpu.memory_space<hbm>> -> memref<80x128xf32, #tpu.memory_space<hbm>>
      %dma_wait3A_234 = arith.constant 0 : i32
      %dma_wait3A_235 = arith.constant 0 : i32
      %dma_wait3A_236 = tpu.memref_slice %arg2[%dma_wait3A_234, %dma_wait3A_235] : memref<10000x128xf32, #tpu.memory_space<hbm>> -> memref<80x128xf32, #tpu.memory_space<hbm>>
      tpu.wait_dma2 semaphore(%arg16 : memref<!tpu.dma_semaphore, #tpu.memory_space<semaphore_mem>>) src(%dma_wait3A_236 : memref<80x128xf32, #tpu.memory_space<hbm>>) dst(%arg11 : memref<80x128xf32, #tpu.memory_space<vmem>>)
      %dma_wait3A_237 = arith.constant 0 : i32
      %dma_wait3A_238 = arith.constant 0 : i32
      %dma_wait3A_239 = tpu.memref_slice %arg3[%dma_wait3A_237, %dma_wait3A_238] : memref<10000x128xf32, #tpu.memory_space<hbm>> -> memref<80x128xf32, #tpu.memory_space<hbm>>
      %dma_wait3A_240 = arith.constant 0 : i32
      %dma_wait3A_241 = arith.constant 0 : i32
      %dma_wait3A_242 = tpu.memref_slice %arg3[%dma_wait3A_240, %dma_wait3A_241] : memref<10000x128xf32, #tpu.memory_space<hbm>> -> memref<80x128xf32, #tpu.memory_space<hbm>>
      tpu.wait_dma2 semaphore(%arg16 : memref<!tpu.dma_semaphore, #tpu.memory_space<semaphore_mem>>) src(%dma_wait3A_242 : memref<80x128xf32, #tpu.memory_space<hbm>>) dst(%arg12 : memref<80x128xf32, #tpu.memory_space<vmem>>)
      %add3A_243 = arith.constant 1 : i32
      %add3A_244 = arith.addi %add3A_117, %add3A_243 : i32
      %mul3A_245 = arith.constant 80 : i32
      %mul3A_246 = arith.muli %add3A_244, %mul3A_245 : i32
      %dma_wait3A_247 = tpu.memref_slice %arg6[%mul3A_2] : memref<320000xf32, #tpu.memory_space<hbm>> -> memref<80xf32, #tpu.memory_space<hbm>>
      %dma_wait3A_248 = tpu.memref_slice %arg6[%mul3A_2] : memref<320000xf32, #tpu.memory_space<hbm>> -> memref<80xf32, #tpu.memory_space<hbm>>
      tpu.wait_dma2 semaphore(%arg18 : memref<!tpu.dma_semaphore, #tpu.memory_space<semaphore_mem>>) src(%dma_wait3A_248 : memref<80xf32, #tpu.memory_space<hbm>>) dst(%arg14 : memref<80xf32, #tpu.memory_space<vmem>>)
      %add3A_249 = arith.constant 0 : i32
      %add3A_250 = vector.broadcast %add3A_249 : i32 to vector<16xi32>
      %add3A_251 = arith.addi %add3A_250, %iota3A : vector<16xi32>
      %scan3A_252 = arith.constant 0 : i32
      %scan3A_253 = arith.constant 16 : i32
      %scan3A_254 = arith.addi %scan3A_252, %scan3A_253 : i32
      %scan3A_255 = arith.constant 1 : i32
      %scan3A_256:5 = scf.for %scan3A_322 = %scan3A_252 to %scan3A_254 step %scan3A_255 iter_args(%scan3A_323 = %broadcast_in_dim3A_3, %scan3A_324 = %broadcast_in_dim3A_3, %scan3A_325 = %broadcast_in_dim3A_3, %scan3A_326 = %broadcast_in_dim3A_3, %scan3A_327 = %iota3A) -> (vector<16xf32>, vector<16xf32>, vector<16xf32>, vector<16xf32>, vector<16xi32>)  : i32 {
        %and3A = arith.constant 127 : i32
        %and3A_328 = vector.broadcast %and3A : i32 to vector<16xi32>
        %and3A_329 = arith.andi %scan3A_327, %and3A_328 : vector<16xi32>
        %gather3A = tpu.vector_load_idx %arg11[%add3A_251, %and3A_329] : memref<80x128xf32, #tpu.memory_space<vmem>>[vector<16xi32>, vector<16xi32>], vector<16xf32>,
        %gather3A_330 = tpu.vector_load_idx %arg12[%add3A_251, %and3A_329] : memref<80x128xf32, #tpu.memory_space<vmem>>[vector<16xi32>, vector<16xi32>], vector<16xf32>,
        %mul3A_331 = arith.mulf %gather3A, %gather3A_330 : vector<16xf32>
        %add3A_332 = arith.addf %scan3A_323, %mul3A_331 : vector<16xf32>
        %add3A_333 = arith.constant 1 : i32
        %add3A_334 = vector.broadcast %add3A_333 : i32 to vector<16xi32>
        %add3A_335 = arith.addi %scan3A_327, %add3A_334 : vector<16xi32>
        %and3A_336 = arith.constant 127 : i32
        %and3A_337 = vector.broadcast %and3A_336 : i32 to vector<16xi32>
        %and3A_338 = arith.andi %add3A_335, %and3A_337 : vector<16xi32>
        %gather3A_339 = tpu.vector_load_idx %arg11[%add3A_251, %and3A_338] : memref<80x128xf32, #tpu.memory_space<vmem>>[vector<16xi32>, vector<16xi32>], vector<16xf32>,
        %gather3A_340 = tpu.vector_load_idx %arg12[%add3A_251, %and3A_338] : memref<80x128xf32, #tpu.memory_space<vmem>>[vector<16xi32>, vector<16xi32>], vector<16xf32>,
        %mul3A_341 = arith.mulf %gather3A_339, %gather3A_340 : vector<16xf32>
        %add3A_342 = arith.addf %scan3A_324, %mul3A_341 : vector<16xf32>
        %add3A_343 = arith.constant 2 : i32
        %add3A_344 = vector.broadcast %add3A_343 : i32 to vector<16xi32>
        %add3A_345 = arith.addi %scan3A_327, %add3A_344 : vector<16xi32>
        %and3A_346 = arith.constant 127 : i32
        %and3A_347 = vector.broadcast %and3A_346 : i32 to vector<16xi32>
        %and3A_348 = arith.andi %add3A_345, %and3A_347 : vector<16xi32>
        %gather3A_349 = tpu.vector_load_idx %arg11[%add3A_251, %and3A_348] : memref<80x128xf32, #tpu.memory_space<vmem>>[vector<16xi32>, vector<16xi32>], vector<16xf32>,
        %gather3A_350 = tpu.vector_load_idx %arg12[%add3A_251, %and3A_348] : memref<80x128xf32, #tpu.memory_space<vmem>>[vector<16xi32>, vector<16xi32>], vector<16xf32>,
        %mul3A_351 = arith.mulf %gather3A_349, %gather3A_350 : vector<16xf32>
        %add3A_352 = arith.addf %scan3A_325, %mul3A_351 : vector<16xf32>
        %add3A_353 = arith.constant 3 : i32
        %add3A_354 = vector.broadcast %add3A_353 : i32 to vector<16xi32>
        %add3A_355 = arith.addi %scan3A_327, %add3A_354 : vector<16xi32>
        %and3A_356 = arith.constant 127 : i32
        %and3A_357 = vector.broadcast %and3A_356 : i32 to vector<16xi32>
        %and3A_358 = arith.andi %add3A_355, %and3A_357 : vector<16xi32>
        %gather3A_359 = tpu.vector_load_idx %arg11[%add3A_251, %and3A_358] : memref<80x128xf32, #tpu.memory_space<vmem>>[vector<16xi32>, vector<16xi32>], vector<16xf32>,
        %gather3A_360 = tpu.vector_load_idx %arg12[%add3A_251, %and3A_358] : memref<80x128xf32, #tpu.memory_space<vmem>>[vector<16xi32>, vector<16xi32>], vector<16xf32>,
        %mul3A_361 = arith.mulf %gather3A_359, %gather3A_360 : vector<16xf32>
        %add3A_362 = arith.addf %scan3A_326, %mul3A_361 : vector<16xf32>
        %add3A_363 = arith.constant 4 : i32
        %add3A_364 = vector.broadcast %add3A_363 : i32 to vector<16xi32>
        %add3A_365 = arith.addi %scan3A_327, %add3A_364 : vector<16xi32>
        %and3A_366 = arith.constant 127 : i32
        %and3A_367 = vector.broadcast %and3A_366 : i32 to vector<16xi32>
        %and3A_368 = arith.andi %add3A_365, %and3A_367 : vector<16xi32>
        %gather3A_369 = tpu.vector_load_idx %arg11[%add3A_251, %and3A_368] : memref<80x128xf32, #tpu.memory_space<vmem>>[vector<16xi32>, vector<16xi32>], vector<16xf32>,
        %gather3A_370 = tpu.vector_load_idx %arg12[%add3A_251, %and3A_368] : memref<80x128xf32, #tpu.memory_space<vmem>>[vector<16xi32>, vector<16xi32>], vector<16xf32>,
        %mul3A_371 = arith.mulf %gather3A_369, %gather3A_370 : vector<16xf32>
        %add3A_372 = arith.addf %add3A_332, %mul3A_371 : vector<16xf32>
        %add3A_373 = arith.constant 5 : i32
        %add3A_374 = vector.broadcast %add3A_373 : i32 to vector<16xi32>
        %add3A_375 = arith.addi %scan3A_327, %add3A_374 : vector<16xi32>
        %and3A_376 = arith.constant 127 : i32
        %and3A_377 = vector.broadcast %and3A_376 : i32 to vector<16xi32>
        %and3A_378 = arith.andi %add3A_375, %and3A_377 : vector<16xi32>
        %gather3A_379 = tpu.vector_load_idx %arg11[%add3A_251, %and3A_378] : memref<80x128xf32, #tpu.memory_space<vmem>>[vector<16xi32>, vector<16xi32>], vector<16xf32>,
        %gather3A_380 = tpu.vector_load_idx %arg12[%add3A_251, %and3A_378] : memref<80x128xf32, #tpu.memory_space<vmem>>[vector<16xi32>, vector<16xi32>], vector<16xf32>,
        %mul3A_381 = arith.mulf %gather3A_379, %gather3A_380 : vector<16xf32>
        %add3A_382 = arith.addf %add3A_342, %mul3A_381 : vector<16xf32>
        %add3A_383 = arith.constant 6 : i32
        %add3A_384 = vector.broadcast %add3A_383 : i32 to vector<16xi32>
        %add3A_385 = arith.addi %scan3A_327, %add3A_384 : vector<16xi32>
        %and3A_386 = arith.constant 127 : i32
        %and3A_387 = vector.broadcast %and3A_386 : i32 to vector<16xi32>
        %and3A_388 = arith.andi %add3A_385, %and3A_387 : vector<16xi32>
        %gather3A_389 = tpu.vector_load_idx %arg11[%add3A_251, %and3A_388] : memref<80x128xf32, #tpu.memory_space<vmem>>[vector<16xi32>, vector<16xi32>], vector<16xf32>,
        %gather3A_390 = tpu.vector_load_idx %arg12[%add3A_251, %and3A_388] : memref<80x128xf32, #tpu.memory_space<vmem>>[vector<16xi32>, vector<16xi32>], vector<16xf32>,
        %mul3A_391 = arith.mulf %gather3A_389, %gather3A_390 : vector<16xf32>
        %add3A_392 = arith.addf %add3A_352, %mul3A_391 : vector<16xf32>
        %add3A_393 = arith.constant 7 : i32
        %add3A_394 = vector.broadcast %add3A_393 : i32 to vector<16xi32>
        %add3A_395 = arith.addi %scan3A_327, %add3A_394 : vector<16xi32>
        %and3A_396 = arith.constant 127 : i32
        %and3A_397 = vector.broadcast %and3A_396 : i32 to vector<16xi32>
        %and3A_398 = arith.andi %add3A_395, %and3A_397 : vector<16xi32>
        %gather3A_399 = tpu.vector_load_idx %arg11[%add3A_251, %and3A_398] : memref<80x128xf32, #tpu.memory_space<vmem>>[vector<16xi32>, vector<16xi32>], vector<16xf32>,
        %gather3A_400 = tpu.vector_load_idx %arg12[%add3A_251, %and3A_398] : memref<80x128xf32, #tpu.memory_space<vmem>>[vector<16xi32>, vector<16xi32>], vector<16xf32>,
        %mul3A_401 = arith.mulf %gather3A_399, %gather3A_400 : vector<16xf32>
        %add3A_402 = arith.addf %add3A_362, %mul3A_401 : vector<16xf32>
        %add3A_403 = arith.constant 8 : i32
        %add3A_404 = vector.broadcast %add3A_403 : i32 to vector<16xi32>
        %add3A_405 = arith.addi %scan3A_327, %add3A_404 : vector<16xi32>
        scf.yield %add3A_372, %add3A_382, %add3A_392, %add3A_402, %add3A_405 : vector<16xf32>, vector<16xf32>, vector<16xf32>, vector<16xf32>, vector<16xi32>
      }
      %scan3A_257 = arith.constant 16 : i32
      %add3A_258 = arith.addf %scan3A_256#0, %scan3A_256#1 : vector<16xf32>
      %add3A_259 = arith.addf %scan3A_256#2, %scan3A_256#3 : vector<16xf32>
      %add3A_260 = arith.addf %add3A_258, %add3A_259 : vector<16xf32>
      %swap3A_261 = arith.constant 0 : index
      %swap3A_262 = tpu.vector_load %arg14[%swap3A_261] {strides = array<i32>} : memref<80xf32, #tpu.memory_space<vmem>>, vector<16xf32>,
      tpu.vector_store %arg14[%swap3A_261], %add3A_260 {strides = array<i32>} : memref<80xf32, #tpu.memory_space<vmem>>, vector<16xf32>,
      %add3A_263 = arith.constant 16 : i32
      %add3A_264 = vector.broadcast %add3A_263 : i32 to vector<16xi32>
      %add3A_265 = arith.addi %add3A_264, %iota3A : vector<16xi32>
      %scan3A_266 = arith.constant 0 : i32
      %scan3A_267 = arith.constant 16 : i32
      %scan3A_268 = arith.addi %scan3A_266, %scan3A_267 : i32
      %scan3A_269 = arith.constant 1 : i32
      %scan3A_270:5 = scf.for %scan3A_322 = %scan3A_266 to %scan3A_268 step %scan3A_269 iter_args(%scan3A_323 = %broadcast_in_dim3A_3, %scan3A_324 = %broadcast_in_dim3A_3, %scan3A_325 = %broadcast_in_dim3A_3, %scan3A_326 = %broadcast_in_dim3A_3, %scan3A_327 = %iota3A) -> (vector<16xf32>, vector<16xf32>, vector<16xf32>, vector<16xf32>, vector<16xi32>)  : i32 {
        %and3A = arith.constant 127 : i32
        %and3A_328 = vector.broadcast %and3A : i32 to vector<16xi32>
        %and3A_329 = arith.andi %scan3A_327, %and3A_328 : vector<16xi32>
        %gather3A = tpu.vector_load_idx %arg11[%add3A_265, %and3A_329] : memref<80x128xf32, #tpu.memory_space<vmem>>[vector<16xi32>, vector<16xi32>], vector<16xf32>,
        %gather3A_330 = tpu.vector_load_idx %arg12[%add3A_265, %and3A_329] : memref<80x128xf32, #tpu.memory_space<vmem>>[vector<16xi32>, vector<16xi32>], vector<16xf32>,
        %mul3A_331 = arith.mulf %gather3A, %gather3A_330 : vector<16xf32>
        %add3A_332 = arith.addf %scan3A_323, %mul3A_331 : vector<16xf32>
        %add3A_333 = arith.constant 1 : i32
        %add3A_334 = vector.broadcast %add3A_333 : i32 to vector<16xi32>
        %add3A_335 = arith.addi %scan3A_327, %add3A_334 : vector<16xi32>
        %and3A_336 = arith.constant 127 : i32
        %and3A_337 = vector.broadcast %and3A_336 : i32 to vector<16xi32>
        %and3A_338 = arith.andi %add3A_335, %and3A_337 : vector<16xi32>
        %gather3A_339 = tpu.vector_load_idx %arg11[%add3A_265, %and3A_338] : memref<80x128xf32, #tpu.memory_space<vmem>>[vector<16xi32>, vector<16xi32>], vector<16xf32>,
        %gather3A_340 = tpu.vector_load_idx %arg12[%add3A_265, %and3A_338] : memref<80x128xf32, #tpu.memory_space<vmem>>[vector<16xi32>, vector<16xi32>], vector<16xf32>,
        %mul3A_341 = arith.mulf %gather3A_339, %gather3A_340 : vector<16xf32>
        %add3A_342 = arith.addf %scan3A_324, %mul3A_341 : vector<16xf32>
        %add3A_343 = arith.constant 2 : i32
        %add3A_344 = vector.broadcast %add3A_343 : i32 to vector<16xi32>
        %add3A_345 = arith.addi %scan3A_327, %add3A_344 : vector<16xi32>
        %and3A_346 = arith.constant 127 : i32
        %and3A_347 = vector.broadcast %and3A_346 : i32 to vector<16xi32>
        %and3A_348 = arith.andi %add3A_345, %and3A_347 : vector<16xi32>
        %gather3A_349 = tpu.vector_load_idx %arg11[%add3A_265, %and3A_348] : memref<80x128xf32, #tpu.memory_space<vmem>>[vector<16xi32>, vector<16xi32>], vector<16xf32>,
        %gather3A_350 = tpu.vector_load_idx %arg12[%add3A_265, %and3A_348] : memref<80x128xf32, #tpu.memory_space<vmem>>[vector<16xi32>, vector<16xi32>], vector<16xf32>,
        %mul3A_351 = arith.mulf %gather3A_349, %gather3A_350 : vector<16xf32>
        %add3A_352 = arith.addf %scan3A_325, %mul3A_351 : vector<16xf32>
        %add3A_353 = arith.constant 3 : i32
        %add3A_354 = vector.broadcast %add3A_353 : i32 to vector<16xi32>
        %add3A_355 = arith.addi %scan3A_327, %add3A_354 : vector<16xi32>
        %and3A_356 = arith.constant 127 : i32
        %and3A_357 = vector.broadcast %and3A_356 : i32 to vector<16xi32>
        %and3A_358 = arith.andi %add3A_355, %and3A_357 : vector<16xi32>
        %gather3A_359 = tpu.vector_load_idx %arg11[%add3A_265, %and3A_358] : memref<80x128xf32, #tpu.memory_space<vmem>>[vector<16xi32>, vector<16xi32>], vector<16xf32>,
        %gather3A_360 = tpu.vector_load_idx %arg12[%add3A_265, %and3A_358] : memref<80x128xf32, #tpu.memory_space<vmem>>[vector<16xi32>, vector<16xi32>], vector<16xf32>,
        %mul3A_361 = arith.mulf %gather3A_359, %gather3A_360 : vector<16xf32>
        %add3A_362 = arith.addf %scan3A_326, %mul3A_361 : vector<16xf32>
        %add3A_363 = arith.constant 4 : i32
        %add3A_364 = vector.broadcast %add3A_363 : i32 to vector<16xi32>
        %add3A_365 = arith.addi %scan3A_327, %add3A_364 : vector<16xi32>
        %and3A_366 = arith.constant 127 : i32
        %and3A_367 = vector.broadcast %and3A_366 : i32 to vector<16xi32>
        %and3A_368 = arith.andi %add3A_365, %and3A_367 : vector<16xi32>
        %gather3A_369 = tpu.vector_load_idx %arg11[%add3A_265, %and3A_368] : memref<80x128xf32, #tpu.memory_space<vmem>>[vector<16xi32>, vector<16xi32>], vector<16xf32>,
        %gather3A_370 = tpu.vector_load_idx %arg12[%add3A_265, %and3A_368] : memref<80x128xf32, #tpu.memory_space<vmem>>[vector<16xi32>, vector<16xi32>], vector<16xf32>,
        %mul3A_371 = arith.mulf %gather3A_369, %gather3A_370 : vector<16xf32>
        %add3A_372 = arith.addf %add3A_332, %mul3A_371 : vector<16xf32>
        %add3A_373 = arith.constant 5 : i32
        %add3A_374 = vector.broadcast %add3A_373 : i32 to vector<16xi32>
        %add3A_375 = arith.addi %scan3A_327, %add3A_374 : vector<16xi32>
        %and3A_376 = arith.constant 127 : i32
        %and3A_377 = vector.broadcast %and3A_376 : i32 to vector<16xi32>
        %and3A_378 = arith.andi %add3A_375, %and3A_377 : vector<16xi32>
        %gather3A_379 = tpu.vector_load_idx %arg11[%add3A_265, %and3A_378] : memref<80x128xf32, #tpu.memory_space<vmem>>[vector<16xi32>, vector<16xi32>], vector<16xf32>,
        %gather3A_380 = tpu.vector_load_idx %arg12[%add3A_265, %and3A_378] : memref<80x128xf32, #tpu.memory_space<vmem>>[vector<16xi32>, vector<16xi32>], vector<16xf32>,
        %mul3A_381 = arith.mulf %gather3A_379, %gather3A_380 : vector<16xf32>
        %add3A_382 = arith.addf %add3A_342, %mul3A_381 : vector<16xf32>
        %add3A_383 = arith.constant 6 : i32
        %add3A_384 = vector.broadcast %add3A_383 : i32 to vector<16xi32>
        %add3A_385 = arith.addi %scan3A_327, %add3A_384 : vector<16xi32>
        %and3A_386 = arith.constant 127 : i32
        %and3A_387 = vector.broadcast %and3A_386 : i32 to vector<16xi32>
        %and3A_388 = arith.andi %add3A_385, %and3A_387 : vector<16xi32>
        %gather3A_389 = tpu.vector_load_idx %arg11[%add3A_265, %and3A_388] : memref<80x128xf32, #tpu.memory_space<vmem>>[vector<16xi32>, vector<16xi32>], vector<16xf32>,
        %gather3A_390 = tpu.vector_load_idx %arg12[%add3A_265, %and3A_388] : memref<80x128xf32, #tpu.memory_space<vmem>>[vector<16xi32>, vector<16xi32>], vector<16xf32>,
        %mul3A_391 = arith.mulf %gather3A_389, %gather3A_390 : vector<16xf32>
        %add3A_392 = arith.addf %add3A_352, %mul3A_391 : vector<16xf32>
        %add3A_393 = arith.constant 7 : i32
        %add3A_394 = vector.broadcast %add3A_393 : i32 to vector<16xi32>
        %add3A_395 = arith.addi %scan3A_327, %add3A_394 : vector<16xi32>
        %and3A_396 = arith.constant 127 : i32
        %and3A_397 = vector.broadcast %and3A_396 : i32 to vector<16xi32>
        %and3A_398 = arith.andi %add3A_395, %and3A_397 : vector<16xi32>
        %gather3A_399 = tpu.vector_load_idx %arg11[%add3A_265, %and3A_398] : memref<80x128xf32, #tpu.memory_space<vmem>>[vector<16xi32>, vector<16xi32>], vector<16xf32>,
        %gather3A_400 = tpu.vector_load_idx %arg12[%add3A_265, %and3A_398] : memref<80x128xf32, #tpu.memory_space<vmem>>[vector<16xi32>, vector<16xi32>], vector<16xf32>,
        %mul3A_401 = arith.mulf %gather3A_399, %gather3A_400 : vector<16xf32>
        %add3A_402 = arith.addf %add3A_362, %mul3A_401 : vector<16xf32>
        %add3A_403 = arith.constant 8 : i32
        %add3A_404 = vector.broadcast %add3A_403 : i32 to vector<16xi32>
        %add3A_405 = arith.addi %scan3A_327, %add3A_404 : vector<16xi32>
        scf.yield %add3A_372, %add3A_382, %add3A_392, %add3A_402, %add3A_405 : vector<16xf32>, vector<16xf32>, vector<16xf32>, vector<16xf32>, vector<16xi32>
      }
      %scan3A_271 = arith.constant 16 : i32
      %add3A_272 = arith.addf %scan3A_270#0, %scan3A_270#1 : vector<16xf32>
      %add3A_273 = arith.addf %scan3A_270#2, %scan3A_270#3 : vector<16xf32>
      %add3A_274 = arith.addf %add3A_272, %add3A_273 : vector<16xf32>
      %swap3A_275 = arith.constant 16 : index
      %swap3A_276 = tpu.vector_load %arg14[%swap3A_275] {strides = array<i32>} : memref<80xf32, #tpu.memory_space<vmem>>, vector<16xf32>,
      tpu.vector_store %arg14[%swap3A_275], %add3A_274 {strides = array<i32>} : memref<80xf32, #tpu.memory_space<vmem>>, vector<16xf32>,
      %add3A_277 = arith.constant 32 : i32
      %add3A_278 = vector.broadcast %add3A_277 : i32 to vector<16xi32>
      %add3A_279 = arith.addi %add3A_278, %iota3A : vector<16xi32>
      %scan3A_280 = arith.constant 0 : i32
      %scan3A_281 = arith.constant 16 : i32
      %scan3A_282 = arith.addi %scan3A_280, %scan3A_281 : i32
      %scan3A_283 = arith.constant 1 : i32
      %scan3A_284:5 = scf.for %scan3A_322 = %scan3A_280 to %scan3A_282 step %scan3A_283 iter_args(%scan3A_323 = %broadcast_in_dim3A_3, %scan3A_324 = %broadcast_in_dim3A_3, %scan3A_325 = %broadcast_in_dim3A_3, %scan3A_326 = %broadcast_in_dim3A_3, %scan3A_327 = %iota3A) -> (vector<16xf32>, vector<16xf32>, vector<16xf32>, vector<16xf32>, vector<16xi32>)  : i32 {
        %and3A = arith.constant 127 : i32
        %and3A_328 = vector.broadcast %and3A : i32 to vector<16xi32>
        %and3A_329 = arith.andi %scan3A_327, %and3A_328 : vector<16xi32>
        %gather3A = tpu.vector_load_idx %arg11[%add3A_279, %and3A_329] : memref<80x128xf32, #tpu.memory_space<vmem>>[vector<16xi32>, vector<16xi32>], vector<16xf32>,
        %gather3A_330 = tpu.vector_load_idx %arg12[%add3A_279, %and3A_329] : memref<80x128xf32, #tpu.memory_space<vmem>>[vector<16xi32>, vector<16xi32>], vector<16xf32>,
        %mul3A_331 = arith.mulf %gather3A, %gather3A_330 : vector<16xf32>
        %add3A_332 = arith.addf %scan3A_323, %mul3A_331 : vector<16xf32>
        %add3A_333 = arith.constant 1 : i32
        %add3A_334 = vector.broadcast %add3A_333 : i32 to vector<16xi32>
        %add3A_335 = arith.addi %scan3A_327, %add3A_334 : vector<16xi32>
        %and3A_336 = arith.constant 127 : i32
        %and3A_337 = vector.broadcast %and3A_336 : i32 to vector<16xi32>
        %and3A_338 = arith.andi %add3A_335, %and3A_337 : vector<16xi32>
        %gather3A_339 = tpu.vector_load_idx %arg11[%add3A_279, %and3A_338] : memref<80x128xf32, #tpu.memory_space<vmem>>[vector<16xi32>, vector<16xi32>], vector<16xf32>,
        %gather3A_340 = tpu.vector_load_idx %arg12[%add3A_279, %and3A_338] : memref<80x128xf32, #tpu.memory_space<vmem>>[vector<16xi32>, vector<16xi32>], vector<16xf32>,
        %mul3A_341 = arith.mulf %gather3A_339, %gather3A_340 : vector<16xf32>
        %add3A_342 = arith.addf %scan3A_324, %mul3A_341 : vector<16xf32>
        %add3A_343 = arith.constant 2 : i32
        %add3A_344 = vector.broadcast %add3A_343 : i32 to vector<16xi32>
        %add3A_345 = arith.addi %scan3A_327, %add3A_344 : vector<16xi32>
        %and3A_346 = arith.constant 127 : i32
        %and3A_347 = vector.broadcast %and3A_346 : i32 to vector<16xi32>
        %and3A_348 = arith.andi %add3A_345, %and3A_347 : vector<16xi32>
        %gather3A_349 = tpu.vector_load_idx %arg11[%add3A_279, %and3A_348] : memref<80x128xf32, #tpu.memory_space<vmem>>[vector<16xi32>, vector<16xi32>], vector<16xf32>,
        %gather3A_350 = tpu.vector_load_idx %arg12[%add3A_279, %and3A_348] : memref<80x128xf32, #tpu.memory_space<vmem>>[vector<16xi32>, vector<16xi32>], vector<16xf32>,
        %mul3A_351 = arith.mulf %gather3A_349, %gather3A_350 : vector<16xf32>
        %add3A_352 = arith.addf %scan3A_325, %mul3A_351 : vector<16xf32>
        %add3A_353 = arith.constant 3 : i32
        %add3A_354 = vector.broadcast %add3A_353 : i32 to vector<16xi32>
        %add3A_355 = arith.addi %scan3A_327, %add3A_354 : vector<16xi32>
        %and3A_356 = arith.constant 127 : i32
        %and3A_357 = vector.broadcast %and3A_356 : i32 to vector<16xi32>
        %and3A_358 = arith.andi %add3A_355, %and3A_357 : vector<16xi32>
        %gather3A_359 = tpu.vector_load_idx %arg11[%add3A_279, %and3A_358] : memref<80x128xf32, #tpu.memory_space<vmem>>[vector<16xi32>, vector<16xi32>], vector<16xf32>,
        %gather3A_360 = tpu.vector_load_idx %arg12[%add3A_279, %and3A_358] : memref<80x128xf32, #tpu.memory_space<vmem>>[vector<16xi32>, vector<16xi32>], vector<16xf32>,
        %mul3A_361 = arith.mulf %gather3A_359, %gather3A_360 : vector<16xf32>
        %add3A_362 = arith.addf %scan3A_326, %mul3A_361 : vector<16xf32>
        %add3A_363 = arith.constant 4 : i32
        %add3A_364 = vector.broadcast %add3A_363 : i32 to vector<16xi32>
        %add3A_365 = arith.addi %scan3A_327, %add3A_364 : vector<16xi32>
        %and3A_366 = arith.constant 127 : i32
        %and3A_367 = vector.broadcast %and3A_366 : i32 to vector<16xi32>
        %and3A_368 = arith.andi %add3A_365, %and3A_367 : vector<16xi32>
        %gather3A_369 = tpu.vector_load_idx %arg11[%add3A_279, %and3A_368] : memref<80x128xf32, #tpu.memory_space<vmem>>[vector<16xi32>, vector<16xi32>], vector<16xf32>,
        %gather3A_370 = tpu.vector_load_idx %arg12[%add3A_279, %and3A_368] : memref<80x128xf32, #tpu.memory_space<vmem>>[vector<16xi32>, vector<16xi32>], vector<16xf32>,
        %mul3A_371 = arith.mulf %gather3A_369, %gather3A_370 : vector<16xf32>
        %add3A_372 = arith.addf %add3A_332, %mul3A_371 : vector<16xf32>
        %add3A_373 = arith.constant 5 : i32
        %add3A_374 = vector.broadcast %add3A_373 : i32 to vector<16xi32>
        %add3A_375 = arith.addi %scan3A_327, %add3A_374 : vector<16xi32>
        %and3A_376 = arith.constant 127 : i32
        %and3A_377 = vector.broadcast %and3A_376 : i32 to vector<16xi32>
        %and3A_378 = arith.andi %add3A_375, %and3A_377 : vector<16xi32>
        %gather3A_379 = tpu.vector_load_idx %arg11[%add3A_279, %and3A_378] : memref<80x128xf32, #tpu.memory_space<vmem>>[vector<16xi32>, vector<16xi32>], vector<16xf32>,
        %gather3A_380 = tpu.vector_load_idx %arg12[%add3A_279, %and3A_378] : memref<80x128xf32, #tpu.memory_space<vmem>>[vector<16xi32>, vector<16xi32>], vector<16xf32>,
        %mul3A_381 = arith.mulf %gather3A_379, %gather3A_380 : vector<16xf32>
        %add3A_382 = arith.addf %add3A_342, %mul3A_381 : vector<16xf32>
        %add3A_383 = arith.constant 6 : i32
        %add3A_384 = vector.broadcast %add3A_383 : i32 to vector<16xi32>
        %add3A_385 = arith.addi %scan3A_327, %add3A_384 : vector<16xi32>
        %and3A_386 = arith.constant 127 : i32
        %and3A_387 = vector.broadcast %and3A_386 : i32 to vector<16xi32>
        %and3A_388 = arith.andi %add3A_385, %and3A_387 : vector<16xi32>
        %gather3A_389 = tpu.vector_load_idx %arg11[%add3A_279, %and3A_388] : memref<80x128xf32, #tpu.memory_space<vmem>>[vector<16xi32>, vector<16xi32>], vector<16xf32>,
        %gather3A_390 = tpu.vector_load_idx %arg12[%add3A_279, %and3A_388] : memref<80x128xf32, #tpu.memory_space<vmem>>[vector<16xi32>, vector<16xi32>], vector<16xf32>,
        %mul3A_391 = arith.mulf %gather3A_389, %gather3A_390 : vector<16xf32>
        %add3A_392 = arith.addf %add3A_352, %mul3A_391 : vector<16xf32>
        %add3A_393 = arith.constant 7 : i32
        %add3A_394 = vector.broadcast %add3A_393 : i32 to vector<16xi32>
        %add3A_395 = arith.addi %scan3A_327, %add3A_394 : vector<16xi32>
        %and3A_396 = arith.constant 127 : i32
        %and3A_397 = vector.broadcast %and3A_396 : i32 to vector<16xi32>
        %and3A_398 = arith.andi %add3A_395, %and3A_397 : vector<16xi32>
        %gather3A_399 = tpu.vector_load_idx %arg11[%add3A_279, %and3A_398] : memref<80x128xf32, #tpu.memory_space<vmem>>[vector<16xi32>, vector<16xi32>], vector<16xf32>,
        %gather3A_400 = tpu.vector_load_idx %arg12[%add3A_279, %and3A_398] : memref<80x128xf32, #tpu.memory_space<vmem>>[vector<16xi32>, vector<16xi32>], vector<16xf32>,
        %mul3A_401 = arith.mulf %gather3A_399, %gather3A_400 : vector<16xf32>
        %add3A_402 = arith.addf %add3A_362, %mul3A_401 : vector<16xf32>
        %add3A_403 = arith.constant 8 : i32
        %add3A_404 = vector.broadcast %add3A_403 : i32 to vector<16xi32>
        %add3A_405 = arith.addi %scan3A_327, %add3A_404 : vector<16xi32>
        scf.yield %add3A_372, %add3A_382, %add3A_392, %add3A_402, %add3A_405 : vector<16xf32>, vector<16xf32>, vector<16xf32>, vector<16xf32>, vector<16xi32>
      }
      %scan3A_285 = arith.constant 16 : i32
      %add3A_286 = arith.addf %scan3A_284#0, %scan3A_284#1 : vector<16xf32>
      %add3A_287 = arith.addf %scan3A_284#2, %scan3A_284#3 : vector<16xf32>
      %add3A_288 = arith.addf %add3A_286, %add3A_287 : vector<16xf32>
      %swap3A_289 = arith.constant 32 : index
      %swap3A_290 = tpu.vector_load %arg14[%swap3A_289] {strides = array<i32>} : memref<80xf32, #tpu.memory_space<vmem>>, vector<16xf32>,
      tpu.vector_store %arg14[%swap3A_289], %add3A_288 {strides = array<i32>} : memref<80xf32, #tpu.memory_space<vmem>>, vector<16xf32>,
      %add3A_291 = arith.constant 48 : i32
      %add3A_292 = vector.broadcast %add3A_291 : i32 to vector<16xi32>
      %add3A_293 = arith.addi %add3A_292, %iota3A : vector<16xi32>
      %scan3A_294 = arith.constant 0 : i32
      %scan3A_295 = arith.constant 16 : i32
      %scan3A_296 = arith.addi %scan3A_294, %scan3A_295 : i32
      %scan3A_297 = arith.constant 1 : i32
      %scan3A_298:5 = scf.for %scan3A_322 = %scan3A_294 to %scan3A_296 step %scan3A_297 iter_args(%scan3A_323 = %broadcast_in_dim3A_3, %scan3A_324 = %broadcast_in_dim3A_3, %scan3A_325 = %broadcast_in_dim3A_3, %scan3A_326 = %broadcast_in_dim3A_3, %scan3A_327 = %iota3A) -> (vector<16xf32>, vector<16xf32>, vector<16xf32>, vector<16xf32>, vector<16xi32>)  : i32 {
        %and3A = arith.constant 127 : i32
        %and3A_328 = vector.broadcast %and3A : i32 to vector<16xi32>
        %and3A_329 = arith.andi %scan3A_327, %and3A_328 : vector<16xi32>
        %gather3A = tpu.vector_load_idx %arg11[%add3A_293, %and3A_329] : memref<80x128xf32, #tpu.memory_space<vmem>>[vector<16xi32>, vector<16xi32>], vector<16xf32>,
        %gather3A_330 = tpu.vector_load_idx %arg12[%add3A_293, %and3A_329] : memref<80x128xf32, #tpu.memory_space<vmem>>[vector<16xi32>, vector<16xi32>], vector<16xf32>,
        %mul3A_331 = arith.mulf %gather3A, %gather3A_330 : vector<16xf32>
        %add3A_332 = arith.addf %scan3A_323, %mul3A_331 : vector<16xf32>
        %add3A_333 = arith.constant 1 : i32
        %add3A_334 = vector.broadcast %add3A_333 : i32 to vector<16xi32>
        %add3A_335 = arith.addi %scan3A_327, %add3A_334 : vector<16xi32>
        %and3A_336 = arith.constant 127 : i32
        %and3A_337 = vector.broadcast %and3A_336 : i32 to vector<16xi32>
        %and3A_338 = arith.andi %add3A_335, %and3A_337 : vector<16xi32>
        %gather3A_339 = tpu.vector_load_idx %arg11[%add3A_293, %and3A_338] : memref<80x128xf32, #tpu.memory_space<vmem>>[vector<16xi32>, vector<16xi32>], vector<16xf32>,
        %gather3A_340 = tpu.vector_load_idx %arg12[%add3A_293, %and3A_338] : memref<80x128xf32, #tpu.memory_space<vmem>>[vector<16xi32>, vector<16xi32>], vector<16xf32>,
        %mul3A_341 = arith.mulf %gather3A_339, %gather3A_340 : vector<16xf32>
        %add3A_342 = arith.addf %scan3A_324, %mul3A_341 : vector<16xf32>
        %add3A_343 = arith.constant 2 : i32
        %add3A_344 = vector.broadcast %add3A_343 : i32 to vector<16xi32>
        %add3A_345 = arith.addi %scan3A_327, %add3A_344 : vector<16xi32>
        %and3A_346 = arith.constant 127 : i32
        %and3A_347 = vector.broadcast %and3A_346 : i32 to vector<16xi32>
        %and3A_348 = arith.andi %add3A_345, %and3A_347 : vector<16xi32>
        %gather3A_349 = tpu.vector_load_idx %arg11[%add3A_293, %and3A_348] : memref<80x128xf32, #tpu.memory_space<vmem>>[vector<16xi32>, vector<16xi32>], vector<16xf32>,
        %gather3A_350 = tpu.vector_load_idx %arg12[%add3A_293, %and3A_348] : memref<80x128xf32, #tpu.memory_space<vmem>>[vector<16xi32>, vector<16xi32>], vector<16xf32>,
        %mul3A_351 = arith.mulf %gather3A_349, %gather3A_350 : vector<16xf32>
        %add3A_352 = arith.addf %scan3A_325, %mul3A_351 : vector<16xf32>
        %add3A_353 = arith.constant 3 : i32
        %add3A_354 = vector.broadcast %add3A_353 : i32 to vector<16xi32>
        %add3A_355 = arith.addi %scan3A_327, %add3A_354 : vector<16xi32>
        %and3A_356 = arith.constant 127 : i32
        %and3A_357 = vector.broadcast %and3A_356 : i32 to vector<16xi32>
        %and3A_358 = arith.andi %add3A_355, %and3A_357 : vector<16xi32>
        %gather3A_359 = tpu.vector_load_idx %arg11[%add3A_293, %and3A_358] : memref<80x128xf32, #tpu.memory_space<vmem>>[vector<16xi32>, vector<16xi32>], vector<16xf32>,
        %gather3A_360 = tpu.vector_load_idx %arg12[%add3A_293, %and3A_358] : memref<80x128xf32, #tpu.memory_space<vmem>>[vector<16xi32>, vector<16xi32>], vector<16xf32>,
        %mul3A_361 = arith.mulf %gather3A_359, %gather3A_360 : vector<16xf32>
        %add3A_362 = arith.addf %scan3A_326, %mul3A_361 : vector<16xf32>
        %add3A_363 = arith.constant 4 : i32
        %add3A_364 = vector.broadcast %add3A_363 : i32 to vector<16xi32>
        %add3A_365 = arith.addi %scan3A_327, %add3A_364 : vector<16xi32>
        %and3A_366 = arith.constant 127 : i32
        %and3A_367 = vector.broadcast %and3A_366 : i32 to vector<16xi32>
        %and3A_368 = arith.andi %add3A_365, %and3A_367 : vector<16xi32>
        %gather3A_369 = tpu.vector_load_idx %arg11[%add3A_293, %and3A_368] : memref<80x128xf32, #tpu.memory_space<vmem>>[vector<16xi32>, vector<16xi32>], vector<16xf32>,
        %gather3A_370 = tpu.vector_load_idx %arg12[%add3A_293, %and3A_368] : memref<80x128xf32, #tpu.memory_space<vmem>>[vector<16xi32>, vector<16xi32>], vector<16xf32>,
        %mul3A_371 = arith.mulf %gather3A_369, %gather3A_370 : vector<16xf32>
        %add3A_372 = arith.addf %add3A_332, %mul3A_371 : vector<16xf32>
        %add3A_373 = arith.constant 5 : i32
        %add3A_374 = vector.broadcast %add3A_373 : i32 to vector<16xi32>
        %add3A_375 = arith.addi %scan3A_327, %add3A_374 : vector<16xi32>
        %and3A_376 = arith.constant 127 : i32
        %and3A_377 = vector.broadcast %and3A_376 : i32 to vector<16xi32>
        %and3A_378 = arith.andi %add3A_375, %and3A_377 : vector<16xi32>
        %gather3A_379 = tpu.vector_load_idx %arg11[%add3A_293, %and3A_378] : memref<80x128xf32, #tpu.memory_space<vmem>>[vector<16xi32>, vector<16xi32>], vector<16xf32>,
        %gather3A_380 = tpu.vector_load_idx %arg12[%add3A_293, %and3A_378] : memref<80x128xf32, #tpu.memory_space<vmem>>[vector<16xi32>, vector<16xi32>], vector<16xf32>,
        %mul3A_381 = arith.mulf %gather3A_379, %gather3A_380 : vector<16xf32>
        %add3A_382 = arith.addf %add3A_342, %mul3A_381 : vector<16xf32>
        %add3A_383 = arith.constant 6 : i32
        %add3A_384 = vector.broadcast %add3A_383 : i32 to vector<16xi32>
        %add3A_385 = arith.addi %scan3A_327, %add3A_384 : vector<16xi32>
        %and3A_386 = arith.constant 127 : i32
        %and3A_387 = vector.broadcast %and3A_386 : i32 to vector<16xi32>
        %and3A_388 = arith.andi %add3A_385, %and3A_387 : vector<16xi32>
        %gather3A_389 = tpu.vector_load_idx %arg11[%add3A_293, %and3A_388] : memref<80x128xf32, #tpu.memory_space<vmem>>[vector<16xi32>, vector<16xi32>], vector<16xf32>,
        %gather3A_390 = tpu.vector_load_idx %arg12[%add3A_293, %and3A_388] : memref<80x128xf32, #tpu.memory_space<vmem>>[vector<16xi32>, vector<16xi32>], vector<16xf32>,
        %mul3A_391 = arith.mulf %gather3A_389, %gather3A_390 : vector<16xf32>
        %add3A_392 = arith.addf %add3A_352, %mul3A_391 : vector<16xf32>
        %add3A_393 = arith.constant 7 : i32
        %add3A_394 = vector.broadcast %add3A_393 : i32 to vector<16xi32>
        %add3A_395 = arith.addi %scan3A_327, %add3A_394 : vector<16xi32>
        %and3A_396 = arith.constant 127 : i32
        %and3A_397 = vector.broadcast %and3A_396 : i32 to vector<16xi32>
        %and3A_398 = arith.andi %add3A_395, %and3A_397 : vector<16xi32>
        %gather3A_399 = tpu.vector_load_idx %arg11[%add3A_293, %and3A_398] : memref<80x128xf32, #tpu.memory_space<vmem>>[vector<16xi32>, vector<16xi32>], vector<16xf32>,
        %gather3A_400 = tpu.vector_load_idx %arg12[%add3A_293, %and3A_398] : memref<80x128xf32, #tpu.memory_space<vmem>>[vector<16xi32>, vector<16xi32>], vector<16xf32>,
        %mul3A_401 = arith.mulf %gather3A_399, %gather3A_400 : vector<16xf32>
        %add3A_402 = arith.addf %add3A_362, %mul3A_401 : vector<16xf32>
        %add3A_403 = arith.constant 8 : i32
        %add3A_404 = vector.broadcast %add3A_403 : i32 to vector<16xi32>
        %add3A_405 = arith.addi %scan3A_327, %add3A_404 : vector<16xi32>
        scf.yield %add3A_372, %add3A_382, %add3A_392, %add3A_402, %add3A_405 : vector<16xf32>, vector<16xf32>, vector<16xf32>, vector<16xf32>, vector<16xi32>
      }
      %scan3A_299 = arith.constant 16 : i32
      %add3A_300 = arith.addf %scan3A_298#0, %scan3A_298#1 : vector<16xf32>
      %add3A_301 = arith.addf %scan3A_298#2, %scan3A_298#3 : vector<16xf32>
      %add3A_302 = arith.addf %add3A_300, %add3A_301 : vector<16xf32>
      %swap3A_303 = arith.constant 48 : index
      %swap3A_304 = tpu.vector_load %arg14[%swap3A_303] {strides = array<i32>} : memref<80xf32, #tpu.memory_space<vmem>>, vector<16xf32>,
      tpu.vector_store %arg14[%swap3A_303], %add3A_302 {strides = array<i32>} : memref<80xf32, #tpu.memory_space<vmem>>, vector<16xf32>,
      %add3A_305 = arith.constant 64 : i32
      %add3A_306 = vector.broadcast %add3A_305 : i32 to vector<16xi32>
      %add3A_307 = arith.addi %add3A_306, %iota3A : vector<16xi32>
      %scan3A_308 = arith.constant 0 : i32
      %scan3A_309 = arith.constant 16 : i32
      %scan3A_310 = arith.addi %scan3A_308, %scan3A_309 : i32
      %scan3A_311 = arith.constant 1 : i32
      %scan3A_312:5 = scf.for %scan3A_322 = %scan3A_308 to %scan3A_310 step %scan3A_311 iter_args(%scan3A_323 = %broadcast_in_dim3A_3, %scan3A_324 = %broadcast_in_dim3A_3, %scan3A_325 = %broadcast_in_dim3A_3, %scan3A_326 = %broadcast_in_dim3A_3, %scan3A_327 = %iota3A) -> (vector<16xf32>, vector<16xf32>, vector<16xf32>, vector<16xf32>, vector<16xi32>)  : i32 {
        %and3A = arith.constant 127 : i32
        %and3A_328 = vector.broadcast %and3A : i32 to vector<16xi32>
        %and3A_329 = arith.andi %scan3A_327, %and3A_328 : vector<16xi32>
        %gather3A = tpu.vector_load_idx %arg11[%add3A_307, %and3A_329] : memref<80x128xf32, #tpu.memory_space<vmem>>[vector<16xi32>, vector<16xi32>], vector<16xf32>,
        %gather3A_330 = tpu.vector_load_idx %arg12[%add3A_307, %and3A_329] : memref<80x128xf32, #tpu.memory_space<vmem>>[vector<16xi32>, vector<16xi32>], vector<16xf32>,
        %mul3A_331 = arith.mulf %gather3A, %gather3A_330 : vector<16xf32>
        %add3A_332 = arith.addf %scan3A_323, %mul3A_331 : vector<16xf32>
        %add3A_333 = arith.constant 1 : i32
        %add3A_334 = vector.broadcast %add3A_333 : i32 to vector<16xi32>
        %add3A_335 = arith.addi %scan3A_327, %add3A_334 : vector<16xi32>
        %and3A_336 = arith.constant 127 : i32
        %and3A_337 = vector.broadcast %and3A_336 : i32 to vector<16xi32>
        %and3A_338 = arith.andi %add3A_335, %and3A_337 : vector<16xi32>
        %gather3A_339 = tpu.vector_load_idx %arg11[%add3A_307, %and3A_338] : memref<80x128xf32, #tpu.memory_space<vmem>>[vector<16xi32>, vector<16xi32>], vector<16xf32>,
        %gather3A_340 = tpu.vector_load_idx %arg12[%add3A_307, %and3A_338] : memref<80x128xf32, #tpu.memory_space<vmem>>[vector<16xi32>, vector<16xi32>], vector<16xf32>,
        %mul3A_341 = arith.mulf %gather3A_339, %gather3A_340 : vector<16xf32>
        %add3A_342 = arith.addf %scan3A_324, %mul3A_341 : vector<16xf32>
        %add3A_343 = arith.constant 2 : i32
        %add3A_344 = vector.broadcast %add3A_343 : i32 to vector<16xi32>
        %add3A_345 = arith.addi %scan3A_327, %add3A_344 : vector<16xi32>
        %and3A_346 = arith.constant 127 : i32
        %and3A_347 = vector.broadcast %and3A_346 : i32 to vector<16xi32>
        %and3A_348 = arith.andi %add3A_345, %and3A_347 : vector<16xi32>
        %gather3A_349 = tpu.vector_load_idx %arg11[%add3A_307, %and3A_348] : memref<80x128xf32, #tpu.memory_space<vmem>>[vector<16xi32>, vector<16xi32>], vector<16xf32>,
        %gather3A_350 = tpu.vector_load_idx %arg12[%add3A_307, %and3A_348] : memref<80x128xf32, #tpu.memory_space<vmem>>[vector<16xi32>, vector<16xi32>], vector<16xf32>,
        %mul3A_351 = arith.mulf %gather3A_349, %gather3A_350 : vector<16xf32>
        %add3A_352 = arith.addf %scan3A_325, %mul3A_351 : vector<16xf32>
        %add3A_353 = arith.constant 3 : i32
        %add3A_354 = vector.broadcast %add3A_353 : i32 to vector<16xi32>
        %add3A_355 = arith.addi %scan3A_327, %add3A_354 : vector<16xi32>
        %and3A_356 = arith.constant 127 : i32
        %and3A_357 = vector.broadcast %and3A_356 : i32 to vector<16xi32>
        %and3A_358 = arith.andi %add3A_355, %and3A_357 : vector<16xi32>
        %gather3A_359 = tpu.vector_load_idx %arg11[%add3A_307, %and3A_358] : memref<80x128xf32, #tpu.memory_space<vmem>>[vector<16xi32>, vector<16xi32>], vector<16xf32>,
        %gather3A_360 = tpu.vector_load_idx %arg12[%add3A_307, %and3A_358] : memref<80x128xf32, #tpu.memory_space<vmem>>[vector<16xi32>, vector<16xi32>], vector<16xf32>,
        %mul3A_361 = arith.mulf %gather3A_359, %gather3A_360 : vector<16xf32>
        %add3A_362 = arith.addf %scan3A_326, %mul3A_361 : vector<16xf32>
        %add3A_363 = arith.constant 4 : i32
        %add3A_364 = vector.broadcast %add3A_363 : i32 to vector<16xi32>
        %add3A_365 = arith.addi %scan3A_327, %add3A_364 : vector<16xi32>
        %and3A_366 = arith.constant 127 : i32
        %and3A_367 = vector.broadcast %and3A_366 : i32 to vector<16xi32>
        %and3A_368 = arith.andi %add3A_365, %and3A_367 : vector<16xi32>
        %gather3A_369 = tpu.vector_load_idx %arg11[%add3A_307, %and3A_368] : memref<80x128xf32, #tpu.memory_space<vmem>>[vector<16xi32>, vector<16xi32>], vector<16xf32>,
        %gather3A_370 = tpu.vector_load_idx %arg12[%add3A_307, %and3A_368] : memref<80x128xf32, #tpu.memory_space<vmem>>[vector<16xi32>, vector<16xi32>], vector<16xf32>,
        %mul3A_371 = arith.mulf %gather3A_369, %gather3A_370 : vector<16xf32>
        %add3A_372 = arith.addf %add3A_332, %mul3A_371 : vector<16xf32>
        %add3A_373 = arith.constant 5 : i32
        %add3A_374 = vector.broadcast %add3A_373 : i32 to vector<16xi32>
        %add3A_375 = arith.addi %scan3A_327, %add3A_374 : vector<16xi32>
        %and3A_376 = arith.constant 127 : i32
        %and3A_377 = vector.broadcast %and3A_376 : i32 to vector<16xi32>
        %and3A_378 = arith.andi %add3A_375, %and3A_377 : vector<16xi32>
        %gather3A_379 = tpu.vector_load_idx %arg11[%add3A_307, %and3A_378] : memref<80x128xf32, #tpu.memory_space<vmem>>[vector<16xi32>, vector<16xi32>], vector<16xf32>,
        %gather3A_380 = tpu.vector_load_idx %arg12[%add3A_307, %and3A_378] : memref<80x128xf32, #tpu.memory_space<vmem>>[vector<16xi32>, vector<16xi32>], vector<16xf32>,
        %mul3A_381 = arith.mulf %gather3A_379, %gather3A_380 : vector<16xf32>
        %add3A_382 = arith.addf %add3A_342, %mul3A_381 : vector<16xf32>
        %add3A_383 = arith.constant 6 : i32
        %add3A_384 = vector.broadcast %add3A_383 : i32 to vector<16xi32>
        %add3A_385 = arith.addi %scan3A_327, %add3A_384 : vector<16xi32>
        %and3A_386 = arith.constant 127 : i32
        %and3A_387 = vector.broadcast %and3A_386 : i32 to vector<16xi32>
        %and3A_388 = arith.andi %add3A_385, %and3A_387 : vector<16xi32>
        %gather3A_389 = tpu.vector_load_idx %arg11[%add3A_307, %and3A_388] : memref<80x128xf32, #tpu.memory_space<vmem>>[vector<16xi32>, vector<16xi32>], vector<16xf32>,
        %gather3A_390 = tpu.vector_load_idx %arg12[%add3A_307, %and3A_388] : memref<80x128xf32, #tpu.memory_space<vmem>>[vector<16xi32>, vector<16xi32>], vector<16xf32>,
        %mul3A_391 = arith.mulf %gather3A_389, %gather3A_390 : vector<16xf32>
        %add3A_392 = arith.addf %add3A_352, %mul3A_391 : vector<16xf32>
        %add3A_393 = arith.constant 7 : i32
        %add3A_394 = vector.broadcast %add3A_393 : i32 to vector<16xi32>
        %add3A_395 = arith.addi %scan3A_327, %add3A_394 : vector<16xi32>
        %and3A_396 = arith.constant 127 : i32
        %and3A_397 = vector.broadcast %and3A_396 : i32 to vector<16xi32>
        %and3A_398 = arith.andi %add3A_395, %and3A_397 : vector<16xi32>
        %gather3A_399 = tpu.vector_load_idx %arg11[%add3A_307, %and3A_398] : memref<80x128xf32, #tpu.memory_space<vmem>>[vector<16xi32>, vector<16xi32>], vector<16xf32>,
        %gather3A_400 = tpu.vector_load_idx %arg12[%add3A_307, %and3A_398] : memref<80x128xf32, #tpu.memory_space<vmem>>[vector<16xi32>, vector<16xi32>], vector<16xf32>,
        %mul3A_401 = arith.mulf %gather3A_399, %gather3A_400 : vector<16xf32>
        %add3A_402 = arith.addf %add3A_362, %mul3A_401 : vector<16xf32>
        %add3A_403 = arith.constant 8 : i32
        %add3A_404 = vector.broadcast %add3A_403 : i32 to vector<16xi32>
        %add3A_405 = arith.addi %scan3A_327, %add3A_404 : vector<16xi32>
        scf.yield %add3A_372, %add3A_382, %add3A_392, %add3A_402, %add3A_405 : vector<16xf32>, vector<16xf32>, vector<16xf32>, vector<16xf32>, vector<16xi32>
      }
      %scan3A_313 = arith.constant 16 : i32
      %add3A_314 = arith.addf %scan3A_312#0, %scan3A_312#1 : vector<16xf32>
      %add3A_315 = arith.addf %scan3A_312#2, %scan3A_312#3 : vector<16xf32>
      %add3A_316 = arith.addf %add3A_314, %add3A_315 : vector<16xf32>
      %swap3A_317 = arith.constant 64 : index
      %swap3A_318 = tpu.vector_load %arg14[%swap3A_317] {strides = array<i32>} : memref<80xf32, #tpu.memory_space<vmem>>, vector<16xf32>,
      tpu.vector_store %arg14[%swap3A_317], %add3A_316 {strides = array<i32>} : memref<80xf32, #tpu.memory_space<vmem>>, vector<16xf32>,
      %add3A_319 = arith.addi %mul3A_2, %mul3A_246 : i32
      %dma_start3A_320 = tpu.memref_slice %arg6[%add3A_319] : memref<320000xf32, #tpu.memory_space<hbm>> -> memref<80xf32, #tpu.memory_space<hbm>>
      %dma_start3A_321 = tpu.memref_slice %arg6[%add3A_319] : memref<320000xf32, #tpu.memory_space<hbm>> -> memref<80xf32, #tpu.memory_space<hbm>>
      tpu.enqueue_dma source(%arg14 : memref<80xf32, #tpu.memory_space<vmem>>) target(%dma_start3A_321 : memref<80xf32, #tpu.memory_space<hbm>>) target_semaphore(%arg18 : memref<!tpu.dma_semaphore, #tpu.memory_space<semaphore_mem>>)
    }
    %scan3A_22 = arith.constant 62 : i32
    %dma_wait3A = arith.constant 0 : i32
    %dma_wait3A_23 = arith.constant 0 : i32
    %dma_wait3A_24 = tpu.memref_slice %arg2[%dma_wait3A, %dma_wait3A_23] : memref<10000x128xf32, #tpu.memory_space<hbm>> -> memref<80x128xf32, #tpu.memory_space<hbm>>
    %dma_wait3A_25 = arith.constant 0 : i32
    %dma_wait3A_26 = arith.constant 0 : i32
    %dma_wait3A_27 = tpu.memref_slice %arg2[%dma_wait3A_25, %dma_wait3A_26] : memref<10000x128xf32, #tpu.memory_space<hbm>> -> memref<80x128xf32, #tpu.memory_space<hbm>>
    tpu.wait_dma2 semaphore(%arg15 : memref<!tpu.dma_semaphore, #tpu.memory_space<semaphore_mem>>) src(%dma_wait3A_27 : memref<80x128xf32, #tpu.memory_space<hbm>>) dst(%arg9 : memref<80x128xf32, #tpu.memory_space<vmem>>)
    %dma_wait3A_28 = arith.constant 0 : i32
    %dma_wait3A_29 = arith.constant 0 : i32
    %dma_wait3A_30 = tpu.memref_slice %arg3[%dma_wait3A_28, %dma_wait3A_29] : memref<10000x128xf32, #tpu.memory_space<hbm>> -> memref<80x128xf32, #tpu.memory_space<hbm>>
    %dma_wait3A_31 = arith.constant 0 : i32
    %dma_wait3A_32 = arith.constant 0 : i32
    %dma_wait3A_33 = tpu.memref_slice %arg3[%dma_wait3A_31, %dma_wait3A_32] : memref<10000x128xf32, #tpu.memory_space<hbm>> -> memref<80x128xf32, #tpu.memory_space<hbm>>
    tpu.wait_dma2 semaphore(%arg15 : memref<!tpu.dma_semaphore, #tpu.memory_space<semaphore_mem>>) src(%dma_wait3A_33 : memref<80x128xf32, #tpu.memory_space<hbm>>) dst(%arg10 : memref<80x128xf32, #tpu.memory_space<vmem>>)
    %dma_wait3A_34 = tpu.memref_slice %arg6[%mul3A_2] : memref<320000xf32, #tpu.memory_space<hbm>> -> memref<80xf32, #tpu.memory_space<hbm>>
    %dma_wait3A_35 = tpu.memref_slice %arg6[%mul3A_2] : memref<320000xf32, #tpu.memory_space<hbm>> -> memref<80xf32, #tpu.memory_space<hbm>>
    tpu.wait_dma2 semaphore(%arg17 : memref<!tpu.dma_semaphore, #tpu.memory_space<semaphore_mem>>) src(%dma_wait3A_35 : memref<80xf32, #tpu.memory_space<hbm>>) dst(%arg13 : memref<80xf32, #tpu.memory_space<vmem>>)
    %add3A_36 = arith.constant 0 : i32
    %add3A_37 = vector.broadcast %add3A_36 : i32 to vector<16xi32>
    %add3A_38 = arith.addi %add3A_37, %iota3A : vector<16xi32>
    %scan3A_39 = arith.constant 0 : i32
    %scan3A_40 = arith.constant 16 : i32
    %scan3A_41 = arith.addi %scan3A_39, %scan3A_40 : i32
    %scan3A_42 = arith.constant 1 : i32
    %scan3A_43:5 = scf.for %scan3A_113 = %scan3A_39 to %scan3A_41 step %scan3A_42 iter_args(%scan3A_114 = %broadcast_in_dim3A_3, %scan3A_115 = %broadcast_in_dim3A_3, %scan3A_116 = %broadcast_in_dim3A_3, %scan3A_117 = %broadcast_in_dim3A_3, %scan3A_118 = %iota3A) -> (vector<16xf32>, vector<16xf32>, vector<16xf32>, vector<16xf32>, vector<16xi32>)  : i32 {
      %and3A = arith.constant 127 : i32
      %and3A_119 = vector.broadcast %and3A : i32 to vector<16xi32>
      %and3A_120 = arith.andi %scan3A_118, %and3A_119 : vector<16xi32>
      %gather3A = tpu.vector_load_idx %arg9[%add3A_38, %and3A_120] : memref<80x128xf32, #tpu.memory_space<vmem>>[vector<16xi32>, vector<16xi32>], vector<16xf32>,
      %gather3A_121 = tpu.vector_load_idx %arg10[%add3A_38, %and3A_120] : memref<80x128xf32, #tpu.memory_space<vmem>>[vector<16xi32>, vector<16xi32>], vector<16xf32>,
      %mul3A_122 = arith.mulf %gather3A, %gather3A_121 : vector<16xf32>
      %add3A_123 = arith.addf %scan3A_114, %mul3A_122 : vector<16xf32>
      %add3A_124 = arith.constant 1 : i32
      %add3A_125 = vector.broadcast %add3A_124 : i32 to vector<16xi32>
      %add3A_126 = arith.addi %scan3A_118, %add3A_125 : vector<16xi32>
      %and3A_127 = arith.constant 127 : i32
      %and3A_128 = vector.broadcast %and3A_127 : i32 to vector<16xi32>
      %and3A_129 = arith.andi %add3A_126, %and3A_128 : vector<16xi32>
      %gather3A_130 = tpu.vector_load_idx %arg9[%add3A_38, %and3A_129] : memref<80x128xf32, #tpu.memory_space<vmem>>[vector<16xi32>, vector<16xi32>], vector<16xf32>,
      %gather3A_131 = tpu.vector_load_idx %arg10[%add3A_38, %and3A_129] : memref<80x128xf32, #tpu.memory_space<vmem>>[vector<16xi32>, vector<16xi32>], vector<16xf32>,
      %mul3A_132 = arith.mulf %gather3A_130, %gather3A_131 : vector<16xf32>
      %add3A_133 = arith.addf %scan3A_115, %mul3A_132 : vector<16xf32>
      %add3A_134 = arith.constant 2 : i32
      %add3A_135 = vector.broadcast %add3A_134 : i32 to vector<16xi32>
      %add3A_136 = arith.addi %scan3A_118, %add3A_135 : vector<16xi32>
      %and3A_137 = arith.constant 127 : i32
      %and3A_138 = vector.broadcast %and3A_137 : i32 to vector<16xi32>
      %and3A_139 = arith.andi %add3A_136, %and3A_138 : vector<16xi32>
      %gather3A_140 = tpu.vector_load_idx %arg9[%add3A_38, %and3A_139] : memref<80x128xf32, #tpu.memory_space<vmem>>[vector<16xi32>, vector<16xi32>], vector<16xf32>,
      %gather3A_141 = tpu.vector_load_idx %arg10[%add3A_38, %and3A_139] : memref<80x128xf32, #tpu.memory_space<vmem>>[vector<16xi32>, vector<16xi32>], vector<16xf32>,
      %mul3A_142 = arith.mulf %gather3A_140, %gather3A_141 : vector<16xf32>
      %add3A_143 = arith.addf %scan3A_116, %mul3A_142 : vector<16xf32>
      %add3A_144 = arith.constant 3 : i32
      %add3A_145 = vector.broadcast %add3A_144 : i32 to vector<16xi32>
      %add3A_146 = arith.addi %scan3A_118, %add3A_145 : vector<16xi32>
      %and3A_147 = arith.constant 127 : i32
      %and3A_148 = vector.broadcast %and3A_147 : i32 to vector<16xi32>
      %and3A_149 = arith.andi %add3A_146, %and3A_148 : vector<16xi32>
      %gather3A_150 = tpu.vector_load_idx %arg9[%add3A_38, %and3A_149] : memref<80x128xf32, #tpu.memory_space<vmem>>[vector<16xi32>, vector<16xi32>], vector<16xf32>,
      %gather3A_151 = tpu.vector_load_idx %arg10[%add3A_38, %and3A_149] : memref<80x128xf32, #tpu.memory_space<vmem>>[vector<16xi32>, vector<16xi32>], vector<16xf32>,
      %mul3A_152 = arith.mulf %gather3A_150, %gather3A_151 : vector<16xf32>
      %add3A_153 = arith.addf %scan3A_117, %mul3A_152 : vector<16xf32>
      %add3A_154 = arith.constant 4 : i32
      %add3A_155 = vector.broadcast %add3A_154 : i32 to vector<16xi32>
      %add3A_156 = arith.addi %scan3A_118, %add3A_155 : vector<16xi32>
      %and3A_157 = arith.constant 127 : i32
      %and3A_158 = vector.broadcast %and3A_157 : i32 to vector<16xi32>
      %and3A_159 = arith.andi %add3A_156, %and3A_158 : vector<16xi32>
      %gather3A_160 = tpu.vector_load_idx %arg9[%add3A_38, %and3A_159] : memref<80x128xf32, #tpu.memory_space<vmem>>[vector<16xi32>, vector<16xi32>], vector<16xf32>,
      %gather3A_161 = tpu.vector_load_idx %arg10[%add3A_38, %and3A_159] : memref<80x128xf32, #tpu.memory_space<vmem>>[vector<16xi32>, vector<16xi32>], vector<16xf32>,
      %mul3A_162 = arith.mulf %gather3A_160, %gather3A_161 : vector<16xf32>
      %add3A_163 = arith.addf %add3A_123, %mul3A_162 : vector<16xf32>
      %add3A_164 = arith.constant 5 : i32
      %add3A_165 = vector.broadcast %add3A_164 : i32 to vector<16xi32>
      %add3A_166 = arith.addi %scan3A_118, %add3A_165 : vector<16xi32>
      %and3A_167 = arith.constant 127 : i32
      %and3A_168 = vector.broadcast %and3A_167 : i32 to vector<16xi32>
      %and3A_169 = arith.andi %add3A_166, %and3A_168 : vector<16xi32>
      %gather3A_170 = tpu.vector_load_idx %arg9[%add3A_38, %and3A_169] : memref<80x128xf32, #tpu.memory_space<vmem>>[vector<16xi32>, vector<16xi32>], vector<16xf32>,
      %gather3A_171 = tpu.vector_load_idx %arg10[%add3A_38, %and3A_169] : memref<80x128xf32, #tpu.memory_space<vmem>>[vector<16xi32>, vector<16xi32>], vector<16xf32>,
      %mul3A_172 = arith.mulf %gather3A_170, %gather3A_171 : vector<16xf32>
      %add3A_173 = arith.addf %add3A_133, %mul3A_172 : vector<16xf32>
      %add3A_174 = arith.constant 6 : i32
      %add3A_175 = vector.broadcast %add3A_174 : i32 to vector<16xi32>
      %add3A_176 = arith.addi %scan3A_118, %add3A_175 : vector<16xi32>
      %and3A_177 = arith.constant 127 : i32
      %and3A_178 = vector.broadcast %and3A_177 : i32 to vector<16xi32>
      %and3A_179 = arith.andi %add3A_176, %and3A_178 : vector<16xi32>
      %gather3A_180 = tpu.vector_load_idx %arg9[%add3A_38, %and3A_179] : memref<80x128xf32, #tpu.memory_space<vmem>>[vector<16xi32>, vector<16xi32>], vector<16xf32>,
      %gather3A_181 = tpu.vector_load_idx %arg10[%add3A_38, %and3A_179] : memref<80x128xf32, #tpu.memory_space<vmem>>[vector<16xi32>, vector<16xi32>], vector<16xf32>,
      %mul3A_182 = arith.mulf %gather3A_180, %gather3A_181 : vector<16xf32>
      %add3A_183 = arith.addf %add3A_143, %mul3A_182 : vector<16xf32>
      %add3A_184 = arith.constant 7 : i32
      %add3A_185 = vector.broadcast %add3A_184 : i32 to vector<16xi32>
      %add3A_186 = arith.addi %scan3A_118, %add3A_185 : vector<16xi32>
      %and3A_187 = arith.constant 127 : i32
      %and3A_188 = vector.broadcast %and3A_187 : i32 to vector<16xi32>
      %and3A_189 = arith.andi %add3A_186, %and3A_188 : vector<16xi32>
      %gather3A_190 = tpu.vector_load_idx %arg9[%add3A_38, %and3A_189] : memref<80x128xf32, #tpu.memory_space<vmem>>[vector<16xi32>, vector<16xi32>], vector<16xf32>,
      %gather3A_191 = tpu.vector_load_idx %arg10[%add3A_38, %and3A_189] : memref<80x128xf32, #tpu.memory_space<vmem>>[vector<16xi32>, vector<16xi32>], vector<16xf32>,
      %mul3A_192 = arith.mulf %gather3A_190, %gather3A_191 : vector<16xf32>
      %add3A_193 = arith.addf %add3A_153, %mul3A_192 : vector<16xf32>
      %add3A_194 = arith.constant 8 : i32
      %add3A_195 = vector.broadcast %add3A_194 : i32 to vector<16xi32>
      %add3A_196 = arith.addi %scan3A_118, %add3A_195 : vector<16xi32>
      scf.yield %add3A_163, %add3A_173, %add3A_183, %add3A_193, %add3A_196 : vector<16xf32>, vector<16xf32>, vector<16xf32>, vector<16xf32>, vector<16xi32>
    }
    %scan3A_44 = arith.constant 16 : i32
    %add3A_45 = arith.addf %scan3A_43#0, %scan3A_43#1 : vector<16xf32>
    %add3A_46 = arith.addf %scan3A_43#2, %scan3A_43#3 : vector<16xf32>
    %add3A_47 = arith.addf %add3A_45, %add3A_46 : vector<16xf32>
    %swap3A = arith.constant 0 : index
    %swap3A_48 = tpu.vector_load %arg13[%swap3A] {strides = array<i32>} : memref<80xf32, #tpu.memory_space<vmem>>, vector<16xf32>,
    tpu.vector_store %arg13[%swap3A], %add3A_47 {strides = array<i32>} : memref<80xf32, #tpu.memory_space<vmem>>, vector<16xf32>,
    %add3A_49 = arith.constant 16 : i32
    %add3A_50 = vector.broadcast %add3A_49 : i32 to vector<16xi32>
    %add3A_51 = arith.addi %add3A_50, %iota3A : vector<16xi32>
    %scan3A_52 = arith.constant 0 : i32
    %scan3A_53 = arith.constant 16 : i32
    %scan3A_54 = arith.addi %scan3A_52, %scan3A_53 : i32
    %scan3A_55 = arith.constant 1 : i32
    %scan3A_56:5 = scf.for %scan3A_113 = %scan3A_52 to %scan3A_54 step %scan3A_55 iter_args(%scan3A_114 = %broadcast_in_dim3A_3, %scan3A_115 = %broadcast_in_dim3A_3, %scan3A_116 = %broadcast_in_dim3A_3, %scan3A_117 = %broadcast_in_dim3A_3, %scan3A_118 = %iota3A) -> (vector<16xf32>, vector<16xf32>, vector<16xf32>, vector<16xf32>, vector<16xi32>)  : i32 {
      %and3A = arith.constant 127 : i32
      %and3A_119 = vector.broadcast %and3A : i32 to vector<16xi32>
      %and3A_120 = arith.andi %scan3A_118, %and3A_119 : vector<16xi32>
      %gather3A = tpu.vector_load_idx %arg9[%add3A_51, %and3A_120] : memref<80x128xf32, #tpu.memory_space<vmem>>[vector<16xi32>, vector<16xi32>], vector<16xf32>,
      %gather3A_121 = tpu.vector_load_idx %arg10[%add3A_51, %and3A_120] : memref<80x128xf32, #tpu.memory_space<vmem>>[vector<16xi32>, vector<16xi32>], vector<16xf32>,
      %mul3A_122 = arith.mulf %gather3A, %gather3A_121 : vector<16xf32>
      %add3A_123 = arith.addf %scan3A_114, %mul3A_122 : vector<16xf32>
      %add3A_124 = arith.constant 1 : i32
      %add3A_125 = vector.broadcast %add3A_124 : i32 to vector<16xi32>
      %add3A_126 = arith.addi %scan3A_118, %add3A_125 : vector<16xi32>
      %and3A_127 = arith.constant 127 : i32
      %and3A_128 = vector.broadcast %and3A_127 : i32 to vector<16xi32>
      %and3A_129 = arith.andi %add3A_126, %and3A_128 : vector<16xi32>
      %gather3A_130 = tpu.vector_load_idx %arg9[%add3A_51, %and3A_129] : memref<80x128xf32, #tpu.memory_space<vmem>>[vector<16xi32>, vector<16xi32>], vector<16xf32>,
      %gather3A_131 = tpu.vector_load_idx %arg10[%add3A_51, %and3A_129] : memref<80x128xf32, #tpu.memory_space<vmem>>[vector<16xi32>, vector<16xi32>], vector<16xf32>,
      %mul3A_132 = arith.mulf %gather3A_130, %gather3A_131 : vector<16xf32>
      %add3A_133 = arith.addf %scan3A_115, %mul3A_132 : vector<16xf32>
      %add3A_134 = arith.constant 2 : i32
      %add3A_135 = vector.broadcast %add3A_134 : i32 to vector<16xi32>
      %add3A_136 = arith.addi %scan3A_118, %add3A_135 : vector<16xi32>
      %and3A_137 = arith.constant 127 : i32
      %and3A_138 = vector.broadcast %and3A_137 : i32 to vector<16xi32>
      %and3A_139 = arith.andi %add3A_136, %and3A_138 : vector<16xi32>
      %gather3A_140 = tpu.vector_load_idx %arg9[%add3A_51, %and3A_139] : memref<80x128xf32, #tpu.memory_space<vmem>>[vector<16xi32>, vector<16xi32>], vector<16xf32>,
      %gather3A_141 = tpu.vector_load_idx %arg10[%add3A_51, %and3A_139] : memref<80x128xf32, #tpu.memory_space<vmem>>[vector<16xi32>, vector<16xi32>], vector<16xf32>,
      %mul3A_142 = arith.mulf %gather3A_140, %gather3A_141 : vector<16xf32>
      %add3A_143 = arith.addf %scan3A_116, %mul3A_142 : vector<16xf32>
      %add3A_144 = arith.constant 3 : i32
      %add3A_145 = vector.broadcast %add3A_144 : i32 to vector<16xi32>
      %add3A_146 = arith.addi %scan3A_118, %add3A_145 : vector<16xi32>
      %and3A_147 = arith.constant 127 : i32
      %and3A_148 = vector.broadcast %and3A_147 : i32 to vector<16xi32>
      %and3A_149 = arith.andi %add3A_146, %and3A_148 : vector<16xi32>
      %gather3A_150 = tpu.vector_load_idx %arg9[%add3A_51, %and3A_149] : memref<80x128xf32, #tpu.memory_space<vmem>>[vector<16xi32>, vector<16xi32>], vector<16xf32>,
      %gather3A_151 = tpu.vector_load_idx %arg10[%add3A_51, %and3A_149] : memref<80x128xf32, #tpu.memory_space<vmem>>[vector<16xi32>, vector<16xi32>], vector<16xf32>,
      %mul3A_152 = arith.mulf %gather3A_150, %gather3A_151 : vector<16xf32>
      %add3A_153 = arith.addf %scan3A_117, %mul3A_152 : vector<16xf32>
      %add3A_154 = arith.constant 4 : i32
      %add3A_155 = vector.broadcast %add3A_154 : i32 to vector<16xi32>
      %add3A_156 = arith.addi %scan3A_118, %add3A_155 : vector<16xi32>
      %and3A_157 = arith.constant 127 : i32
      %and3A_158 = vector.broadcast %and3A_157 : i32 to vector<16xi32>
      %and3A_159 = arith.andi %add3A_156, %and3A_158 : vector<16xi32>
      %gather3A_160 = tpu.vector_load_idx %arg9[%add3A_51, %and3A_159] : memref<80x128xf32, #tpu.memory_space<vmem>>[vector<16xi32>, vector<16xi32>], vector<16xf32>,
      %gather3A_161 = tpu.vector_load_idx %arg10[%add3A_51, %and3A_159] : memref<80x128xf32, #tpu.memory_space<vmem>>[vector<16xi32>, vector<16xi32>], vector<16xf32>,
      %mul3A_162 = arith.mulf %gather3A_160, %gather3A_161 : vector<16xf32>
      %add3A_163 = arith.addf %add3A_123, %mul3A_162 : vector<16xf32>
      %add3A_164 = arith.constant 5 : i32
      %add3A_165 = vector.broadcast %add3A_164 : i32 to vector<16xi32>
      %add3A_166 = arith.addi %scan3A_118, %add3A_165 : vector<16xi32>
      %and3A_167 = arith.constant 127 : i32
      %and3A_168 = vector.broadcast %and3A_167 : i32 to vector<16xi32>
      %and3A_169 = arith.andi %add3A_166, %and3A_168 : vector<16xi32>
      %gather3A_170 = tpu.vector_load_idx %arg9[%add3A_51, %and3A_169] : memref<80x128xf32, #tpu.memory_space<vmem>>[vector<16xi32>, vector<16xi32>], vector<16xf32>,
      %gather3A_171 = tpu.vector_load_idx %arg10[%add3A_51, %and3A_169] : memref<80x128xf32, #tpu.memory_space<vmem>>[vector<16xi32>, vector<16xi32>], vector<16xf32>,
      %mul3A_172 = arith.mulf %gather3A_170, %gather3A_171 : vector<16xf32>
      %add3A_173 = arith.addf %add3A_133, %mul3A_172 : vector<16xf32>
      %add3A_174 = arith.constant 6 : i32
      %add3A_175 = vector.broadcast %add3A_174 : i32 to vector<16xi32>
      %add3A_176 = arith.addi %scan3A_118, %add3A_175 : vector<16xi32>
      %and3A_177 = arith.constant 127 : i32
      %and3A_178 = vector.broadcast %and3A_177 : i32 to vector<16xi32>
      %and3A_179 = arith.andi %add3A_176, %and3A_178 : vector<16xi32>
      %gather3A_180 = tpu.vector_load_idx %arg9[%add3A_51, %and3A_179] : memref<80x128xf32, #tpu.memory_space<vmem>>[vector<16xi32>, vector<16xi32>], vector<16xf32>,
      %gather3A_181 = tpu.vector_load_idx %arg10[%add3A_51, %and3A_179] : memref<80x128xf32, #tpu.memory_space<vmem>>[vector<16xi32>, vector<16xi32>], vector<16xf32>,
      %mul3A_182 = arith.mulf %gather3A_180, %gather3A_181 : vector<16xf32>
      %add3A_183 = arith.addf %add3A_143, %mul3A_182 : vector<16xf32>
      %add3A_184 = arith.constant 7 : i32
      %add3A_185 = vector.broadcast %add3A_184 : i32 to vector<16xi32>
      %add3A_186 = arith.addi %scan3A_118, %add3A_185 : vector<16xi32>
      %and3A_187 = arith.constant 127 : i32
      %and3A_188 = vector.broadcast %and3A_187 : i32 to vector<16xi32>
      %and3A_189 = arith.andi %add3A_186, %and3A_188 : vector<16xi32>
      %gather3A_190 = tpu.vector_load_idx %arg9[%add3A_51, %and3A_189] : memref<80x128xf32, #tpu.memory_space<vmem>>[vector<16xi32>, vector<16xi32>], vector<16xf32>,
      %gather3A_191 = tpu.vector_load_idx %arg10[%add3A_51, %and3A_189] : memref<80x128xf32, #tpu.memory_space<vmem>>[vector<16xi32>, vector<16xi32>], vector<16xf32>,
      %mul3A_192 = arith.mulf %gather3A_190, %gather3A_191 : vector<16xf32>
      %add3A_193 = arith.addf %add3A_153, %mul3A_192 : vector<16xf32>
      %add3A_194 = arith.constant 8 : i32
      %add3A_195 = vector.broadcast %add3A_194 : i32 to vector<16xi32>
      %add3A_196 = arith.addi %scan3A_118, %add3A_195 : vector<16xi32>
      scf.yield %add3A_163, %add3A_173, %add3A_183, %add3A_193, %add3A_196 : vector<16xf32>, vector<16xf32>, vector<16xf32>, vector<16xf32>, vector<16xi32>
    }
    %scan3A_57 = arith.constant 16 : i32
    %add3A_58 = arith.addf %scan3A_56#0, %scan3A_56#1 : vector<16xf32>
    %add3A_59 = arith.addf %scan3A_56#2, %scan3A_56#3 : vector<16xf32>
    %add3A_60 = arith.addf %add3A_58, %add3A_59 : vector<16xf32>
    %swap3A_61 = arith.constant 16 : index
    %swap3A_62 = tpu.vector_load %arg13[%swap3A_61] {strides = array<i32>} : memref<80xf32, #tpu.memory_space<vmem>>, vector<16xf32>,
    tpu.vector_store %arg13[%swap3A_61], %add3A_60 {strides = array<i32>} : memref<80xf32, #tpu.memory_space<vmem>>, vector<16xf32>,
    %add3A_63 = arith.constant 32 : i32
    %add3A_64 = vector.broadcast %add3A_63 : i32 to vector<16xi32>
    %add3A_65 = arith.addi %add3A_64, %iota3A : vector<16xi32>
    %scan3A_66 = arith.constant 0 : i32
    %scan3A_67 = arith.constant 16 : i32
    %scan3A_68 = arith.addi %scan3A_66, %scan3A_67 : i32
    %scan3A_69 = arith.constant 1 : i32
    %scan3A_70:5 = scf.for %scan3A_113 = %scan3A_66 to %scan3A_68 step %scan3A_69 iter_args(%scan3A_114 = %broadcast_in_dim3A_3, %scan3A_115 = %broadcast_in_dim3A_3, %scan3A_116 = %broadcast_in_dim3A_3, %scan3A_117 = %broadcast_in_dim3A_3, %scan3A_118 = %iota3A) -> (vector<16xf32>, vector<16xf32>, vector<16xf32>, vector<16xf32>, vector<16xi32>)  : i32 {
      %and3A = arith.constant 127 : i32
      %and3A_119 = vector.broadcast %and3A : i32 to vector<16xi32>
      %and3A_120 = arith.andi %scan3A_118, %and3A_119 : vector<16xi32>
      %gather3A = tpu.vector_load_idx %arg9[%add3A_65, %and3A_120] : memref<80x128xf32, #tpu.memory_space<vmem>>[vector<16xi32>, vector<16xi32>], vector<16xf32>,
      %gather3A_121 = tpu.vector_load_idx %arg10[%add3A_65, %and3A_120] : memref<80x128xf32, #tpu.memory_space<vmem>>[vector<16xi32>, vector<16xi32>], vector<16xf32>,
      %mul3A_122 = arith.mulf %gather3A, %gather3A_121 : vector<16xf32>
      %add3A_123 = arith.addf %scan3A_114, %mul3A_122 : vector<16xf32>
      %add3A_124 = arith.constant 1 : i32
      %add3A_125 = vector.broadcast %add3A_124 : i32 to vector<16xi32>
      %add3A_126 = arith.addi %scan3A_118, %add3A_125 : vector<16xi32>
      %and3A_127 = arith.constant 127 : i32
      %and3A_128 = vector.broadcast %and3A_127 : i32 to vector<16xi32>
      %and3A_129 = arith.andi %add3A_126, %and3A_128 : vector<16xi32>
      %gather3A_130 = tpu.vector_load_idx %arg9[%add3A_65, %and3A_129] : memref<80x128xf32, #tpu.memory_space<vmem>>[vector<16xi32>, vector<16xi32>], vector<16xf32>,
      %gather3A_131 = tpu.vector_load_idx %arg10[%add3A_65, %and3A_129] : memref<80x128xf32, #tpu.memory_space<vmem>>[vector<16xi32>, vector<16xi32>], vector<16xf32>,
      %mul3A_132 = arith.mulf %gather3A_130, %gather3A_131 : vector<16xf32>
      %add3A_133 = arith.addf %scan3A_115, %mul3A_132 : vector<16xf32>
      %add3A_134 = arith.constant 2 : i32
      %add3A_135 = vector.broadcast %add3A_134 : i32 to vector<16xi32>
      %add3A_136 = arith.addi %scan3A_118, %add3A_135 : vector<16xi32>
      %and3A_137 = arith.constant 127 : i32
      %and3A_138 = vector.broadcast %and3A_137 : i32 to vector<16xi32>
      %and3A_139 = arith.andi %add3A_136, %and3A_138 : vector<16xi32>
      %gather3A_140 = tpu.vector_load_idx %arg9[%add3A_65, %and3A_139] : memref<80x128xf32, #tpu.memory_space<vmem>>[vector<16xi32>, vector<16xi32>], vector<16xf32>,
      %gather3A_141 = tpu.vector_load_idx %arg10[%add3A_65, %and3A_139] : memref<80x128xf32, #tpu.memory_space<vmem>>[vector<16xi32>, vector<16xi32>], vector<16xf32>,
      %mul3A_142 = arith.mulf %gather3A_140, %gather3A_141 : vector<16xf32>
      %add3A_143 = arith.addf %scan3A_116, %mul3A_142 : vector<16xf32>
      %add3A_144 = arith.constant 3 : i32
      %add3A_145 = vector.broadcast %add3A_144 : i32 to vector<16xi32>
      %add3A_146 = arith.addi %scan3A_118, %add3A_145 : vector<16xi32>
      %and3A_147 = arith.constant 127 : i32
      %and3A_148 = vector.broadcast %and3A_147 : i32 to vector<16xi32>
      %and3A_149 = arith.andi %add3A_146, %and3A_148 : vector<16xi32>
      %gather3A_150 = tpu.vector_load_idx %arg9[%add3A_65, %and3A_149] : memref<80x128xf32, #tpu.memory_space<vmem>>[vector<16xi32>, vector<16xi32>], vector<16xf32>,
      %gather3A_151 = tpu.vector_load_idx %arg10[%add3A_65, %and3A_149] : memref<80x128xf32, #tpu.memory_space<vmem>>[vector<16xi32>, vector<16xi32>], vector<16xf32>,
      %mul3A_152 = arith.mulf %gather3A_150, %gather3A_151 : vector<16xf32>
      %add3A_153 = arith.addf %scan3A_117, %mul3A_152 : vector<16xf32>
      %add3A_154 = arith.constant 4 : i32
      %add3A_155 = vector.broadcast %add3A_154 : i32 to vector<16xi32>
      %add3A_156 = arith.addi %scan3A_118, %add3A_155 : vector<16xi32>
      %and3A_157 = arith.constant 127 : i32
      %and3A_158 = vector.broadcast %and3A_157 : i32 to vector<16xi32>
      %and3A_159 = arith.andi %add3A_156, %and3A_158 : vector<16xi32>
      %gather3A_160 = tpu.vector_load_idx %arg9[%add3A_65, %and3A_159] : memref<80x128xf32, #tpu.memory_space<vmem>>[vector<16xi32>, vector<16xi32>], vector<16xf32>,
      %gather3A_161 = tpu.vector_load_idx %arg10[%add3A_65, %and3A_159] : memref<80x128xf32, #tpu.memory_space<vmem>>[vector<16xi32>, vector<16xi32>], vector<16xf32>,
      %mul3A_162 = arith.mulf %gather3A_160, %gather3A_161 : vector<16xf32>
      %add3A_163 = arith.addf %add3A_123, %mul3A_162 : vector<16xf32>
      %add3A_164 = arith.constant 5 : i32
      %add3A_165 = vector.broadcast %add3A_164 : i32 to vector<16xi32>
      %add3A_166 = arith.addi %scan3A_118, %add3A_165 : vector<16xi32>
      %and3A_167 = arith.constant 127 : i32
      %and3A_168 = vector.broadcast %and3A_167 : i32 to vector<16xi32>
      %and3A_169 = arith.andi %add3A_166, %and3A_168 : vector<16xi32>
      %gather3A_170 = tpu.vector_load_idx %arg9[%add3A_65, %and3A_169] : memref<80x128xf32, #tpu.memory_space<vmem>>[vector<16xi32>, vector<16xi32>], vector<16xf32>,
      %gather3A_171 = tpu.vector_load_idx %arg10[%add3A_65, %and3A_169] : memref<80x128xf32, #tpu.memory_space<vmem>>[vector<16xi32>, vector<16xi32>], vector<16xf32>,
      %mul3A_172 = arith.mulf %gather3A_170, %gather3A_171 : vector<16xf32>
      %add3A_173 = arith.addf %add3A_133, %mul3A_172 : vector<16xf32>
      %add3A_174 = arith.constant 6 : i32
      %add3A_175 = vector.broadcast %add3A_174 : i32 to vector<16xi32>
      %add3A_176 = arith.addi %scan3A_118, %add3A_175 : vector<16xi32>
      %and3A_177 = arith.constant 127 : i32
      %and3A_178 = vector.broadcast %and3A_177 : i32 to vector<16xi32>
      %and3A_179 = arith.andi %add3A_176, %and3A_178 : vector<16xi32>
      %gather3A_180 = tpu.vector_load_idx %arg9[%add3A_65, %and3A_179] : memref<80x128xf32, #tpu.memory_space<vmem>>[vector<16xi32>, vector<16xi32>], vector<16xf32>,
      %gather3A_181 = tpu.vector_load_idx %arg10[%add3A_65, %and3A_179] : memref<80x128xf32, #tpu.memory_space<vmem>>[vector<16xi32>, vector<16xi32>], vector<16xf32>,
      %mul3A_182 = arith.mulf %gather3A_180, %gather3A_181 : vector<16xf32>
      %add3A_183 = arith.addf %add3A_143, %mul3A_182 : vector<16xf32>
      %add3A_184 = arith.constant 7 : i32
      %add3A_185 = vector.broadcast %add3A_184 : i32 to vector<16xi32>
      %add3A_186 = arith.addi %scan3A_118, %add3A_185 : vector<16xi32>
      %and3A_187 = arith.constant 127 : i32
      %and3A_188 = vector.broadcast %and3A_187 : i32 to vector<16xi32>
      %and3A_189 = arith.andi %add3A_186, %and3A_188 : vector<16xi32>
      %gather3A_190 = tpu.vector_load_idx %arg9[%add3A_65, %and3A_189] : memref<80x128xf32, #tpu.memory_space<vmem>>[vector<16xi32>, vector<16xi32>], vector<16xf32>,
      %gather3A_191 = tpu.vector_load_idx %arg10[%add3A_65, %and3A_189] : memref<80x128xf32, #tpu.memory_space<vmem>>[vector<16xi32>, vector<16xi32>], vector<16xf32>,
      %mul3A_192 = arith.mulf %gather3A_190, %gather3A_191 : vector<16xf32>
      %add3A_193 = arith.addf %add3A_153, %mul3A_192 : vector<16xf32>
      %add3A_194 = arith.constant 8 : i32
      %add3A_195 = vector.broadcast %add3A_194 : i32 to vector<16xi32>
      %add3A_196 = arith.addi %scan3A_118, %add3A_195 : vector<16xi32>
      scf.yield %add3A_163, %add3A_173, %add3A_183, %add3A_193, %add3A_196 : vector<16xf32>, vector<16xf32>, vector<16xf32>, vector<16xf32>, vector<16xi32>
    }
    %scan3A_71 = arith.constant 16 : i32
    %add3A_72 = arith.addf %scan3A_70#0, %scan3A_70#1 : vector<16xf32>
    %add3A_73 = arith.addf %scan3A_70#2, %scan3A_70#3 : vector<16xf32>
    %add3A_74 = arith.addf %add3A_72, %add3A_73 : vector<16xf32>
    %swap3A_75 = arith.constant 32 : index
    %swap3A_76 = tpu.vector_load %arg13[%swap3A_75] {strides = array<i32>} : memref<80xf32, #tpu.memory_space<vmem>>, vector<16xf32>,
    tpu.vector_store %arg13[%swap3A_75], %add3A_74 {strides = array<i32>} : memref<80xf32, #tpu.memory_space<vmem>>, vector<16xf32>,
    %add3A_77 = arith.constant 48 : i32
    %add3A_78 = vector.broadcast %add3A_77 : i32 to vector<16xi32>
    %add3A_79 = arith.addi %add3A_78, %iota3A : vector<16xi32>
    %scan3A_80 = arith.constant 0 : i32
    %scan3A_81 = arith.constant 16 : i32
    %scan3A_82 = arith.addi %scan3A_80, %scan3A_81 : i32
    %scan3A_83 = arith.constant 1 : i32
    %scan3A_84:5 = scf.for %scan3A_113 = %scan3A_80 to %scan3A_82 step %scan3A_83 iter_args(%scan3A_114 = %broadcast_in_dim3A_3, %scan3A_115 = %broadcast_in_dim3A_3, %scan3A_116 = %broadcast_in_dim3A_3, %scan3A_117 = %broadcast_in_dim3A_3, %scan3A_118 = %iota3A) -> (vector<16xf32>, vector<16xf32>, vector<16xf32>, vector<16xf32>, vector<16xi32>)  : i32 {
      %and3A = arith.constant 127 : i32
      %and3A_119 = vector.broadcast %and3A : i32 to vector<16xi32>
      %and3A_120 = arith.andi %scan3A_118, %and3A_119 : vector<16xi32>
      %gather3A = tpu.vector_load_idx %arg9[%add3A_79, %and3A_120] : memref<80x128xf32, #tpu.memory_space<vmem>>[vector<16xi32>, vector<16xi32>], vector<16xf32>,
      %gather3A_121 = tpu.vector_load_idx %arg10[%add3A_79, %and3A_120] : memref<80x128xf32, #tpu.memory_space<vmem>>[vector<16xi32>, vector<16xi32>], vector<16xf32>,
      %mul3A_122 = arith.mulf %gather3A, %gather3A_121 : vector<16xf32>
      %add3A_123 = arith.addf %scan3A_114, %mul3A_122 : vector<16xf32>
      %add3A_124 = arith.constant 1 : i32
      %add3A_125 = vector.broadcast %add3A_124 : i32 to vector<16xi32>
      %add3A_126 = arith.addi %scan3A_118, %add3A_125 : vector<16xi32>
      %and3A_127 = arith.constant 127 : i32
      %and3A_128 = vector.broadcast %and3A_127 : i32 to vector<16xi32>
      %and3A_129 = arith.andi %add3A_126, %and3A_128 : vector<16xi32>
      %gather3A_130 = tpu.vector_load_idx %arg9[%add3A_79, %and3A_129] : memref<80x128xf32, #tpu.memory_space<vmem>>[vector<16xi32>, vector<16xi32>], vector<16xf32>,
      %gather3A_131 = tpu.vector_load_idx %arg10[%add3A_79, %and3A_129] : memref<80x128xf32, #tpu.memory_space<vmem>>[vector<16xi32>, vector<16xi32>], vector<16xf32>,
      %mul3A_132 = arith.mulf %gather3A_130, %gather3A_131 : vector<16xf32>
      %add3A_133 = arith.addf %scan3A_115, %mul3A_132 : vector<16xf32>
      %add3A_134 = arith.constant 2 : i32
      %add3A_135 = vector.broadcast %add3A_134 : i32 to vector<16xi32>
      %add3A_136 = arith.addi %scan3A_118, %add3A_135 : vector<16xi32>
      %and3A_137 = arith.constant 127 : i32
      %and3A_138 = vector.broadcast %and3A_137 : i32 to vector<16xi32>
      %and3A_139 = arith.andi %add3A_136, %and3A_138 : vector<16xi32>
      %gather3A_140 = tpu.vector_load_idx %arg9[%add3A_79, %and3A_139] : memref<80x128xf32, #tpu.memory_space<vmem>>[vector<16xi32>, vector<16xi32>], vector<16xf32>,
      %gather3A_141 = tpu.vector_load_idx %arg10[%add3A_79, %and3A_139] : memref<80x128xf32, #tpu.memory_space<vmem>>[vector<16xi32>, vector<16xi32>], vector<16xf32>,
      %mul3A_142 = arith.mulf %gather3A_140, %gather3A_141 : vector<16xf32>
      %add3A_143 = arith.addf %scan3A_116, %mul3A_142 : vector<16xf32>
      %add3A_144 = arith.constant 3 : i32
      %add3A_145 = vector.broadcast %add3A_144 : i32 to vector<16xi32>
      %add3A_146 = arith.addi %scan3A_118, %add3A_145 : vector<16xi32>
      %and3A_147 = arith.constant 127 : i32
      %and3A_148 = vector.broadcast %and3A_147 : i32 to vector<16xi32>
      %and3A_149 = arith.andi %add3A_146, %and3A_148 : vector<16xi32>
      %gather3A_150 = tpu.vector_load_idx %arg9[%add3A_79, %and3A_149] : memref<80x128xf32, #tpu.memory_space<vmem>>[vector<16xi32>, vector<16xi32>], vector<16xf32>,
      %gather3A_151 = tpu.vector_load_idx %arg10[%add3A_79, %and3A_149] : memref<80x128xf32, #tpu.memory_space<vmem>>[vector<16xi32>, vector<16xi32>], vector<16xf32>,
      %mul3A_152 = arith.mulf %gather3A_150, %gather3A_151 : vector<16xf32>
      %add3A_153 = arith.addf %scan3A_117, %mul3A_152 : vector<16xf32>
      %add3A_154 = arith.constant 4 : i32
      %add3A_155 = vector.broadcast %add3A_154 : i32 to vector<16xi32>
      %add3A_156 = arith.addi %scan3A_118, %add3A_155 : vector<16xi32>
      %and3A_157 = arith.constant 127 : i32
      %and3A_158 = vector.broadcast %and3A_157 : i32 to vector<16xi32>
      %and3A_159 = arith.andi %add3A_156, %and3A_158 : vector<16xi32>
      %gather3A_160 = tpu.vector_load_idx %arg9[%add3A_79, %and3A_159] : memref<80x128xf32, #tpu.memory_space<vmem>>[vector<16xi32>, vector<16xi32>], vector<16xf32>,
      %gather3A_161 = tpu.vector_load_idx %arg10[%add3A_79, %and3A_159] : memref<80x128xf32, #tpu.memory_space<vmem>>[vector<16xi32>, vector<16xi32>], vector<16xf32>,
      %mul3A_162 = arith.mulf %gather3A_160, %gather3A_161 : vector<16xf32>
      %add3A_163 = arith.addf %add3A_123, %mul3A_162 : vector<16xf32>
      %add3A_164 = arith.constant 5 : i32
      %add3A_165 = vector.broadcast %add3A_164 : i32 to vector<16xi32>
      %add3A_166 = arith.addi %scan3A_118, %add3A_165 : vector<16xi32>
      %and3A_167 = arith.constant 127 : i32
      %and3A_168 = vector.broadcast %and3A_167 : i32 to vector<16xi32>
      %and3A_169 = arith.andi %add3A_166, %and3A_168 : vector<16xi32>
      %gather3A_170 = tpu.vector_load_idx %arg9[%add3A_79, %and3A_169] : memref<80x128xf32, #tpu.memory_space<vmem>>[vector<16xi32>, vector<16xi32>], vector<16xf32>,
      %gather3A_171 = tpu.vector_load_idx %arg10[%add3A_79, %and3A_169] : memref<80x128xf32, #tpu.memory_space<vmem>>[vector<16xi32>, vector<16xi32>], vector<16xf32>,
      %mul3A_172 = arith.mulf %gather3A_170, %gather3A_171 : vector<16xf32>
      %add3A_173 = arith.addf %add3A_133, %mul3A_172 : vector<16xf32>
      %add3A_174 = arith.constant 6 : i32
      %add3A_175 = vector.broadcast %add3A_174 : i32 to vector<16xi32>
      %add3A_176 = arith.addi %scan3A_118, %add3A_175 : vector<16xi32>
      %and3A_177 = arith.constant 127 : i32
      %and3A_178 = vector.broadcast %and3A_177 : i32 to vector<16xi32>
      %and3A_179 = arith.andi %add3A_176, %and3A_178 : vector<16xi32>
      %gather3A_180 = tpu.vector_load_idx %arg9[%add3A_79, %and3A_179] : memref<80x128xf32, #tpu.memory_space<vmem>>[vector<16xi32>, vector<16xi32>], vector<16xf32>,
      %gather3A_181 = tpu.vector_load_idx %arg10[%add3A_79, %and3A_179] : memref<80x128xf32, #tpu.memory_space<vmem>>[vector<16xi32>, vector<16xi32>], vector<16xf32>,
      %mul3A_182 = arith.mulf %gather3A_180, %gather3A_181 : vector<16xf32>
      %add3A_183 = arith.addf %add3A_143, %mul3A_182 : vector<16xf32>
      %add3A_184 = arith.constant 7 : i32
      %add3A_185 = vector.broadcast %add3A_184 : i32 to vector<16xi32>
      %add3A_186 = arith.addi %scan3A_118, %add3A_185 : vector<16xi32>
      %and3A_187 = arith.constant 127 : i32
      %and3A_188 = vector.broadcast %and3A_187 : i32 to vector<16xi32>
      %and3A_189 = arith.andi %add3A_186, %and3A_188 : vector<16xi32>
      %gather3A_190 = tpu.vector_load_idx %arg9[%add3A_79, %and3A_189] : memref<80x128xf32, #tpu.memory_space<vmem>>[vector<16xi32>, vector<16xi32>], vector<16xf32>,
      %gather3A_191 = tpu.vector_load_idx %arg10[%add3A_79, %and3A_189] : memref<80x128xf32, #tpu.memory_space<vmem>>[vector<16xi32>, vector<16xi32>], vector<16xf32>,
      %mul3A_192 = arith.mulf %gather3A_190, %gather3A_191 : vector<16xf32>
      %add3A_193 = arith.addf %add3A_153, %mul3A_192 : vector<16xf32>
      %add3A_194 = arith.constant 8 : i32
      %add3A_195 = vector.broadcast %add3A_194 : i32 to vector<16xi32>
      %add3A_196 = arith.addi %scan3A_118, %add3A_195 : vector<16xi32>
      scf.yield %add3A_163, %add3A_173, %add3A_183, %add3A_193, %add3A_196 : vector<16xf32>, vector<16xf32>, vector<16xf32>, vector<16xf32>, vector<16xi32>
    }
    %scan3A_85 = arith.constant 16 : i32
    %add3A_86 = arith.addf %scan3A_84#0, %scan3A_84#1 : vector<16xf32>
    %add3A_87 = arith.addf %scan3A_84#2, %scan3A_84#3 : vector<16xf32>
    %add3A_88 = arith.addf %add3A_86, %add3A_87 : vector<16xf32>
    %swap3A_89 = arith.constant 48 : index
    %swap3A_90 = tpu.vector_load %arg13[%swap3A_89] {strides = array<i32>} : memref<80xf32, #tpu.memory_space<vmem>>, vector<16xf32>,
    tpu.vector_store %arg13[%swap3A_89], %add3A_88 {strides = array<i32>} : memref<80xf32, #tpu.memory_space<vmem>>, vector<16xf32>,
    %add3A_91 = arith.constant 64 : i32
    %add3A_92 = vector.broadcast %add3A_91 : i32 to vector<16xi32>
    %add3A_93 = arith.addi %add3A_92, %iota3A : vector<16xi32>
    %scan3A_94 = arith.constant 0 : i32
    %scan3A_95 = arith.constant 16 : i32
    %scan3A_96 = arith.addi %scan3A_94, %scan3A_95 : i32
    %scan3A_97 = arith.constant 1 : i32
    %scan3A_98:5 = scf.for %scan3A_113 = %scan3A_94 to %scan3A_96 step %scan3A_97 iter_args(%scan3A_114 = %broadcast_in_dim3A_3, %scan3A_115 = %broadcast_in_dim3A_3, %scan3A_116 = %broadcast_in_dim3A_3, %scan3A_117 = %broadcast_in_dim3A_3, %scan3A_118 = %iota3A) -> (vector<16xf32>, vector<16xf32>, vector<16xf32>, vector<16xf32>, vector<16xi32>)  : i32 {
      %and3A = arith.constant 127 : i32
      %and3A_119 = vector.broadcast %and3A : i32 to vector<16xi32>
      %and3A_120 = arith.andi %scan3A_118, %and3A_119 : vector<16xi32>
      %gather3A = tpu.vector_load_idx %arg9[%add3A_93, %and3A_120] : memref<80x128xf32, #tpu.memory_space<vmem>>[vector<16xi32>, vector<16xi32>], vector<16xf32>,
      %gather3A_121 = tpu.vector_load_idx %arg10[%add3A_93, %and3A_120] : memref<80x128xf32, #tpu.memory_space<vmem>>[vector<16xi32>, vector<16xi32>], vector<16xf32>,
      %mul3A_122 = arith.mulf %gather3A, %gather3A_121 : vector<16xf32>
      %add3A_123 = arith.addf %scan3A_114, %mul3A_122 : vector<16xf32>
      %add3A_124 = arith.constant 1 : i32
      %add3A_125 = vector.broadcast %add3A_124 : i32 to vector<16xi32>
      %add3A_126 = arith.addi %scan3A_118, %add3A_125 : vector<16xi32>
      %and3A_127 = arith.constant 127 : i32
      %and3A_128 = vector.broadcast %and3A_127 : i32 to vector<16xi32>
      %and3A_129 = arith.andi %add3A_126, %and3A_128 : vector<16xi32>
      %gather3A_130 = tpu.vector_load_idx %arg9[%add3A_93, %and3A_129] : memref<80x128xf32, #tpu.memory_space<vmem>>[vector<16xi32>, vector<16xi32>], vector<16xf32>,
      %gather3A_131 = tpu.vector_load_idx %arg10[%add3A_93, %and3A_129] : memref<80x128xf32, #tpu.memory_space<vmem>>[vector<16xi32>, vector<16xi32>], vector<16xf32>,
      %mul3A_132 = arith.mulf %gather3A_130, %gather3A_131 : vector<16xf32>
      %add3A_133 = arith.addf %scan3A_115, %mul3A_132 : vector<16xf32>
      %add3A_134 = arith.constant 2 : i32
      %add3A_135 = vector.broadcast %add3A_134 : i32 to vector<16xi32>
      %add3A_136 = arith.addi %scan3A_118, %add3A_135 : vector<16xi32>
      %and3A_137 = arith.constant 127 : i32
      %and3A_138 = vector.broadcast %and3A_137 : i32 to vector<16xi32>
      %and3A_139 = arith.andi %add3A_136, %and3A_138 : vector<16xi32>
      %gather3A_140 = tpu.vector_load_idx %arg9[%add3A_93, %and3A_139] : memref<80x128xf32, #tpu.memory_space<vmem>>[vector<16xi32>, vector<16xi32>], vector<16xf32>,
      %gather3A_141 = tpu.vector_load_idx %arg10[%add3A_93, %and3A_139] : memref<80x128xf32, #tpu.memory_space<vmem>>[vector<16xi32>, vector<16xi32>], vector<16xf32>,
      %mul3A_142 = arith.mulf %gather3A_140, %gather3A_141 : vector<16xf32>
      %add3A_143 = arith.addf %scan3A_116, %mul3A_142 : vector<16xf32>
      %add3A_144 = arith.constant 3 : i32
      %add3A_145 = vector.broadcast %add3A_144 : i32 to vector<16xi32>
      %add3A_146 = arith.addi %scan3A_118, %add3A_145 : vector<16xi32>
      %and3A_147 = arith.constant 127 : i32
      %and3A_148 = vector.broadcast %and3A_147 : i32 to vector<16xi32>
      %and3A_149 = arith.andi %add3A_146, %and3A_148 : vector<16xi32>
      %gather3A_150 = tpu.vector_load_idx %arg9[%add3A_93, %and3A_149] : memref<80x128xf32, #tpu.memory_space<vmem>>[vector<16xi32>, vector<16xi32>], vector<16xf32>,
      %gather3A_151 = tpu.vector_load_idx %arg10[%add3A_93, %and3A_149] : memref<80x128xf32, #tpu.memory_space<vmem>>[vector<16xi32>, vector<16xi32>], vector<16xf32>,
      %mul3A_152 = arith.mulf %gather3A_150, %gather3A_151 : vector<16xf32>
      %add3A_153 = arith.addf %scan3A_117, %mul3A_152 : vector<16xf32>
      %add3A_154 = arith.constant 4 : i32
      %add3A_155 = vector.broadcast %add3A_154 : i32 to vector<16xi32>
      %add3A_156 = arith.addi %scan3A_118, %add3A_155 : vector<16xi32>
      %and3A_157 = arith.constant 127 : i32
      %and3A_158 = vector.broadcast %and3A_157 : i32 to vector<16xi32>
      %and3A_159 = arith.andi %add3A_156, %and3A_158 : vector<16xi32>
      %gather3A_160 = tpu.vector_load_idx %arg9[%add3A_93, %and3A_159] : memref<80x128xf32, #tpu.memory_space<vmem>>[vector<16xi32>, vector<16xi32>], vector<16xf32>,
      %gather3A_161 = tpu.vector_load_idx %arg10[%add3A_93, %and3A_159] : memref<80x128xf32, #tpu.memory_space<vmem>>[vector<16xi32>, vector<16xi32>], vector<16xf32>,
      %mul3A_162 = arith.mulf %gather3A_160, %gather3A_161 : vector<16xf32>
      %add3A_163 = arith.addf %add3A_123, %mul3A_162 : vector<16xf32>
      %add3A_164 = arith.constant 5 : i32
      %add3A_165 = vector.broadcast %add3A_164 : i32 to vector<16xi32>
      %add3A_166 = arith.addi %scan3A_118, %add3A_165 : vector<16xi32>
      %and3A_167 = arith.constant 127 : i32
      %and3A_168 = vector.broadcast %and3A_167 : i32 to vector<16xi32>
      %and3A_169 = arith.andi %add3A_166, %and3A_168 : vector<16xi32>
      %gather3A_170 = tpu.vector_load_idx %arg9[%add3A_93, %and3A_169] : memref<80x128xf32, #tpu.memory_space<vmem>>[vector<16xi32>, vector<16xi32>], vector<16xf32>,
      %gather3A_171 = tpu.vector_load_idx %arg10[%add3A_93, %and3A_169] : memref<80x128xf32, #tpu.memory_space<vmem>>[vector<16xi32>, vector<16xi32>], vector<16xf32>,
      %mul3A_172 = arith.mulf %gather3A_170, %gather3A_171 : vector<16xf32>
      %add3A_173 = arith.addf %add3A_133, %mul3A_172 : vector<16xf32>
      %add3A_174 = arith.constant 6 : i32
      %add3A_175 = vector.broadcast %add3A_174 : i32 to vector<16xi32>
      %add3A_176 = arith.addi %scan3A_118, %add3A_175 : vector<16xi32>
      %and3A_177 = arith.constant 127 : i32
      %and3A_178 = vector.broadcast %and3A_177 : i32 to vector<16xi32>
      %and3A_179 = arith.andi %add3A_176, %and3A_178 : vector<16xi32>
      %gather3A_180 = tpu.vector_load_idx %arg9[%add3A_93, %and3A_179] : memref<80x128xf32, #tpu.memory_space<vmem>>[vector<16xi32>, vector<16xi32>], vector<16xf32>,
      %gather3A_181 = tpu.vector_load_idx %arg10[%add3A_93, %and3A_179] : memref<80x128xf32, #tpu.memory_space<vmem>>[vector<16xi32>, vector<16xi32>], vector<16xf32>,
      %mul3A_182 = arith.mulf %gather3A_180, %gather3A_181 : vector<16xf32>
      %add3A_183 = arith.addf %add3A_143, %mul3A_182 : vector<16xf32>
      %add3A_184 = arith.constant 7 : i32
      %add3A_185 = vector.broadcast %add3A_184 : i32 to vector<16xi32>
      %add3A_186 = arith.addi %scan3A_118, %add3A_185 : vector<16xi32>
      %and3A_187 = arith.constant 127 : i32
      %and3A_188 = vector.broadcast %and3A_187 : i32 to vector<16xi32>
      %and3A_189 = arith.andi %add3A_186, %and3A_188 : vector<16xi32>
      %gather3A_190 = tpu.vector_load_idx %arg9[%add3A_93, %and3A_189] : memref<80x128xf32, #tpu.memory_space<vmem>>[vector<16xi32>, vector<16xi32>], vector<16xf32>,
      %gather3A_191 = tpu.vector_load_idx %arg10[%add3A_93, %and3A_189] : memref<80x128xf32, #tpu.memory_space<vmem>>[vector<16xi32>, vector<16xi32>], vector<16xf32>,
      %mul3A_192 = arith.mulf %gather3A_190, %gather3A_191 : vector<16xf32>
      %add3A_193 = arith.addf %add3A_153, %mul3A_192 : vector<16xf32>
      %add3A_194 = arith.constant 8 : i32
      %add3A_195 = vector.broadcast %add3A_194 : i32 to vector<16xi32>
      %add3A_196 = arith.addi %scan3A_118, %add3A_195 : vector<16xi32>
      scf.yield %add3A_163, %add3A_173, %add3A_183, %add3A_193, %add3A_196 : vector<16xf32>, vector<16xf32>, vector<16xf32>, vector<16xf32>, vector<16xi32>
    }
    %scan3A_99 = arith.constant 16 : i32
    %add3A_100 = arith.addf %scan3A_98#0, %scan3A_98#1 : vector<16xf32>
    %add3A_101 = arith.addf %scan3A_98#2, %scan3A_98#3 : vector<16xf32>
    %add3A_102 = arith.addf %add3A_100, %add3A_101 : vector<16xf32>
    %swap3A_103 = arith.constant 64 : index
    %swap3A_104 = tpu.vector_load %arg13[%swap3A_103] {strides = array<i32>} : memref<80xf32, #tpu.memory_space<vmem>>, vector<16xf32>,
    tpu.vector_store %arg13[%swap3A_103], %add3A_102 {strides = array<i32>} : memref<80xf32, #tpu.memory_space<vmem>>, vector<16xf32>,
    %add3A_105 = arith.constant 9920 : i32
    %add3A_106 = arith.addi %mul3A_2, %add3A_105 : i32
    %dma_start3A_107 = tpu.memref_slice %arg6[%add3A_106] : memref<320000xf32, #tpu.memory_space<hbm>> -> memref<80xf32, #tpu.memory_space<hbm>>
    %dma_start3A_108 = tpu.memref_slice %arg6[%add3A_106] : memref<320000xf32, #tpu.memory_space<hbm>> -> memref<80xf32, #tpu.memory_space<hbm>>
    tpu.enqueue_dma source(%arg13 : memref<80xf32, #tpu.memory_space<vmem>>) target(%dma_start3A_108 : memref<80xf32, #tpu.memory_space<hbm>>) target_semaphore(%arg17 : memref<!tpu.dma_semaphore, #tpu.memory_space<semaphore_mem>>)
    %dma_wait3A_109 = tpu.memref_slice %arg6[%mul3A_2] : memref<320000xf32, #tpu.memory_space<hbm>> -> memref<80xf32, #tpu.memory_space<hbm>>
    %dma_wait3A_110 = tpu.memref_slice %arg6[%mul3A_2] : memref<320000xf32, #tpu.memory_space<hbm>> -> memref<80xf32, #tpu.memory_space<hbm>>
    tpu.wait_dma2 semaphore(%arg17 : memref<!tpu.dma_semaphore, #tpu.memory_space<semaphore_mem>>) src(%dma_wait3A_110 : memref<80xf32, #tpu.memory_space<hbm>>) dst(%arg13 : memref<80xf32, #tpu.memory_space<vmem>>)
    %dma_wait3A_111 = tpu.memref_slice %arg6[%mul3A_2] : memref<320000xf32, #tpu.memory_space<hbm>> -> memref<80xf32, #tpu.memory_space<hbm>>
    %dma_wait3A_112 = tpu.memref_slice %arg6[%mul3A_2] : memref<320000xf32, #tpu.memory_space<hbm>> -> memref<80xf32, #tpu.memory_space<hbm>>
    tpu.wait_dma2 semaphore(%arg18 : memref<!tpu.dma_semaphore, #tpu.memory_space<semaphore_mem>>) src(%dma_wait3A_112 : memref<80xf32, #tpu.memory_space<hbm>>) dst(%arg14 : memref<80xf32, #tpu.memory_space<vmem>>)
    return
  }
}

</mosaic_0001>

<sc_bundles>
// kernel: kernel.3.cloned.1.call-start
scs
__scs_entry_jumppad:
0x0: {  	(pc) =	sbr.rel $0x88, $3  }
0x1: {  	(tag) =	ssettag $0x0;
	lr =	simm.s32 $0x1  }
0x2: {  	[smem:$0x3F9E] =	sst lr;
	_ =	strace $0xD0000000  }
0x3: {  	_ = 	snop  }
0x4: {  	_ = 	snop  }
0x5: {  	_ = 	snop  }
0x6: {  	_ = 	snop  }
0x7: {  	_ = 	snop  }
__scs_overlays_trampoline_lowered:
0x8: {  	[smem:$0x3FAD] =	sst s0  }
0x9: {  	[smem:$0x3FAE] =	sst s1  }
0xa: {  	[smem:$0x3FAF] =	sst s2  }
0xb: {  	[smem:$0x3FB0] =	sst s3  }
0xc: {  	[smem:$0x3FB1] =	sst s4  }
0xd: {  	[smem:$0x3FB2] =	sst s5  }
0xe: {  	[smem:$0x3FB3] =	sst s6  }
0xf: {  	[smem:$0x3FB4] =	sst s7  }
0x10: {  	[smem:$0x3FB5] =	sst s8  }
0x11: {  	[smem:$0x3FB6] =	sst s9;
	s0 =	simm.s32 @!p0 $0x0  }
0x12: {  	s1 =	sld [smem:$0x3F9C];
	s0 =	simm.s32 @p0 $0x1  }
0x13: {  	[smem:$0x3FB7] =	sst s0;
	s0 =	simm.s32 @!p1 $0x0  }
0x14: {  	s2 =	sld [smem:$0x3F9B];
	s0 =	simm.s32 @p1 $0x1  }
0x15: {  	[smem:$0x3FB8] =	sst s0;
	s0 =	simm.s32 @!p2 $0x0  }
0x16: {  	s3 =	sld [smem:$0x3FDB];
	s0 =	simm.s32 @p2 $0x1  }
0x17: {  	s4 =	simm.s32 $0x1BF5;
	[smem:$0x3FBA] =	sst s0  }
0x18: {  	s0 =	sld [smem:$0x3F9D];
	_ =	swait.ge [sflag:s4], $0x0  }
0x19: {  	s7 =	sld [smem:$0x3F9E]  }
0x1a: {  	s8 =	sadd.s32 $0xFFFFE003, lr  }
0x1b: {  	s9 =	sadd.s32 $0xFFFFFEF7, lr;
	s5 =	simm.s32 $0xFFFFFFFF;
	p2 =	slt.u32 s8, $0xFFFFF086  }
0x1c: {  	p1 =	slt.u32 s9, $0xF7A;
	s5 =	simm.s32 @!p2 $0x0  }
0x1d: {  	s5 =	simm.s32 @p1 $0x1;
	p0 =	seq.s32 s7, s2  }
0x1e: {  	s7 =	smul.u32 @!p0 $0xF7A, s2;
	p2 =	seq.s32 @!p0 s5, $0x0  }
0x1f: {  	s9 =	smul.u32 $0xF7A, s1;
	s8 =	simm.s32 @!p0 $0x1BF5;
	p2 =	por !p2, p0  }
0x20: {  	[sflag:s8] =	ssyncset.s32 @!p0 $0xFFFFF086;
	s6 =	sadd.s32 @!p0 s3, s7;
	s7 =	simm.s32 @!p0 $0x108  }
0x21: {  	s3 =	sadd.s32 s3, s9;
	s6 =	sadd.s32 @!p0 $0x88, s6;
	s7 =	simm.s32 @p2 $0x1082  }
0x22: {  	[simem:s7], [sflag:s8] =	dma.local @!p0 [hbm:s6], $0xF7A  }
0x23: {  	s9 =	sor.u32 $0xD0000000, s2;
	s6 =	simm.s32 $0x108;
	_ =	swait.ge @!p0 [sflag:s8], $0x0  }
0x24: {  	s3 =	sadd.s32 $0x88, s3;
	s6 =	simm.s32 @!p1 $0x1082;
	[sflag:s4] =	ssyncset.s32 $0xFFFFF086  }
0x25: {  	[simem:s6], [sflag:s4] =	dma.local [hbm:s3], $0xF7A  }
0x26: {  	[smem:$0x3F9E] =	sst s1;
	(tag) =	ssettag s2;
	_ =	strace s9  }
0x27: {  	s1 =	sld [smem:$0x3FAE]  }
0x28: {  	s2 =	sld [smem:$0x3FAF]  }
0x29: {  	s4 =	sld [smem:$0x3FB1]  }
0x2a: {  	p0 =	seq.s32 s5, $0x0;
	s5 =	sld [smem:$0x3FB2]  }
0x2b: {  	s6 =	sld [smem:$0x3FB3]  }
0x2c: {  	s7 =	sld [smem:$0x3FB4]  }
0x2d: {  	s3 =	simm.s32 $0x108;
	s8 =	sld [smem:$0x3FB5]  }
0x2e: {  	s3 =	simm.s32 @!p0 $0x1082;
	s9 =	sld [smem:$0x3FB6]  }
0x2f: {  	lr =	sadd.s32 s0, s3;
	s0 =	sld [smem:$0x3FAD]  }
0x30: {  	s3 =	sld [smem:$0x3FB0]  }
0x31: {  	[smem:$0x3FB9] =	sst s10  }
0x32: {  	s10 =	sld [smem:$0x3FB7];
	_ =	sdelay $0x3  }
0x33: {  	p0 =	seq.s32 s10, $0x1;
	s10 =	sld [smem:$0x3FB9];
	_ =	sdelay $0x3  }
0x34: {  	[smem:$0x3FB9] =	sst s10  }
0x35: {  	s10 =	sld [smem:$0x3FB8];
	_ =	sdelay $0x3  }
0x36: {  	p1 =	seq.s32 s10, $0x1;
	s10 =	sld [smem:$0x3FB9];
	_ =	sdelay $0x3  }
0x37: {  	[smem:$0x3FB9] =	sst s10  }
0x38: {  	s10 =	sld [smem:$0x3FBA]  }
0x39: {  	_ = 	snop;
	(pc) =	sbr.ind lr, $3  }
0x3a: {  	_ = 	snop  }
0x3b: {  	_ = 	snop  }
0x3c: {  	p2 =	seq.s32 s10, $0x1;
	s10 =	sld [smem:$0x3FB9]  }
0x3d: {  	_ =	shalt  }
0x3e: {  	_ =	shalt  }
0x3f: {  	_ =	shalt  }
0x40: {  	_ =	shalt  }
0x41: {  	_ =	shalt  }
0x42: {  	_ =	shalt  }
0x43: {  	_ =	shalt  }
0x44: {  	_ =	shalt  }
0x45: {  	_ =	shalt  }
0x46: {  	_ =	shalt  }
0x47: {  	_ =	shalt  }
0x48: {  	_ =	shalt  }
0x49: {  	_ =	shalt  }
0x4a: {  	_ =	shalt  }
0x4b: {  	_ =	shalt  }
0x4c: {  	_ =	shalt  }
0x4d: {  	_ =	shalt  }
0x4e: {  	_ =	shalt  }
0x4f: {  	_ =	shalt  }
0x50: {  	_ =	shalt  }
0x51: {  	_ =	shalt  }
0x52: {  	_ =	shalt  }
0x53: {  	_ =	shalt  }
0x54: {  	_ =	shalt  }
0x55: {  	_ =	shalt  }
0x56: {  	_ =	shalt  }
0x57: {  	_ =	shalt  }
0x58: {  	_ =	shalt  }
0x59: {  	_ =	shalt  }
0x5a: {  	_ =	shalt  }
0x5b: {  	_ =	shalt  }
0x5c: {  	_ =	shalt  }
0x5d: {  	_ =	shalt  }
0x5e: {  	_ =	shalt  }
0x5f: {  	_ =	shalt  }
0x60: {  	_ =	shalt  }
0x61: {  	_ =	shalt  }
0x62: {  	_ =	shalt  }
0x63: {  	_ =	shalt  }
0x64: {  	_ =	shalt  }
0x65: {  	_ =	shalt  }
0x66: {  	_ =	shalt  }
0x67: {  	_ =	shalt  }
0x68: {  	_ =	shalt  }
0x69: {  	_ =	shalt  }
0x6a: {  	_ =	shalt  }
0x6b: {  	_ =	shalt  }
0x6c: {  	_ =	shalt  }
0x6d: {  	_ =	shalt  }
0x6e: {  	_ =	shalt  }
0x6f: {  	_ =	shalt  }
0x70: {  	_ =	shalt  }
0x71: {  	_ =	shalt  }
0x72: {  	_ =	shalt  }
0x73: {  	_ =	shalt  }
0x74: {  	_ =	shalt  }
0x75: {  	_ =	shalt  }
0x76: {  	_ =	shalt  }
0x77: {  	_ =	shalt  }
0x78: {  	_ =	shalt  }
0x79: {  	_ =	shalt  }
0x7a: {  	_ =	shalt  }
0x7b: {  	_ =	shalt  }
0x7c: {  	_ =	shalt  }
0x7d: {  	_ =	shalt  }
0x7e: {  	_ =	shalt  }
0x7f: {  	_ =	shalt  }
0x80: {  	_ =	shalt  }
0x81: {  	_ =	shalt  }
0x82: {  	_ =	shalt  }
0x83: {  	_ =	shalt  }
0x84: {  	_ =	shalt  }
0x85: {  	_ =	shalt  }
0x86: {  	_ =	shalt  }
0x87: {  	_ =	shalt  }
.Lfunc_end0:
.L_simem_size_0:
called_computation_lowered:
.L_overlay_start_0:
0x88: {  	s2 =	sld [smem:$0x3FD9]  }
0x89: {  	s3 =	sld [smem:$0x3FFE];
	_ =	sdelay $0x1  }
0x8a: {  	s1 =	srdreg.scid  }
0x8b: {  	s0 =	sand.u32 $0x1, s1  }
0x8c: {  	s17 =	sshll.u32 s0, $0xA;
	s2 =	sadd.s32 s3, s2  }
0x8d: {  	s2 =	sadd.s32 s2, s17  }
0x8e: {  	[smem:$0x3FC5] =	sst s2  }
0x8f: {  	_ = 	snop  }
0x90: {  	s2 =	sld [smem:$0x3FC9]  }
0x91: {  	s18 =	sld [smem:$0x3FC8]  }
0x92: {  	s4 =	sld [smem:$0x3FD0];
	(tm) =	ssettm $0x1  }
0x93: {  	s5 =	sld [smem:$0x3FFB];
	_ =	sdelay $0x3  }
0x94: {  	_ =	strace s5  }
0x95: {  	s5 =	sld [smem:$0x3FFC];
	_ =	sdelay $0x3  }
0x96: {  	_ =	strace s5  }
0x97: {  	s5 =	sld [smem:$0x3FFD];
	_ =	sdelay $0x3  }
0x98: {  	_ =	strace s5  }
0x99: {  	_ =	strace $0x8FFFFFFF  }
0x9a: {  	s19 =	sld [smem:$0x3FDB];
	_ =	sdelay $0x1  }
0x9b: {  	s6 =	simm.s32 $_scs_section_size  }
0x9c: {  	s7 =	simm.s32 $_size__tile_overlayer_lowered;
	s8 =	simm.s32 $_tile_overlayer_lowered  }
0x9d: {  	s22 =	simm.s32 $0x1BFF;
	s21 =	sshll.u32 s8, $0x1;
	s5 =	sadd.s32 s6, s19  }
0x9e: {  	s9 =	simm.s32 $0x0;
	s20 =	sshll.u32 s7, $0x1;
	s7 =	sadd.s32 s21, s5  }
0x9f: {  	[timem:s9], [sflag:s22] =	dma.local [hbm:s7], s20  }
0xa0: {  	_ =	swait.ge [sflag:s22], s20  }
0xa1: {  	s6 =	ssub.s32 $0x0, s20;
	[sflag:s22] =	ssyncset.done $0x0  }
0xa2: {  	[sflag:s22] =	ssyncadd.s32 s6;
	_ =	sdelay $0x1  }
0xa3: {  	s23 =	simm.s32 $0x1B8B  }
0xa4: {  	_ =	swait.ge [sflag:s23], $0x1  }
0xa5: {  	[sflag:s23] =	ssyncset.done $0x0  }
0xa6: {  	s25 =	simm.s32 $0x1B8E;
	s24 =	sld [smem:$0x3FFE];
	[sflag:s23] =	ssyncadd.s32 $0xFFFFFFFF  }
0xa7: {  	s26 =	simm.s32 $execute0_lowered;
	[smem:$0x3FD2] =	sst s25  }
0xa8: {  	s7 =	sshll.u32 s26, $0x1;
	_ =	strace $0x80000046;
	[dreg:$0x1] =	wrdreg $0xFFFFFFFF  }
0xa9: {  	s28 =	simm.s32 $_size_execute0_lowered;
	s5 =	sadd.s32 s5, s7;
	[dreg:$0x0] =	wrdreg $0x0  }
0xaa: {  	s7 =	sshll.u32 s28, $0x1;
	[dreg:$0x2] =	wrdreg s5  }
0xab: {  	[dreg:$0x3] =	wrdreg s7  }
0xac: {  	[dreg:$0x4] =	wrdreg $0xC0  }
0xad: {  	_ =	task [dreg:s9], $0x5FFFF  }
0xae: {  	[dreg:$0x1] =	wrdreg $0xFFFFFFFF  }
0xaf: {  	[dreg:$0x0] =	wrdreg $0x60  }
0xb0: {  	[dreg:$0x2] =	wrdreg s2  }
0xb1: {  	[dreg:$0x3] =	wrdreg s18  }
0xb2: {  	[dreg:$0x4] =	wrdreg s24  }
0xb3: {  	[dreg:$0x5] =	wrdreg s4  }
0xb4: {  	[dreg:$0x6] =	wrdreg $0x9  }
0xb5: {  	_ =	task.clear_ibuf [dreg:s9], $0x7FFFF;
	_ =	strace $0x90000046  }
0xb6: {  	s29 =	simm.s32 $0x9;
	_ =	strace $0x80000048  }
0xb7: {  	_ =	swait.ge [sflag:s29], $0x1  }
0xb8: {  	[sflag:s29] =	ssyncadd.s32 $0xFFFFFFFF  }
0xb9: {  	_ =	strace $0x90000048  }
0xba: {  	_ =	sfence  }
0xbb: {  	s30 =	sld [smem:$0x0];
	_ =	sdelay $0x2  }
0xbc: {  	s31 =	sshll.u32 s1, $0xD;
	s1 =	sshrl.u32 s1, $0x2  }
0xbd: {  	s3 =	sand.u32 $0x4000, s31;
	s1 =	sadd.s32 s1, s30  }
0xbe: {  	s0 =	sor.u32 s3, s0;
	s1 =	sshll.u32 s1, $0x11  }
0xbf: {  	s0 =	sor.u32 s1, s0  }
0xc0: {  	s0 =	sadd.s32 $0x8F2B, s0  }
0xc1: {  	[sflag:s0] =	ssyncadd.remote.s32 $0x1  }
0xc2: {  	_ =	sfence.sel $0xFFFF  }
0xc3: {  	[dreg:$0x0] =	wrdreg $0xFFFFFFFF;
	(pc) =	sbr.abs _section_cstart, $3  }
0xc4: {  	[dreg:$0x1] =	wrdreg $0xFFFFFFFF  }
0xc5: {  	_ =	task.clear_ibuf [dreg:s9], $0x2FFFF;
	_ =	strace $0x9FFFFFFF  }
0xc6: {  	(tm) =	ssettm $0x7FFFFFFF  }
0xc7: {  	_ =	shalt  }
tec
execute0_lowered:
.L_overlay_start_1:
0x0: {  	(tag) =	ssettag $0x1  }
0x1: {  	s1 =	rddreg [dreg:$0x0]  }
0x2: {  	s2 =	rddreg [dreg:$0x1]  }
0x3: {  	s3 =	srdreg.scid;
	s7 =	rddreg [dreg:$0x2]  }
0x4: {  	s0 =	stileid.u32;
	s4 =	rddreg [dreg:$0x3];
	s5 =	simm.s32 $0x0  }
0x5: {  	s12 =	simm.s32 $0x5;
	s13 =	simm.s32 $0x2780;
	s14 =	simm.s32 $0xEF00  }
0x6: {  	s15 =	simm.s32 $0xEF80;
	s16 =	simm.s32 $0x50;
	s17 =	simm.s32 $0x4F00  }
0x7: {  	s18 =	simm.s32 $0x7700;
	s19 =	simm.s32 $0x9F00;
	s20 =	simm.s32 $0xC700  }
0x8: {  	s21 =	simm.s32 $0x1;
	s8 =	sand.u32 $0x1, s3;
	s30 =	sshll.u32 s0, $0x1  }
0x9: {  	s22 =	simm.s32 $0x3;
	s23 =	simm.s32 $0x2;
	s6 =	sor.u32 s8, s30  }
0xa: {  	s24 =	simm.s32 $0x4;
	s3 =	rddreg [dreg:$0x4];
	s6 =	smul.u32 $0x2710, s6  }
0xb: {  	v0 =	vlaneseq.u32;
	s25 =	simm.s32 $0x0;
	[smem:$0x7FF] =	sst s5;
	s9 =	ssub.s32 $0x2, s8  }
0xc: {  	v0 =	vmul.u32 $0x80, v0;
	_ =	strace $0x80000047;
	s10 =	sshrl.u32 s9, $0x1;
	s31 =	sshrl.u32 s6, $0x3  }
0xd: {  	s11 =	ssub.s32 s9, s10;
	s7 =	sadd.s32 s7, s31;
	s8 =	sadd.s32 s4, s31  }
0xe: {  	v1 =	vor.u32 $0x800, v0;
	v2 =	vor.u32 $0x1000, v0;
	v3 =	vor.u32 $0x1800, v0;
	s11 =	smax.u32 s11, $0x1;
	s9 =	sadd.s32 $0x9E00, s7;
	s10 =	sadd.s32 $0x4D8, s8  }
.LBB2_1:
0xf: {  	[tilespmem:s5], [sflag:$0x5] =	stream.linear.gather [hbm4b:s9+s5], $0x2710, $0x38;
	[tilespmem:$0xF000] =	vst v63  }
0x10: {  	_ =	swait.ge [sflag:s12], $0x2710  }
0x11: {  	[sflag:s12] =	ssyncset.done $0x0  }
0x12: {  	[sflag:s12] =	ssyncadd.s32 $0xFFFFD8F0  }
0x13: {  	[tilespmem:s13], [sflag:$0x5] =	stream.linear.gather [hbm4b:s7+s5], $0x2710, $0x38;
	[tilespmem:$0xF000] =	vst v63  }
0x14: {  	_ =	swait.ge [sflag:s12], $0x2710  }
0x15: {  	[sflag:s12] =	ssyncset.done $0x0  }
0x16: {  	[sflag:s12] =	ssyncadd.s32 $0xFFFFD8F0  }
0x17: {  	[tilespmem:s14], [sflag:$0x3] =	stream.linear.gather [hbm4b:s8+s5], $0x50, $0x38;
	[tilespmem:$0xF000] =	vst v63  }
0x18: {  	_ = 	snop  }
0x19: {  	[tilespmem:s15], [sflag:$0x4] =	stream.linear.gather [hbm4b:s8+s5], $0x50, $0x38;
	[tilespmem:$0xF000] =	vst v63  }
0x1a: {  	_ = 	snop  }
0x1b: {  	[tilespmem:s17], [sflag:$0x1] =	stream.indirect.gather [hbm4b:s1+s16], $0x80, s5, s16, $0xb8;
	[tilespmem:$0xF000] =	vst v63  }
0x1c: {  	s26 =	simm.s32 $0x0  }
0x1d: {  	[tilespmem:s18], [sflag:$0x1] =	stream.indirect.gather [hbm4b:s2+s16], $0x80, s13, s16, $0xb8;
	[tilespmem:$0xF000] =	vst v63  }
.LBB2_2:
0x1e: {  	s29 =	smul.u32 $0xA0, s26;
	_ =	sdelay $0x1  }
0x1f: {  	s28 =	sadd.s32 $0x50, s29  }
0x20: {  	[tilespmem:s19], [sflag:$0x2] =	stream.indirect.gather [hbm4b:s1+s16], $0x80, s28, s16, $0xb8;
	[tilespmem:$0xF000] =	vst v63  }
0x21: {  	s30 =	sadd.s32 $0x27D0, s29  }
0x22: {  	[tilespmem:s20], [sflag:$0x2] =	stream.indirect.gather [hbm4b:s2+s16], $0x80, s30, s16, $0xb8;
	[tilespmem:$0xF000] =	vst v63  }
0x23: {  	_ =	swait.ge [sflag:s21], $0x2800  }
0x24: {  	[sflag:s21] =	ssyncset.done $0x0  }
0x25: {  	v4 =	vlaneseq.u32;
	[sflag:s21] =	ssyncadd.s32 $0xFFFFD800  }
0x26: {  	v5 =	vand.u32 $0x7F, v4;
	_ =	swait.ge [sflag:s21], $0x2800  }
0x27: {  	v6 =	vadd.s32 $0x4, v4;
	v5 =	vor.u32 v0, v5;
	[sflag:s21] =	ssyncset.done $0x0  }
0x28: {  	v6 =	vand.u32 $0x7F, v6;
	[sflag:s21] =	ssyncadd.s32 $0xFFFFD800  }
0x29: {  	v7 =	vadd.s32 $0x5, v4;
	v6 =	vor.u32 v0, v6;
	_ =	swait.ge [sflag:s22], $0x50  }
0x2a: {  	v7 =	vand.u32 $0x7F, v7;
	[sflag:s22] =	ssyncset.done $0x0  }
0x2b: {  	v12 =	vadd.s32 $0x3, v4;
	v7 =	vor.u32 v0, v7;
	[sflag:s22] =	ssyncadd.s32 $0xFFFFFFB0  }
0x2c: {  	v8 =	vadd.s32 $0x6, v4;
	v12 =	vand.u32 $0x7F, v12;
	v9 =	vld.idx.msk [tilespmem:v5+s17+$0x0], $0xffff  }
0x2d: {  	v8 =	vand.u32 $0x7F, v8;
	v12 =	vor.u32 v0, v12;
	v11 =	vld.idx.msk [tilespmem:v5+s18+$0x0], $0xffff  }
0x2e: {  	v5 =	vor.u32 v0, v8;
	v13 =	vld.idx.msk [tilespmem:v6+s17+$0x0], $0xffff  }
0x2f: {  	v10 =	vadd.s32 $0x1, v4;
	v6 =	vld.idx.msk [tilespmem:v6+s18+$0x0], $0xffff  }
0x30: {  	v8 =	vand.u32 $0x7F, v10;
	v10 =	vadd.s32 $0x2, v4;
	v14 =	vld.idx.msk [tilespmem:v7+s17+$0x0], $0xffff  }
0x31: {  	v7 =	vld.idx.msk [tilespmem:v7+s18+$0x0], $0xffff;
	v8 =	vor.u32 v0, v8;
	v10 =	vand.u32 $0x7F, v10  }
0x32: {  	v24 =	vld.idx.msk [tilespmem:v12+s17+$0x0], $0xffff;
	v10 =	vor.u32 v0, v10  }
0x33: {  	v15 =	vadd.s32 $0x7, v4;
	v18 =	vld.idx.msk [tilespmem:v5+s17+$0x0], $0xffff  }
0x34: {  	v19 =	vld.idx.msk [tilespmem:v5+s18+$0x0], $0xffff;
	v5 =	vand.u32 $0x7F, v15  }
0x35: {  	v4 =	vadd.s32 $0x8, v4;
	v26 =	vld.idx.msk [tilespmem:v12+s18+$0x0], $0xffff;
	v5 =	vor.u32 v0, v5  }
0x36: {  	v15 =	vand.u32 $0x7F, v4;
	v20 =	vld.idx.msk [tilespmem:v8+s17+$0x0], $0xffff  }
0x37: {  	v16 =	vadd.s32 $0x4, v4;
	v15 =	vor.u32 v0, v15;
	v21 =	vld.idx.msk [tilespmem:v10+s17+$0x0], $0xffff  }
0x38: {  	v23 =	vimm.f32 $0.0e+00;
	v22 =	vld.idx.msk [tilespmem:v10+s18+$0x0], $0xffff;
	v10 =	vand.u32 $0x7F, v16  }
0x39: {  	v17 =	vadd.s32 $0x1, v4;
	v8 =	vld.idx.msk [tilespmem:v8+s18+$0x0], $0xffff;
	v16 =	vadd.s32 $0x6, v4;
	v25 =	vor.u32 v0, v10  }
0x3a: {  	v28 =	vadd.s32 $0x2, v4;
	v10 =	vadd.s32 $0x5, v4;
	v16 =	vand.u32 $0x7F, v16;
	v27 =	vld.idx.msk [tilespmem:v5+s17+$0x0], $0xffff  }
0x3b: {  	v32 =	vand.u32 $0x7F, v17;
	v12 =	vand.u32 $0x7F, v10;
	v17 =	vor.u32 v0, v16;
	v31 =	vld.idx.msk [tilespmem:v5+s18+$0x0], $0xffff  }
0x3c: {  	v29 =	vadd.s32 $0x3, v4;
	v9 =	vmul.f32 v11, v9;
	v30 =	vor.u32 v0, v12;
	v12 =	vld.idx.msk [tilespmem:v15+s17+$0x0], $0xffff  }
0x3d: {  	v28 =	vand.u32 $0x7F, v28;
	v13 =	vmul.f32 v6, v13;
	v14 =	vmul.f32 v7, v14;
	v5 =	vld.idx.msk [tilespmem:v15+s18+$0x0], $0xffff  }
0x3e: {  	v62 =	vadd.f32 v9, v23;
	v10 =	vadd.s32 $0x7, v4;
	v11 =	vmul.f32 v8, v20;
	v6 =	vld.idx.msk [tilespmem:v25+s17+$0x0], $0xffff  }
0x3f: {  	v16 =	vor.u32 v0, v32;
	v20 =	vmul.f32 v22, v21;
	v21 =	vmul.f32 v26, v24;
	v8 =	vld.idx.msk [tilespmem:v25+s18+$0x0], $0xffff  }
0x40: {  	v18 =	vmul.f32 v19, v18;
	v15 =	vor.u32 v0, v28;
	v63 =	vadd.f32 v11, v23;
	v9 =	vld.idx.msk [tilespmem:v17+s17+$0x0], $0xffff  }
0x41: {  	v20 =	vadd.f32 v20, v23;
	v19 =	vadd.f32 v21, v23;
	v7 =	vld.idx.msk [tilespmem:v30+s17+$0x0], $0xffff;
	v21 =	vmul.f32 v31, v27  }
0x42: {  	s30 =	simm.s32 $0xE;
	v13 =	vadd.f32 v13, v62;
	v22 =	vand.u32 $0x7F, v29;
	v11 =	vld.idx.msk [tilespmem:v30+s18+$0x0], $0xffff;
	v14 =	vadd.f32 v14, v63  }
.LBB2_3:
0x43: {  	p0 =	sne.s32 s30, $0x1;
	v22 =	vor.u32 v0, v22;
	v23 =	vld.idx.msk [tilespmem:v17+s18+$0x0], $0xffff;
	v20 =	vadd.f32 v18, v20;
	v19 =	vadd.f32 v21, v19  }
0x44: {  	v10 =	vand.u32 $0x7F, v10;
	v18 =	vld.idx.msk [tilespmem:v16+s17+$0x0], $0xffff  }
0x45: {  	v4 =	vadd.s32 $0x8, v4;
	v21 =	vld.idx.msk [tilespmem:v16+s18+$0x0], $0xffff;
	v16 =	vor.u32 v0, v10  }
0x46: {  	v10 =	vand.u32 $0x7F, v4;
	v24 =	vld.idx.msk [tilespmem:v15+s17+$0x0], $0xffff  }
0x47: {  	v25 =	vor.u32 v0, v10;
	v10 =	vadd.s32 $0x4, v4;
	v26 =	vld.idx.msk [tilespmem:v15+s18+$0x0], $0xffff  }
0x48: {  	v10 =	vand.u32 $0x7F, v10;
	v27 =	vld.idx.msk [tilespmem:v22+s17+$0x0], $0xffff  }
0x49: {  	v15 =	vadd.s32 $0x6, v4;
	v28 =	vor.u32 v0, v10;
	v10 =	vadd.s32 $0x5, v4;
	v22 =	vld.idx.msk [tilespmem:v22+s18+$0x0], $0xffff  }
0x4a: {  	v17 =	vadd.s32 $0x1, v4;
	v29 =	vand.u32 $0x7F, v10;
	v10 =	vadd.s32 $0x7, v4;
	v30 =	vld.idx.msk [tilespmem:v16+s17+$0x0], $0xffff  }
0x4b: {  	v31 =	vadd.s32 $0x2, v4;
	v32 =	vadd.s32 $0x3, v4;
	v29 =	vor.u32 v0, v29;
	v33 =	vld.idx.msk [tilespmem:v16+s18+$0x0], $0xffff  }
0x4c: {  	v31 =	vand.u32 $0x7F, v31;
	v15 =	vand.u32 $0x7F, v15;
	v16 =	vand.u32 $0x7F, v17;
	v34 =	vld.idx.msk [tilespmem:v25+s17+$0x0], $0xffff  }
0x4d: {  	v12 =	vmul.f32 v5, v12;
	v17 =	vor.u32 v0, v15;
	v5 =	vld.idx.msk [tilespmem:v25+s18+$0x0], $0xffff;
	v25 =	vmul.f32 v8, v6  }
.Ltmp0:
0x4e: {  	v35 =	vmul.f32 v11, v7;
	v18 =	vmul.f32 v21, v18;
	v16 =	vor.u32 v0, v16;
	v6 =	vld.idx.msk [tilespmem:v28+s17+$0x0], $0xffff;
	(pc) =	sbr.rel @p0 .LBB2_3-.Ltmp0, $4  }
0x4f: {  	v15 =	vor.u32 v0, v31;
	v21 =	vmul.f32 v26, v24;
	v22 =	vmul.f32 v22, v27;
	v8 =	vld.idx.msk [tilespmem:v28+s18+$0x0], $0xffff  }
0x50: {  	v24 =	vadd.f32 v12, v13;
	v14 =	vadd.f32 v18, v14;
	v18 =	vmul.f32 v23, v9;
	v7 =	vld.idx.msk [tilespmem:v29+s17+$0x0], $0xffff  }
0x51: {  	v20 =	vadd.f32 v21, v20;
	v19 =	vadd.f32 v22, v19;
	v21 =	vmul.f32 v33, v30;
	v11 =	vld.idx.msk [tilespmem:v29+s18+$0x0], $0xffff  }
0x52: {  	s30 =	sadd.s32 $0xFFFFFFFF, s30;
	v14 =	vadd.f32 v35, v14;
	v13 =	vadd.f32 v25, v24;
	v22 =	vand.u32 $0x7F, v32;
	v12 =	vmovc v34;
	v9 =	vld.idx.msk [tilespmem:v17+s17+$0x0], $0xffff  }
0x53: {  	_ =	sdelay $0x3  }
0x54: {  	v4 =	vor.u32 v0, v22;
	v17 =	vld.idx.msk [tilespmem:v17+s18+$0x0], $0xffff  }
0x55: {  	v22 =	vld.idx.msk [tilespmem:v16+s17+$0x0], $0xffff;
	v10 =	vand.u32 $0x7F, v10  }
0x56: {  	v16 =	vld.idx.msk [tilespmem:v16+s18+$0x0], $0xffff;
	v10 =	vor.u32 v0, v10  }
0x57: {  	v23 =	vld.idx.msk [tilespmem:v15+s17+$0x0], $0xffff  }
0x58: {  	v15 =	vld.idx.msk [tilespmem:v15+s18+$0x0], $0xffff  }
0x59: {  	v24 =	vld.idx.msk [tilespmem:v4+s17+$0x0], $0xffff  }
0x5a: {  	v4 =	vld.idx.msk [tilespmem:v4+s18+$0x0], $0xffff  }
0x5b: {  	v25 =	vld.idx.msk [tilespmem:v10+s17+$0x0], $0xffff  }
0x5c: {  	v10 =	vld.idx.msk [tilespmem:v10+s18+$0x0], $0xffff  }
0x5d: {  	v5 =	vmul.f32 v5, v12;
	v6 =	vmul.f32 v8, v6  }
0x5e: {  	v8 =	vadd.f32 v18, v20;
	v7 =	vmul.f32 v11, v7;
	v12 =	vmul.f32 v16, v22  }
0x5f: {  	v11 =	vadd.f32 v21, v19;
	v15 =	vmul.f32 v15, v23;
	v4 =	vmul.f32 v4, v24  }
0x60: {  	v5 =	vadd.f32 v5, v13;
	v9 =	vmul.f32 v17, v9;
	v12 =	vadd.f32 v12, v14  }
0x61: {  	v8 =	vadd.f32 v15, v8;
	v10 =	vmul.f32 v10, v25;
	v4 =	vadd.f32 v4, v11  }
0x62: {  	v5 =	vadd.f32 v6, v5;
	v6 =	vadd.f32 v7, v12  }
0x63: {  	v7 =	vadd.f32 v9, v8;
	v8 =	vlaneseq.u32;
	v4 =	vadd.f32 v10, v4  }
0x64: {  	v5 =	vadd.f32 v6, v5;
	v6 =	vand.u32 $0x7F, v8  }
0x65: {  	v6 =	vor.u32 v1, v6;
	v10 =	vadd.s32 $0x1, v8;
	v4 =	vadd.f32 v4, v7  }
0x66: {  	v10 =	vand.u32 $0x7F, v10;
	v7 =	vadd.s32 $0x4, v8  }
0x67: {  	v10 =	vor.u32 v1, v10;
	v7 =	vand.u32 $0x7F, v7;
	v4 =	vadd.f32 v4, v5  }
0x68: {  	v5 =	vor.u32 v1, v7;
	v7 =	vadd.s32 $0x5, v8  }
0x69: {  	v7 =	vand.u32 $0x7F, v7;
	[tilespmem:$0xEF00] =	vst v4  }
0x6a: {  	v4 =	vadd.s32 $0x6, v8;
	v7 =	vor.u32 v1, v7;
	v9 =	vld.idx.msk [tilespmem:v6+s17+$0x0], $0xffff  }
0x6b: {  	v4 =	vand.u32 $0x7F, v4;
	v6 =	vld.idx.msk [tilespmem:v6+s18+$0x0], $0xffff  }
0x6c: {  	v20 =	vld.idx.msk [tilespmem:v10+s17+$0x0], $0xffff;
	v4 =	vor.u32 v1, v4  }
0x6d: {  	v12 =	vadd.s32 $0x2, v8;
	v11 =	vld.idx.msk [tilespmem:v5+s17+$0x0], $0xffff  }
0x6e: {  	v13 =	vld.idx.msk [tilespmem:v5+s18+$0x0], $0xffff;
	v5 =	vand.u32 $0x7F, v12  }
0x6f: {  	v12 =	vadd.s32 $0x3, v8;
	v5 =	vor.u32 v1, v5;
	v14 =	vld.idx.msk [tilespmem:v7+s17+$0x0], $0xffff  }
0x70: {  	v12 =	vand.u32 $0x7F, v12;
	v7 =	vld.idx.msk [tilespmem:v7+s18+$0x0], $0xffff  }
0x71: {  	v15 =	vadd.s32 $0x7, v8;
	v12 =	vor.u32 v1, v12;
	v18 =	vld.idx.msk [tilespmem:v4+s17+$0x0], $0xffff  }
0x72: {  	v19 =	vld.idx.msk [tilespmem:v4+s18+$0x0], $0xffff;
	v4 =	vand.u32 $0x7F, v15  }
0x73: {  	v15 =	vld.idx.msk [tilespmem:v10+s18+$0x0], $0xffff;
	v16 =	vor.u32 v1, v4;
	v4 =	vadd.s32 $0x8, v8  }
0x74: {  	v8 =	vand.u32 $0x7F, v4;
	v21 =	vld.idx.msk [tilespmem:v5+s17+$0x0], $0xffff  }
0x75: {  	v10 =	vadd.s32 $0x4, v4;
	v22 =	vld.idx.msk [tilespmem:v5+s18+$0x0], $0xffff;
	v8 =	vor.u32 v1, v8  }
0x76: {  	v23 =	vimm.f32 $0.0e+00;
	v5 =	vand.u32 $0x7F, v10;
	v59 =	vld.idx.msk [tilespmem:v12+s17+$0x0], $0xffff  }
0x77: {  	v9 =	vmul.f32 v6, v9;
	v17 =	vadd.s32 $0x6, v4;
	v26 =	vld.idx.msk [tilespmem:v12+s18+$0x0], $0xffff;
	v60 =	vor.u32 v1, v5  }
0x78: {  	v13 =	vmul.f32 v13, v11;
	v17 =	vand.u32 $0x7F, v17;
	v5 =	vadd.s32 $0x5, v4;
	v28 =	vld.idx.msk [tilespmem:v16+s17+$0x0], $0xffff  }
0x79: {  	v62 =	vadd.f32 v9, v23;
	v17 =	vor.u32 v1, v17;
	v5 =	vand.u32 $0x7F, v5;
	v32 =	vld.idx.msk [tilespmem:v16+s18+$0x0], $0xffff  }
0x7a: {  	v27 =	vadd.s32 $0x1, v4;
	v29 =	vadd.s32 $0x2, v4;
	v31 =	vor.u32 v1, v5;
	v12 =	vld.idx.msk [tilespmem:v8+s17+$0x0], $0xffff  }
0x7b: {  	v30 =	vadd.s32 $0x3, v4;
	v10 =	vadd.s32 $0x7, v4;
	v61 =	vand.u32 $0x7F, v29;
	v5 =	vld.idx.msk [tilespmem:v8+s18+$0x0], $0xffff  }
0x7c: {  	v14 =	vmul.f32 v7, v14;
	v11 =	vmul.f32 v15, v20;
	v16 =	vand.u32 $0x7F, v27;
	v6 =	vld.idx.msk [tilespmem:v60+s17+$0x0], $0xffff  }
0x7d: {  	v16 =	vor.u32 v1, v16;
	v20 =	vmul.f32 v22, v21;
	v21 =	vmul.f32 v26, v59;
	v8 =	vld.idx.msk [tilespmem:v60+s18+$0x0], $0xffff  }
0x7e: {  	v15 =	vor.u32 v1, v61;
	v18 =	vmul.f32 v19, v18;
	v63 =	vadd.f32 v11, v23;
	v9 =	vld.idx.msk [tilespmem:v17+s17+$0x0], $0xffff  }
0x7f: {  	v20 =	vadd.f32 v20, v23;
	v19 =	vadd.f32 v21, v23;
	v7 =	vld.idx.msk [tilespmem:v31+s17+$0x0], $0xffff;
	v21 =	vmul.f32 v32, v28  }
0x80: {  	s30 =	simm.s32 $0xE;
	v13 =	vadd.f32 v13, v62;
	v22 =	vand.u32 $0x7F, v30;
	v14 =	vadd.f32 v14, v63;
	v11 =	vld.idx.msk [tilespmem:v31+s18+$0x0], $0xffff  }
.LBB2_5:
0x81: {  	p0 =	sne.s32 s30, $0x1;
	v22 =	vor.u32 v1, v22;
	v23 =	vld.idx.msk [tilespmem:v17+s18+$0x0], $0xffff;
	v20 =	vadd.f32 v18, v20;
	v19 =	vadd.f32 v21, v19  }
0x82: {  	v10 =	vand.u32 $0x7F, v10;
	v18 =	vld.idx.msk [tilespmem:v16+s17+$0x0], $0xffff  }
0x83: {  	v4 =	vadd.s32 $0x8, v4;
	v21 =	vld.idx.msk [tilespmem:v16+s18+$0x0], $0xffff;
	v16 =	vor.u32 v1, v10  }
0x84: {  	v10 =	vand.u32 $0x7F, v4;
	v24 =	vld.idx.msk [tilespmem:v15+s17+$0x0], $0xffff  }
0x85: {  	v25 =	vor.u32 v1, v10;
	v10 =	vadd.s32 $0x4, v4;
	v26 =	vld.idx.msk [tilespmem:v15+s18+$0x0], $0xffff  }
0x86: {  	v10 =	vand.u32 $0x7F, v10;
	v27 =	vld.idx.msk [tilespmem:v22+s17+$0x0], $0xffff  }
0x87: {  	v15 =	vadd.s32 $0x6, v4;
	v28 =	vor.u32 v1, v10;
	v10 =	vadd.s32 $0x5, v4;
	v22 =	vld.idx.msk [tilespmem:v22+s18+$0x0], $0xffff  }
0x88: {  	v17 =	vadd.s32 $0x1, v4;
	v29 =	vand.u32 $0x7F, v10;
	v10 =	vadd.s32 $0x7, v4;
	v30 =	vld.idx.msk [tilespmem:v16+s17+$0x0], $0xffff  }
0x89: {  	v31 =	vadd.s32 $0x2, v4;
	v32 =	vadd.s32 $0x3, v4;
	v29 =	vor.u32 v1, v29;
	v33 =	vld.idx.msk [tilespmem:v16+s18+$0x0], $0xffff  }
0x8a: {  	v31 =	vand.u32 $0x7F, v31;
	v15 =	vand.u32 $0x7F, v15;
	v16 =	vand.u32 $0x7F, v17;
	v34 =	vld.idx.msk [tilespmem:v25+s17+$0x0], $0xffff  }
0x8b: {  	v12 =	vmul.f32 v5, v12;
	v17 =	vor.u32 v1, v15;
	v5 =	vld.idx.msk [tilespmem:v25+s18+$0x0], $0xffff;
	v25 =	vmul.f32 v8, v6  }
.Ltmp1:
0x8c: {  	v35 =	vmul.f32 v11, v7;
	v18 =	vmul.f32 v21, v18;
	v16 =	vor.u32 v1, v16;
	v6 =	vld.idx.msk [tilespmem:v28+s17+$0x0], $0xffff;
	(pc) =	sbr.rel @p0 .LBB2_5-.Ltmp1, $4  }
0x8d: {  	v15 =	vor.u32 v1, v31;
	v21 =	vmul.f32 v26, v24;
	v22 =	vmul.f32 v22, v27;
	v8 =	vld.idx.msk [tilespmem:v28+s18+$0x0], $0xffff  }
0x8e: {  	v24 =	vadd.f32 v12, v13;
	v14 =	vadd.f32 v18, v14;
	v18 =	vmul.f32 v23, v9;
	v7 =	vld.idx.msk [tilespmem:v29+s17+$0x0], $0xffff  }
0x8f: {  	v20 =	vadd.f32 v21, v20;
	v19 =	vadd.f32 v22, v19;
	v21 =	vmul.f32 v33, v30;
	v11 =	vld.idx.msk [tilespmem:v29+s18+$0x0], $0xffff  }
0x90: {  	s30 =	sadd.s32 $0xFFFFFFFF, s30;
	v14 =	vadd.f32 v35, v14;
	v13 =	vadd.f32 v25, v24;
	v22 =	vand.u32 $0x7F, v32;
	v12 =	vmovc v34;
	v9 =	vld.idx.msk [tilespmem:v17+s17+$0x0], $0xffff  }
0x91: {  	_ =	sdelay $0x3  }
0x92: {  	v4 =	vor.u32 v1, v22;
	v17 =	vld.idx.msk [tilespmem:v17+s18+$0x0], $0xffff  }
0x93: {  	v22 =	vld.idx.msk [tilespmem:v16+s17+$0x0], $0xffff;
	v10 =	vand.u32 $0x7F, v10  }
0x94: {  	v16 =	vld.idx.msk [tilespmem:v16+s18+$0x0], $0xffff;
	v10 =	vor.u32 v1, v10  }
0x95: {  	v23 =	vld.idx.msk [tilespmem:v15+s17+$0x0], $0xffff  }
0x96: {  	v15 =	vld.idx.msk [tilespmem:v15+s18+$0x0], $0xffff  }
0x97: {  	v24 =	vld.idx.msk [tilespmem:v4+s17+$0x0], $0xffff  }
0x98: {  	v4 =	vld.idx.msk [tilespmem:v4+s18+$0x0], $0xffff  }
0x99: {  	v25 =	vld.idx.msk [tilespmem:v10+s17+$0x0], $0xffff  }
0x9a: {  	v10 =	vld.idx.msk [tilespmem:v10+s18+$0x0], $0xffff  }
0x9b: {  	v5 =	vmul.f32 v5, v12;
	v6 =	vmul.f32 v8, v6  }
0x9c: {  	v8 =	vadd.f32 v18, v20;
	v7 =	vmul.f32 v11, v7;
	v12 =	vmul.f32 v16, v22  }
0x9d: {  	v11 =	vadd.f32 v21, v19;
	v15 =	vmul.f32 v15, v23;
	v4 =	vmul.f32 v4, v24  }
0x9e: {  	v5 =	vadd.f32 v5, v13;
	v9 =	vmul.f32 v17, v9;
	v12 =	vadd.f32 v12, v14  }
0x9f: {  	v8 =	vadd.f32 v15, v8;
	v10 =	vmul.f32 v10, v25;
	v4 =	vadd.f32 v4, v11  }
0xa0: {  	v5 =	vadd.f32 v6, v5;
	v6 =	vadd.f32 v7, v12  }
0xa1: {  	v7 =	vadd.f32 v9, v8;
	v8 =	vlaneseq.u32;
	v4 =	vadd.f32 v10, v4  }
0xa2: {  	v5 =	vadd.f32 v6, v5;
	v6 =	vand.u32 $0x7F, v8  }
0xa3: {  	v6 =	vor.u32 v2, v6;
	v10 =	vadd.s32 $0x1, v8;
	v4 =	vadd.f32 v4, v7  }
0xa4: {  	v10 =	vand.u32 $0x7F, v10;
	v7 =	vadd.s32 $0x4, v8  }
0xa5: {  	v10 =	vor.u32 v2, v10;
	v7 =	vand.u32 $0x7F, v7;
	v4 =	vadd.f32 v4, v5  }
0xa6: {  	v5 =	vor.u32 v2, v7;
	v7 =	vadd.s32 $0x5, v8  }
0xa7: {  	v7 =	vand.u32 $0x7F, v7;
	[tilespmem:$0xEF10] =	vst v4  }
0xa8: {  	v4 =	vadd.s32 $0x6, v8;
	v7 =	vor.u32 v2, v7;
	v9 =	vld.idx.msk [tilespmem:v6+s17+$0x0], $0xffff  }
0xa9: {  	v4 =	vand.u32 $0x7F, v4;
	v6 =	vld.idx.msk [tilespmem:v6+s18+$0x0], $0xffff  }
0xaa: {  	v20 =	vld.idx.msk [tilespmem:v10+s17+$0x0], $0xffff;
	v4 =	vor.u32 v2, v4  }
0xab: {  	v12 =	vadd.s32 $0x2, v8;
	v11 =	vld.idx.msk [tilespmem:v5+s17+$0x0], $0xffff  }
0xac: {  	v13 =	vld.idx.msk [tilespmem:v5+s18+$0x0], $0xffff;
	v5 =	vand.u32 $0x7F, v12  }
0xad: {  	v12 =	vadd.s32 $0x3, v8;
	v5 =	vor.u32 v2, v5;
	v14 =	vld.idx.msk [tilespmem:v7+s17+$0x0], $0xffff  }
0xae: {  	v12 =	vand.u32 $0x7F, v12;
	v7 =	vld.idx.msk [tilespmem:v7+s18+$0x0], $0xffff  }
0xaf: {  	v15 =	vadd.s32 $0x7, v8;
	v12 =	vor.u32 v2, v12;
	v18 =	vld.idx.msk [tilespmem:v4+s17+$0x0], $0xffff  }
0xb0: {  	v19 =	vld.idx.msk [tilespmem:v4+s18+$0x0], $0xffff;
	v4 =	vand.u32 $0x7F, v15  }
0xb1: {  	v15 =	vld.idx.msk [tilespmem:v10+s18+$0x0], $0xffff;
	v16 =	vor.u32 v2, v4;
	v4 =	vadd.s32 $0x8, v8  }
0xb2: {  	v8 =	vand.u32 $0x7F, v4;
	v21 =	vld.idx.msk [tilespmem:v5+s17+$0x0], $0xffff  }
0xb3: {  	v10 =	vadd.s32 $0x4, v4;
	v22 =	vld.idx.msk [tilespmem:v5+s18+$0x0], $0xffff;
	v8 =	vor.u32 v2, v8  }
0xb4: {  	v23 =	vimm.f32 $0.0e+00;
	v5 =	vand.u32 $0x7F, v10;
	v59 =	vld.idx.msk [tilespmem:v12+s17+$0x0], $0xffff  }
0xb5: {  	v9 =	vmul.f32 v6, v9;
	v17 =	vadd.s32 $0x6, v4;
	v26 =	vld.idx.msk [tilespmem:v12+s18+$0x0], $0xffff;
	v60 =	vor.u32 v2, v5  }
0xb6: {  	v13 =	vmul.f32 v13, v11;
	v17 =	vand.u32 $0x7F, v17;
	v5 =	vadd.s32 $0x5, v4;
	v28 =	vld.idx.msk [tilespmem:v16+s17+$0x0], $0xffff  }
0xb7: {  	v62 =	vadd.f32 v9, v23;
	v17 =	vor.u32 v2, v17;
	v5 =	vand.u32 $0x7F, v5;
	v32 =	vld.idx.msk [tilespmem:v16+s18+$0x0], $0xffff  }
0xb8: {  	v27 =	vadd.s32 $0x1, v4;
	v29 =	vadd.s32 $0x2, v4;
	v31 =	vor.u32 v2, v5;
	v12 =	vld.idx.msk [tilespmem:v8+s17+$0x0], $0xffff  }
0xb9: {  	v30 =	vadd.s32 $0x3, v4;
	v10 =	vadd.s32 $0x7, v4;
	v61 =	vand.u32 $0x7F, v29;
	v5 =	vld.idx.msk [tilespmem:v8+s18+$0x0], $0xffff  }
0xba: {  	v14 =	vmul.f32 v7, v14;
	v11 =	vmul.f32 v15, v20;
	v16 =	vand.u32 $0x7F, v27;
	v6 =	vld.idx.msk [tilespmem:v60+s17+$0x0], $0xffff  }
0xbb: {  	v16 =	vor.u32 v2, v16;
	v20 =	vmul.f32 v22, v21;
	v21 =	vmul.f32 v26, v59;
	v8 =	vld.idx.msk [tilespmem:v60+s18+$0x0], $0xffff  }
0xbc: {  	v15 =	vor.u32 v2, v61;
	v18 =	vmul.f32 v19, v18;
	v63 =	vadd.f32 v11, v23;
	v9 =	vld.idx.msk [tilespmem:v17+s17+$0x0], $0xffff  }
0xbd: {  	v20 =	vadd.f32 v20, v23;
	v19 =	vadd.f32 v21, v23;
	v7 =	vld.idx.msk [tilespmem:v31+s17+$0x0], $0xffff;
	v21 =	vmul.f32 v32, v28  }
0xbe: {  	s30 =	simm.s32 $0xE;
	v13 =	vadd.f32 v13, v62;
	v22 =	vand.u32 $0x7F, v30;
	v14 =	vadd.f32 v14, v63;
	v11 =	vld.idx.msk [tilespmem:v31+s18+$0x0], $0xffff  }
.LBB2_7:
0xbf: {  	p0 =	sne.s32 s30, $0x1;
	v22 =	vor.u32 v2, v22;
	v23 =	vld.idx.msk [tilespmem:v17+s18+$0x0], $0xffff;
	v20 =	vadd.f32 v18, v20;
	v19 =	vadd.f32 v21, v19  }
0xc0: {  	v10 =	vand.u32 $0x7F, v10;
	v18 =	vld.idx.msk [tilespmem:v16+s17+$0x0], $0xffff  }
0xc1: {  	v4 =	vadd.s32 $0x8, v4;
	v21 =	vld.idx.msk [tilespmem:v16+s18+$0x0], $0xffff;
	v16 =	vor.u32 v2, v10  }
0xc2: {  	v10 =	vand.u32 $0x7F, v4;
	v24 =	vld.idx.msk [tilespmem:v15+s17+$0x0], $0xffff  }
0xc3: {  	v25 =	vor.u32 v2, v10;
	v10 =	vadd.s32 $0x4, v4;
	v26 =	vld.idx.msk [tilespmem:v15+s18+$0x0], $0xffff  }
0xc4: {  	v10 =	vand.u32 $0x7F, v10;
	v27 =	vld.idx.msk [tilespmem:v22+s17+$0x0], $0xffff  }
0xc5: {  	v15 =	vadd.s32 $0x6, v4;
	v28 =	vor.u32 v2, v10;
	v10 =	vadd.s32 $0x5, v4;
	v22 =	vld.idx.msk [tilespmem:v22+s18+$0x0], $0xffff  }
0xc6: {  	v17 =	vadd.s32 $0x1, v4;
	v29 =	vand.u32 $0x7F, v10;
	v10 =	vadd.s32 $0x7, v4;
	v30 =	vld.idx.msk [tilespmem:v16+s17+$0x0], $0xffff  }
0xc7: {  	v31 =	vadd.s32 $0x2, v4;
	v32 =	vadd.s32 $0x3, v4;
	v29 =	vor.u32 v2, v29;
	v33 =	vld.idx.msk [tilespmem:v16+s18+$0x0], $0xffff  }
0xc8: {  	v31 =	vand.u32 $0x7F, v31;
	v15 =	vand.u32 $0x7F, v15;
	v16 =	vand.u32 $0x7F, v17;
	v34 =	vld.idx.msk [tilespmem:v25+s17+$0x0], $0xffff  }
0xc9: {  	v12 =	vmul.f32 v5, v12;
	v17 =	vor.u32 v2, v15;
	v5 =	vld.idx.msk [tilespmem:v25+s18+$0x0], $0xffff;
	v25 =	vmul.f32 v8, v6  }
.Ltmp2:
0xca: {  	v35 =	vmul.f32 v11, v7;
	v18 =	vmul.f32 v21, v18;
	v16 =	vor.u32 v2, v16;
	v6 =	vld.idx.msk [tilespmem:v28+s17+$0x0], $0xffff;
	(pc) =	sbr.rel @p0 .LBB2_7-.Ltmp2, $4  }
0xcb: {  	v15 =	vor.u32 v2, v31;
	v21 =	vmul.f32 v26, v24;
	v22 =	vmul.f32 v22, v27;
	v8 =	vld.idx.msk [tilespmem:v28+s18+$0x0], $0xffff  }
0xcc: {  	v24 =	vadd.f32 v12, v13;
	v14 =	vadd.f32 v18, v14;
	v18 =	vmul.f32 v23, v9;
	v7 =	vld.idx.msk [tilespmem:v29+s17+$0x0], $0xffff  }
0xcd: {  	v20 =	vadd.f32 v21, v20;
	v19 =	vadd.f32 v22, v19;
	v21 =	vmul.f32 v33, v30;
	v11 =	vld.idx.msk [tilespmem:v29+s18+$0x0], $0xffff  }
0xce: {  	s30 =	sadd.s32 $0xFFFFFFFF, s30;
	v14 =	vadd.f32 v35, v14;
	v13 =	vadd.f32 v25, v24;
	v22 =	vand.u32 $0x7F, v32;
	v12 =	vmovc v34;
	v9 =	vld.idx.msk [tilespmem:v17+s17+$0x0], $0xffff  }
0xcf: {  	_ =	sdelay $0x3  }
0xd0: {  	v4 =	vor.u32 v2, v22;
	v17 =	vld.idx.msk [tilespmem:v17+s18+$0x0], $0xffff  }
0xd1: {  	v22 =	vld.idx.msk [tilespmem:v16+s17+$0x0], $0xffff;
	v10 =	vand.u32 $0x7F, v10  }
0xd2: {  	v16 =	vld.idx.msk [tilespmem:v16+s18+$0x0], $0xffff;
	v10 =	vor.u32 v2, v10  }
0xd3: {  	v23 =	vld.idx.msk [tilespmem:v15+s17+$0x0], $0xffff  }
0xd4: {  	v15 =	vld.idx.msk [tilespmem:v15+s18+$0x0], $0xffff  }
0xd5: {  	v24 =	vld.idx.msk [tilespmem:v4+s17+$0x0], $0xffff  }
0xd6: {  	v4 =	vld.idx.msk [tilespmem:v4+s18+$0x0], $0xffff  }
0xd7: {  	v25 =	vld.idx.msk [tilespmem:v10+s17+$0x0], $0xffff  }
0xd8: {  	v10 =	vld.idx.msk [tilespmem:v10+s18+$0x0], $0xffff  }
0xd9: {  	v5 =	vmul.f32 v5, v12;
	v6 =	vmul.f32 v8, v6  }
0xda: {  	v8 =	vadd.f32 v18, v20;
	v7 =	vmul.f32 v11, v7;
	v12 =	vmul.f32 v16, v22  }
0xdb: {  	v11 =	vadd.f32 v21, v19;
	v15 =	vmul.f32 v15, v23;
	v4 =	vmul.f32 v4, v24  }
0xdc: {  	v5 =	vadd.f32 v5, v13;
	v9 =	vmul.f32 v17, v9;
	v12 =	vadd.f32 v12, v14  }
0xdd: {  	v8 =	vadd.f32 v15, v8;
	v10 =	vmul.f32 v10, v25;
	v4 =	vadd.f32 v4, v11  }
0xde: {  	v5 =	vadd.f32 v6, v5;
	v6 =	vadd.f32 v7, v12  }
0xdf: {  	v7 =	vadd.f32 v9, v8;
	v8 =	vlaneseq.u32;
	v4 =	vadd.f32 v10, v4  }
0xe0: {  	v5 =	vadd.f32 v6, v5;
	v6 =	vand.u32 $0x7F, v8  }
0xe1: {  	v6 =	vor.u32 v3, v6;
	v10 =	vadd.s32 $0x1, v8;
	v4 =	vadd.f32 v4, v7  }
0xe2: {  	v10 =	vand.u32 $0x7F, v10;
	v7 =	vadd.s32 $0x4, v8  }
0xe3: {  	v10 =	vor.u32 v3, v10;
	v7 =	vand.u32 $0x7F, v7;
	v4 =	vadd.f32 v4, v5  }
0xe4: {  	v5 =	vor.u32 v3, v7;
	v7 =	vadd.s32 $0x5, v8  }
0xe5: {  	v7 =	vand.u32 $0x7F, v7;
	[tilespmem:$0xEF20] =	vst v4  }
0xe6: {  	v4 =	vadd.s32 $0x6, v8;
	v7 =	vor.u32 v3, v7;
	v9 =	vld.idx.msk [tilespmem:v6+s17+$0x0], $0xffff  }
0xe7: {  	v4 =	vand.u32 $0x7F, v4;
	v6 =	vld.idx.msk [tilespmem:v6+s18+$0x0], $0xffff  }
0xe8: {  	v20 =	vld.idx.msk [tilespmem:v10+s17+$0x0], $0xffff;
	v4 =	vor.u32 v3, v4  }
0xe9: {  	v12 =	vadd.s32 $0x2, v8;
	v11 =	vld.idx.msk [tilespmem:v5+s17+$0x0], $0xffff  }
0xea: {  	v13 =	vld.idx.msk [tilespmem:v5+s18+$0x0], $0xffff;
	v5 =	vand.u32 $0x7F, v12  }
0xeb: {  	v12 =	vadd.s32 $0x3, v8;
	v5 =	vor.u32 v3, v5;
	v14 =	vld.idx.msk [tilespmem:v7+s17+$0x0], $0xffff  }
0xec: {  	v12 =	vand.u32 $0x7F, v12;
	v7 =	vld.idx.msk [tilespmem:v7+s18+$0x0], $0xffff  }
0xed: {  	v15 =	vadd.s32 $0x7, v8;
	v12 =	vor.u32 v3, v12;
	v18 =	vld.idx.msk [tilespmem:v4+s17+$0x0], $0xffff  }
0xee: {  	v19 =	vld.idx.msk [tilespmem:v4+s18+$0x0], $0xffff;
	v4 =	vand.u32 $0x7F, v15  }
0xef: {  	v15 =	vld.idx.msk [tilespmem:v10+s18+$0x0], $0xffff;
	v16 =	vor.u32 v3, v4;
	v4 =	vadd.s32 $0x8, v8  }
0xf0: {  	v8 =	vand.u32 $0x7F, v4;
	v21 =	vld.idx.msk [tilespmem:v5+s17+$0x0], $0xffff  }
0xf1: {  	v10 =	vadd.s32 $0x4, v4;
	v22 =	vld.idx.msk [tilespmem:v5+s18+$0x0], $0xffff;
	v8 =	vor.u32 v3, v8  }
0xf2: {  	v23 =	vimm.f32 $0.0e+00;
	v5 =	vand.u32 $0x7F, v10;
	v59 =	vld.idx.msk [tilespmem:v12+s17+$0x0], $0xffff  }
0xf3: {  	v9 =	vmul.f32 v6, v9;
	v17 =	vadd.s32 $0x6, v4;
	v26 =	vld.idx.msk [tilespmem:v12+s18+$0x0], $0xffff;
	v60 =	vor.u32 v3, v5  }
0xf4: {  	v13 =	vmul.f32 v13, v11;
	v17 =	vand.u32 $0x7F, v17;
	v5 =	vadd.s32 $0x5, v4;
	v28 =	vld.idx.msk [tilespmem:v16+s17+$0x0], $0xffff  }
0xf5: {  	v62 =	vadd.f32 v9, v23;
	v17 =	vor.u32 v3, v17;
	v5 =	vand.u32 $0x7F, v5;
	v32 =	vld.idx.msk [tilespmem:v16+s18+$0x0], $0xffff  }
0xf6: {  	v27 =	vadd.s32 $0x1, v4;
	v29 =	vadd.s32 $0x2, v4;
	v31 =	vor.u32 v3, v5;
	v12 =	vld.idx.msk [tilespmem:v8+s17+$0x0], $0xffff  }
0xf7: {  	v30 =	vadd.s32 $0x3, v4;
	v10 =	vadd.s32 $0x7, v4;
	v61 =	vand.u32 $0x7F, v29;
	v5 =	vld.idx.msk [tilespmem:v8+s18+$0x0], $0xffff  }
0xf8: {  	v14 =	vmul.f32 v7, v14;
	v11 =	vmul.f32 v15, v20;
	v16 =	vand.u32 $0x7F, v27;
	v6 =	vld.idx.msk [tilespmem:v60+s17+$0x0], $0xffff  }
0xf9: {  	v16 =	vor.u32 v3, v16;
	v20 =	vmul.f32 v22, v21;
	v21 =	vmul.f32 v26, v59;
	v8 =	vld.idx.msk [tilespmem:v60+s18+$0x0], $0xffff  }
0xfa: {  	v15 =	vor.u32 v3, v61;
	v18 =	vmul.f32 v19, v18;
	v63 =	vadd.f32 v11, v23;
	v9 =	vld.idx.msk [tilespmem:v17+s17+$0x0], $0xffff  }
0xfb: {  	v20 =	vadd.f32 v20, v23;
	v19 =	vadd.f32 v21, v23;
	v7 =	vld.idx.msk [tilespmem:v31+s17+$0x0], $0xffff;
	v21 =	vmul.f32 v32, v28  }
0xfc: {  	s30 =	simm.s32 $0xE;
	v13 =	vadd.f32 v13, v62;
	v22 =	vand.u32 $0x7F, v30;
	v14 =	vadd.f32 v14, v63;
	v11 =	vld.idx.msk [tilespmem:v31+s18+$0x0], $0xffff  }
.LBB2_9:
0xfd: {  	p0 =	sne.s32 s30, $0x1;
	v22 =	vor.u32 v3, v22;
	v23 =	vld.idx.msk [tilespmem:v17+s18+$0x0], $0xffff;
	v20 =	vadd.f32 v18, v20;
	v19 =	vadd.f32 v21, v19  }
0xfe: {  	v10 =	vand.u32 $0x7F, v10;
	v18 =	vld.idx.msk [tilespmem:v16+s17+$0x0], $0xffff  }
0xff: {  	v4 =	vadd.s32 $0x8, v4;
	v21 =	vld.idx.msk [tilespmem:v16+s18+$0x0], $0xffff;
	v16 =	vor.u32 v3, v10  }
0x100: {  	v10 =	vand.u32 $0x7F, v4;
	v24 =	vld.idx.msk [tilespmem:v15+s17+$0x0], $0xffff  }
0x101: {  	v25 =	vor.u32 v3, v10;
	v10 =	vadd.s32 $0x4, v4;
	v26 =	vld.idx.msk [tilespmem:v15+s18+$0x0], $0xffff  }
0x102: {  	v10 =	vand.u32 $0x7F, v10;
	v27 =	vld.idx.msk [tilespmem:v22+s17+$0x0], $0xffff  }
0x103: {  	v15 =	vadd.s32 $0x6, v4;
	v28 =	vor.u32 v3, v10;
	v10 =	vadd.s32 $0x5, v4;
	v22 =	vld.idx.msk [tilespmem:v22+s18+$0x0], $0xffff  }
0x104: {  	v17 =	vadd.s32 $0x1, v4;
	v29 =	vand.u32 $0x7F, v10;
	v10 =	vadd.s32 $0x7, v4;
	v30 =	vld.idx.msk [tilespmem:v16+s17+$0x0], $0xffff  }
0x105: {  	v31 =	vadd.s32 $0x2, v4;
	v32 =	vadd.s32 $0x3, v4;
	v29 =	vor.u32 v3, v29;
	v33 =	vld.idx.msk [tilespmem:v16+s18+$0x0], $0xffff  }
0x106: {  	v31 =	vand.u32 $0x7F, v31;
	v15 =	vand.u32 $0x7F, v15;
	v16 =	vand.u32 $0x7F, v17;
	v34 =	vld.idx.msk [tilespmem:v25+s17+$0x0], $0xffff  }
0x107: {  	v12 =	vmul.f32 v5, v12;
	v17 =	vor.u32 v3, v15;
	v5 =	vld.idx.msk [tilespmem:v25+s18+$0x0], $0xffff;
	v25 =	vmul.f32 v8, v6  }
.Ltmp3:
0x108: {  	v35 =	vmul.f32 v11, v7;
	v18 =	vmul.f32 v21, v18;
	v16 =	vor.u32 v3, v16;
	v6 =	vld.idx.msk [tilespmem:v28+s17+$0x0], $0xffff;
	(pc) =	sbr.rel @p0 .LBB2_9-.Ltmp3, $4  }
0x109: {  	v15 =	vor.u32 v3, v31;
	v21 =	vmul.f32 v26, v24;
	v22 =	vmul.f32 v22, v27;
	v8 =	vld.idx.msk [tilespmem:v28+s18+$0x0], $0xffff  }
0x10a: {  	v24 =	vadd.f32 v12, v13;
	v14 =	vadd.f32 v18, v14;
	v18 =	vmul.f32 v23, v9;
	v7 =	vld.idx.msk [tilespmem:v29+s17+$0x0], $0xffff  }
0x10b: {  	v20 =	vadd.f32 v21, v20;
	v19 =	vadd.f32 v22, v19;
	v21 =	vmul.f32 v33, v30;
	v11 =	vld.idx.msk [tilespmem:v29+s18+$0x0], $0xffff  }
0x10c: {  	s30 =	sadd.s32 $0xFFFFFFFF, s30;
	v14 =	vadd.f32 v35, v14;
	v13 =	vadd.f32 v25, v24;
	v22 =	vand.u32 $0x7F, v32;
	v12 =	vmovc v34;
	v9 =	vld.idx.msk [tilespmem:v17+s17+$0x0], $0xffff  }
0x10d: {  	_ =	sdelay $0x3  }
0x10e: {  	v4 =	vor.u32 v3, v22;
	v17 =	vld.idx.msk [tilespmem:v17+s18+$0x0], $0xffff  }
0x10f: {  	v22 =	vld.idx.msk [tilespmem:v16+s17+$0x0], $0xffff;
	v10 =	vand.u32 $0x7F, v10  }
0x110: {  	v16 =	vld.idx.msk [tilespmem:v16+s18+$0x0], $0xffff;
	v10 =	vor.u32 v3, v10  }
0x111: {  	v23 =	vld.idx.msk [tilespmem:v15+s17+$0x0], $0xffff  }
0x112: {  	v15 =	vld.idx.msk [tilespmem:v15+s18+$0x0], $0xffff  }
0x113: {  	v24 =	vld.idx.msk [tilespmem:v4+s17+$0x0], $0xffff  }
0x114: {  	v4 =	vld.idx.msk [tilespmem:v4+s18+$0x0], $0xffff  }
0x115: {  	v25 =	vld.idx.msk [tilespmem:v10+s17+$0x0], $0xffff  }
0x116: {  	v10 =	vld.idx.msk [tilespmem:v10+s18+$0x0], $0xffff  }
0x117: {  	v5 =	vmul.f32 v5, v12;
	v6 =	vmul.f32 v8, v6  }
0x118: {  	v8 =	vadd.f32 v18, v20;
	v7 =	vmul.f32 v11, v7;
	v12 =	vmul.f32 v16, v22  }
0x119: {  	v11 =	vadd.f32 v21, v19;
	v15 =	vmul.f32 v15, v23;
	v4 =	vmul.f32 v4, v24  }
0x11a: {  	v5 =	vadd.f32 v5, v13;
	v9 =	vmul.f32 v17, v9;
	v12 =	vadd.f32 v12, v14  }
0x11b: {  	v8 =	vadd.f32 v15, v8;
	v10 =	vmul.f32 v10, v25;
	v4 =	vadd.f32 v4, v11  }
0x11c: {  	v5 =	vadd.f32 v6, v5;
	v6 =	vadd.f32 v7, v12  }
0x11d: {  	v7 =	vadd.f32 v9, v8;
	v9 =	vlaneseq.u32;
	v8 =	vadd.f32 v10, v4  }
0x11e: {  	v5 =	vadd.f32 v6, v5;
	v6 =	vand.u32 $0x7F, v9;
	v4 =	vor.u32 $0x2000, v0  }
0x11f: {  	v13 =	vadd.s32 $0x3, v9;
	v6 =	vor.u32 v4, v6;
	v7 =	vadd.f32 v8, v7  }
0x120: {  	v13 =	vand.u32 $0x7F, v13  }
0x121: {  	v13 =	vor.u32 v4, v13;
	v8 =	vadd.s32 $0x4, v9;
	v5 =	vadd.f32 v7, v5  }
0x122: {  	v8 =	vand.u32 $0x7F, v8  }
0x123: {  	v7 =	vor.u32 v4, v8;
	[tilespmem:$0xEF30] =	vst v5;
	v5 =	vadd.s32 $0x6, v9  }
0x124: {  	v10 =	vld.idx.msk [tilespmem:v6+s17+$0x0], $0xffff;
	v5 =	vand.u32 $0x7F, v5  }
0x125: {  	v11 =	vadd.s32 $0x1, v9;
	v12 =	vld.idx.msk [tilespmem:v6+s18+$0x0], $0xffff;
	v5 =	vor.u32 v4, v5  }
0x126: {  	v6 =	vand.u32 $0x7F, v11;
	v61 =	vld.idx.msk [tilespmem:v13+s17+$0x0], $0xffff  }
0x127: {  	v8 =	vadd.s32 $0x5, v9;
	v27 =	vld.idx.msk [tilespmem:v13+s18+$0x0], $0xffff;
	v6 =	vor.u32 v4, v6  }
0x128: {  	v8 =	vand.u32 $0x7F, v8;
	v11 =	vadd.s32 $0x2, v9;
	v14 =	vld.idx.msk [tilespmem:v7+s17+$0x0], $0xffff  }
0x129: {  	v8 =	vor.u32 v4, v8;
	v11 =	vand.u32 $0x7F, v11;
	v7 =	vld.idx.msk [tilespmem:v7+s18+$0x0], $0xffff  }
0x12a: {  	v11 =	vor.u32 v4, v11;
	v19 =	vld.idx.msk [tilespmem:v5+s17+$0x0], $0xffff  }
0x12b: {  	v16 =	vadd.s32 $0x7, v9;
	v20 =	vld.idx.msk [tilespmem:v5+s18+$0x0], $0xffff  }
0x12c: {  	v21 =	vld.idx.msk [tilespmem:v6+s17+$0x0], $0xffff;
	v5 =	vand.u32 $0x7F, v16  }
0x12d: {  	v16 =	vld.idx.msk [tilespmem:v6+s18+$0x0], $0xffff;
	v6 =	vor.u32 v4, v5;
	v5 =	vadd.s32 $0x8, v9  }
0x12e: {  	v15 =	vld.idx.msk [tilespmem:v8+s17+$0x0], $0xffff;
	v9 =	vand.u32 $0x7F, v5  }
0x12f: {  	v22 =	vld.idx.msk [tilespmem:v11+s17+$0x0], $0xffff;
	v17 =	vadd.s32 $0x4, v5;
	v9 =	vor.u32 v4, v9  }
0x130: {  	v60 =	vimm.f32 $0.0e+00;
	v10 =	vmul.f32 v12, v10;
	v23 =	vld.idx.msk [tilespmem:v11+s18+$0x0], $0xffff;
	v11 =	vand.u32 $0x7F, v17  }
0x131: {  	v8 =	vld.idx.msk [tilespmem:v8+s18+$0x0], $0xffff;
	v14 =	vmul.f32 v7, v14;
	v17 =	vadd.s32 $0x6, v5;
	v26 =	vor.u32 v4, v11  }
0x132: {  	v18 =	vadd.s32 $0x1, v5;
	v11 =	vadd.s32 $0x5, v5;
	v17 =	vand.u32 $0x7F, v17;
	v28 =	vld.idx.msk [tilespmem:v6+s17+$0x0], $0xffff  }
0x133: {  	v33 =	vand.u32 $0x7F, v18;
	v13 =	vand.u32 $0x7F, v11;
	v18 =	vor.u32 v4, v17;
	v32 =	vld.idx.msk [tilespmem:v6+s18+$0x0], $0xffff  }
0x134: {  	v62 =	vadd.f32 v10, v60;
	v29 =	vadd.s32 $0x2, v5;
	v31 =	vor.u32 v4, v13;
	v13 =	vld.idx.msk [tilespmem:v9+s17+$0x0], $0xffff  }
0x135: {  	v30 =	vadd.s32 $0x3, v5;
	v29 =	vand.u32 $0x7F, v29;
	v6 =	vld.idx.msk [tilespmem:v9+s18+$0x0], $0xffff  }
0x136: {  	v15 =	vmul.f32 v8, v15;
	v14 =	vadd.f32 v14, v62;
	v12 =	vmul.f32 v16, v21;
	v7 =	vld.idx.msk [tilespmem:v26+s17+$0x0], $0xffff  }
0x137: {  	v17 =	vor.u32 v4, v33;
	v21 =	vmul.f32 v23, v22;
	v22 =	vmul.f32 v27, v61;
	v9 =	vld.idx.msk [tilespmem:v26+s18+$0x0], $0xffff  }
0x138: {  	v16 =	vor.u32 v4, v29;
	v19 =	vmul.f32 v20, v19;
	v63 =	vadd.f32 v12, v60;
	v10 =	vld.idx.msk [tilespmem:v18+s17+$0x0], $0xffff  }
0x139: {  	v21 =	vadd.f32 v21, v60;
	v20 =	vadd.f32 v22, v60;
	v8 =	vld.idx.msk [tilespmem:v31+s17+$0x0], $0xffff;
	v22 =	vmul.f32 v32, v28  }
0x13a: {  	s30 =	simm.s32 $0xE;
	v11 =	vadd.s32 $0x7, v5;
	v23 =	vand.u32 $0x7F, v30;
	v15 =	vadd.f32 v15, v63;
	v12 =	vld.idx.msk [tilespmem:v31+s18+$0x0], $0xffff  }
.LBB2_11:
0x13b: {  	p0 =	sne.s32 s30, $0x1;
	v23 =	vor.u32 v4, v23;
	v24 =	vld.idx.msk [tilespmem:v18+s18+$0x0], $0xffff;
	v21 =	vadd.f32 v19, v21;
	v20 =	vadd.f32 v22, v20  }
0x13c: {  	v11 =	vand.u32 $0x7F, v11;
	v19 =	vld.idx.msk [tilespmem:v17+s17+$0x0], $0xffff  }
0x13d: {  	v5 =	vadd.s32 $0x8, v5;
	v22 =	vld.idx.msk [tilespmem:v17+s18+$0x0], $0xffff;
	v17 =	vor.u32 v4, v11  }
0x13e: {  	v11 =	vand.u32 $0x7F, v5;
	v25 =	vld.idx.msk [tilespmem:v16+s17+$0x0], $0xffff  }
0x13f: {  	v26 =	vor.u32 v4, v11;
	v11 =	vadd.s32 $0x4, v5;
	v27 =	vld.idx.msk [tilespmem:v16+s18+$0x0], $0xffff  }
0x140: {  	v11 =	vand.u32 $0x7F, v11;
	v28 =	vld.idx.msk [tilespmem:v23+s17+$0x0], $0xffff  }
0x141: {  	v16 =	vadd.s32 $0x6, v5;
	v29 =	vor.u32 v4, v11;
	v11 =	vadd.s32 $0x5, v5;
	v23 =	vld.idx.msk [tilespmem:v23+s18+$0x0], $0xffff  }
0x142: {  	v18 =	vadd.s32 $0x1, v5;
	v30 =	vand.u32 $0x7F, v11;
	v11 =	vadd.s32 $0x7, v5;
	v31 =	vld.idx.msk [tilespmem:v17+s17+$0x0], $0xffff  }
0x143: {  	v32 =	vadd.s32 $0x2, v5;
	v33 =	vadd.s32 $0x3, v5;
	v30 =	vor.u32 v4, v30;
	v34 =	vld.idx.msk [tilespmem:v17+s18+$0x0], $0xffff  }
0x144: {  	v32 =	vand.u32 $0x7F, v32;
	v16 =	vand.u32 $0x7F, v16;
	v17 =	vand.u32 $0x7F, v18;
	v35 =	vld.idx.msk [tilespmem:v26+s17+$0x0], $0xffff  }
0x145: {  	v13 =	vmul.f32 v6, v13;
	v18 =	vor.u32 v4, v16;
	v6 =	vld.idx.msk [tilespmem:v26+s18+$0x0], $0xffff;
	v26 =	vmul.f32 v9, v7  }
.Ltmp4:
0x146: {  	v36 =	vmul.f32 v12, v8;
	v19 =	vmul.f32 v22, v19;
	v17 =	vor.u32 v4, v17;
	v7 =	vld.idx.msk [tilespmem:v29+s17+$0x0], $0xffff;
	(pc) =	sbr.rel @p0 .LBB2_11-.Ltmp4, $4  }
0x147: {  	v16 =	vor.u32 v4, v32;
	v22 =	vmul.f32 v27, v25;
	v23 =	vmul.f32 v23, v28;
	v9 =	vld.idx.msk [tilespmem:v29+s18+$0x0], $0xffff  }
0x148: {  	v25 =	vadd.f32 v13, v14;
	v15 =	vadd.f32 v19, v15;
	v19 =	vmul.f32 v24, v10;
	v8 =	vld.idx.msk [tilespmem:v30+s17+$0x0], $0xffff  }
0x149: {  	v21 =	vadd.f32 v22, v21;
	v20 =	vadd.f32 v23, v20;
	v22 =	vmul.f32 v34, v31;
	v12 =	vld.idx.msk [tilespmem:v30+s18+$0x0], $0xffff  }
0x14a: {  	s30 =	sadd.s32 $0xFFFFFFFF, s30;
	v15 =	vadd.f32 v36, v15;
	v14 =	vadd.f32 v26, v25;
	v23 =	vand.u32 $0x7F, v33;
	v13 =	vmovc v35;
	v10 =	vld.idx.msk [tilespmem:v18+s17+$0x0], $0xffff  }
0x14b: {  	_ =	sdelay $0x3  }
0x14c: {  	v5 =	vor.u32 v4, v23;
	v18 =	vld.idx.msk [tilespmem:v18+s18+$0x0], $0xffff  }
0x14d: {  	v23 =	vld.idx.msk [tilespmem:v17+s17+$0x0], $0xffff;
	v11 =	vand.u32 $0x7F, v11  }
0x14e: {  	v17 =	vld.idx.msk [tilespmem:v17+s18+$0x0], $0xffff;
	v11 =	vor.u32 v4, v11  }
0x14f: {  	v24 =	vld.idx.msk [tilespmem:v16+s17+$0x0], $0xffff  }
0x150: {  	v16 =	vld.idx.msk [tilespmem:v16+s18+$0x0], $0xffff  }
0x151: {  	v25 =	vld.idx.msk [tilespmem:v5+s17+$0x0], $0xffff  }
0x152: {  	v5 =	vld.idx.msk [tilespmem:v5+s18+$0x0], $0xffff  }
0x153: {  	v26 =	vld.idx.msk [tilespmem:v11+s17+$0x0], $0xffff  }
0x154: {  	v11 =	vld.idx.msk [tilespmem:v11+s18+$0x0], $0xffff  }
0x155: {  	v6 =	vmul.f32 v6, v13;
	v7 =	vmul.f32 v9, v7  }
0x156: {  	v9 =	vadd.f32 v19, v21;
	v8 =	vmul.f32 v12, v8;
	v13 =	vmul.f32 v17, v23  }
0x157: {  	v12 =	vadd.f32 v22, v20;
	v16 =	vmul.f32 v16, v24;
	v5 =	vmul.f32 v5, v25  }
0x158: {  	v6 =	vadd.f32 v6, v14;
	v10 =	vmul.f32 v18, v10;
	v13 =	vadd.f32 v13, v15  }
0x159: {  	v9 =	vadd.f32 v16, v9;
	v11 =	vmul.f32 v11, v26;
	v5 =	vadd.f32 v5, v12  }
0x15a: {  	v6 =	vadd.f32 v7, v6;
	v7 =	vadd.f32 v8, v13  }
0x15b: {  	v8 =	vadd.f32 v10, v9;
	v5 =	vadd.f32 v11, v5;
	_ =	sdelay $0x1  }
0x15c: {  	v6 =	vadd.f32 v7, v6;
	v5 =	vadd.f32 v5, v8;
	_ =	sdelay $0x1  }
0x15d: {  	s30 =	sadd.s32 s6, s29;
	v5 =	vadd.f32 v5, v6  }
0x15e: {  	s30 =	sshrl.u32 s30, $0x3  }
0x15f: {  	s30 =	sadd.s32 s4, s30;
	[tilespmem:$0xEF40] =	vst v5  }
0x160: {  	[hbm4b:s30+s5] =	stream.linear.scatter [tilespmem:s14], [sflag:$0x3], $0x50, $0x38;
	[tilespmem:$0xF000] =	vst v63  }
0x161: {  	s31 =	sadd.s32 $0xA0, s29  }
0x162: {  	[tilespmem:s17], [sflag:$0x1] =	stream.indirect.gather [hbm4b:s1+s16], $0x80, s31, s16, $0xb8;
	[tilespmem:$0xF000] =	vst v63  }
0x163: {  	s29 =	sadd.s32 $0x2820, s29  }
0x164: {  	[tilespmem:s18], [sflag:$0x1] =	stream.indirect.gather [hbm4b:s2+s16], $0x80, s29, s16, $0xb8;
	[tilespmem:$0xF000] =	vst v63  }
0x165: {  	_ =	swait.ge [sflag:s23], $0x2800  }
0x166: {  	[sflag:s23] =	ssyncset.done $0x0  }
0x167: {  	v5 =	vlaneseq.u32;
	[sflag:s23] =	ssyncadd.s32 $0xFFFFD800  }
0x168: {  	v6 =	vand.u32 $0x7F, v5;
	_ =	swait.ge [sflag:s23], $0x2800  }
0x169: {  	v7 =	vadd.s32 $0x4, v5;
	v6 =	vor.u32 v0, v6;
	[sflag:s23] =	ssyncset.done $0x0  }
0x16a: {  	v7 =	vand.u32 $0x7F, v7;
	[sflag:s23] =	ssyncadd.s32 $0xFFFFD800  }
0x16b: {  	v8 =	vadd.s32 $0x5, v5;
	v7 =	vor.u32 v0, v7;
	_ =	swait.ge [sflag:s24], $0x50  }
0x16c: {  	v8 =	vand.u32 $0x7F, v8;
	[sflag:s24] =	ssyncset.done $0x0  }
0x16d: {  	v13 =	vadd.s32 $0x3, v5;
	v8 =	vor.u32 v0, v8;
	[sflag:s24] =	ssyncadd.s32 $0xFFFFFFB0  }
0x16e: {  	v9 =	vadd.s32 $0x6, v5;
	v13 =	vand.u32 $0x7F, v13;
	v10 =	vld.idx.msk [tilespmem:v6+s19+$0x0], $0xffff  }
0x16f: {  	v9 =	vand.u32 $0x7F, v9;
	v13 =	vor.u32 v0, v13;
	v12 =	vld.idx.msk [tilespmem:v6+s20+$0x0], $0xffff  }
0x170: {  	v6 =	vor.u32 v0, v9;
	v14 =	vld.idx.msk [tilespmem:v7+s19+$0x0], $0xffff  }
0x171: {  	v11 =	vadd.s32 $0x1, v5;
	v7 =	vld.idx.msk [tilespmem:v7+s20+$0x0], $0xffff  }
0x172: {  	v9 =	vand.u32 $0x7F, v11;
	v11 =	vadd.s32 $0x2, v5;
	v15 =	vld.idx.msk [tilespmem:v8+s19+$0x0], $0xffff  }
0x173: {  	v8 =	vld.idx.msk [tilespmem:v8+s20+$0x0], $0xffff;
	v9 =	vor.u32 v0, v9;
	v11 =	vand.u32 $0x7F, v11  }
0x174: {  	v60 =	vld.idx.msk [tilespmem:v13+s19+$0x0], $0xffff;
	v11 =	vor.u32 v0, v11  }
0x175: {  	v16 =	vadd.s32 $0x7, v5;
	v19 =	vld.idx.msk [tilespmem:v6+s19+$0x0], $0xffff  }
0x176: {  	v20 =	vld.idx.msk [tilespmem:v6+s20+$0x0], $0xffff;
	v6 =	vand.u32 $0x7F, v16  }
0x177: {  	v5 =	vadd.s32 $0x8, v5;
	v27 =	vld.idx.msk [tilespmem:v13+s20+$0x0], $0xffff;
	v6 =	vor.u32 v0, v6  }
0x178: {  	v16 =	vand.u32 $0x7F, v5;
	v21 =	vld.idx.msk [tilespmem:v9+s19+$0x0], $0xffff  }
0x179: {  	v17 =	vadd.s32 $0x4, v5;
	v16 =	vor.u32 v0, v16;
	v22 =	vld.idx.msk [tilespmem:v11+s19+$0x0], $0xffff  }
0x17a: {  	v59 =	vimm.f32 $0.0e+00;
	v23 =	vld.idx.msk [tilespmem:v11+s20+$0x0], $0xffff;
	v11 =	vand.u32 $0x7F, v17  }
0x17b: {  	v18 =	vadd.s32 $0x1, v5;
	v9 =	vld.idx.msk [tilespmem:v9+s20+$0x0], $0xffff;
	v17 =	vadd.s32 $0x6, v5;
	v61 =	vor.u32 v0, v11  }
0x17c: {  	v29 =	vadd.s32 $0x2, v5;
	v11 =	vadd.s32 $0x5, v5;
	v17 =	vand.u32 $0x7F, v17;
	v28 =	vld.idx.msk [tilespmem:v6+s19+$0x0], $0xffff  }
0x17d: {  	v33 =	vand.u32 $0x7F, v18;
	v13 =	vand.u32 $0x7F, v11;
	v18 =	vor.u32 v0, v17;
	v32 =	vld.idx.msk [tilespmem:v6+s20+$0x0], $0xffff  }
0x17e: {  	v30 =	vadd.s32 $0x3, v5;
	v10 =	vmul.f32 v12, v10;
	v31 =	vor.u32 v0, v13;
	v13 =	vld.idx.msk [tilespmem:v16+s19+$0x0], $0xffff  }
0x17f: {  	v29 =	vand.u32 $0x7F, v29;
	v14 =	vmul.f32 v7, v14;
	v15 =	vmul.f32 v8, v15;
	v6 =	vld.idx.msk [tilespmem:v16+s20+$0x0], $0xffff  }
0x180: {  	v62 =	vadd.f32 v10, v59;
	v11 =	vadd.s32 $0x7, v5;
	v12 =	vmul.f32 v9, v21;
	v7 =	vld.idx.msk [tilespmem:v61+s19+$0x0], $0xffff  }
0x181: {  	v17 =	vor.u32 v0, v33;
	v21 =	vmul.f32 v23, v22;
	v22 =	vmul.f32 v27, v60;
	v9 =	vld.idx.msk [tilespmem:v61+s20+$0x0], $0xffff  }
0x182: {  	v19 =	vmul.f32 v20, v19;
	v16 =	vor.u32 v0, v29;
	v63 =	vadd.f32 v12, v59;
	v10 =	vld.idx.msk [tilespmem:v18+s19+$0x0], $0xffff  }
0x183: {  	v21 =	vadd.f32 v21, v59;
	v20 =	vadd.f32 v22, v59;
	v8 =	vld.idx.msk [tilespmem:v31+s19+$0x0], $0xffff;
	v22 =	vmul.f32 v32, v28  }
0x184: {  	s29 =	simm.s32 $0xE;
	v14 =	vadd.f32 v14, v62;
	v23 =	vand.u32 $0x7F, v30;
	v12 =	vld.idx.msk [tilespmem:v31+s20+$0x0], $0xffff;
	v15 =	vadd.f32 v15, v63  }
.LBB2_13:
0x185: {  	p0 =	sne.s32 s29, $0x1;
	v23 =	vor.u32 v0, v23;
	v24 =	vld.idx.msk [tilespmem:v18+s20+$0x0], $0xffff;
	v21 =	vadd.f32 v19, v21;
	v20 =	vadd.f32 v22, v20  }
0x186: {  	v11 =	vand.u32 $0x7F, v11;
	v19 =	vld.idx.msk [tilespmem:v17+s19+$0x0], $0xffff  }
0x187: {  	v5 =	vadd.s32 $0x8, v5;
	v22 =	vld.idx.msk [tilespmem:v17+s20+$0x0], $0xffff;
	v17 =	vor.u32 v0, v11  }
0x188: {  	v11 =	vand.u32 $0x7F, v5;
	v25 =	vld.idx.msk [tilespmem:v16+s19+$0x0], $0xffff  }
0x189: {  	v26 =	vor.u32 v0, v11;
	v11 =	vadd.s32 $0x4, v5;
	v27 =	vld.idx.msk [tilespmem:v16+s20+$0x0], $0xffff  }
0x18a: {  	v11 =	vand.u32 $0x7F, v11;
	v28 =	vld.idx.msk [tilespmem:v23+s19+$0x0], $0xffff  }
0x18b: {  	v16 =	vadd.s32 $0x6, v5;
	v29 =	vor.u32 v0, v11;
	v11 =	vadd.s32 $0x5, v5;
	v23 =	vld.idx.msk [tilespmem:v23+s20+$0x0], $0xffff  }
0x18c: {  	v18 =	vadd.s32 $0x1, v5;
	v30 =	vand.u32 $0x7F, v11;
	v11 =	vadd.s32 $0x7, v5;
	v31 =	vld.idx.msk [tilespmem:v17+s19+$0x0], $0xffff  }
0x18d: {  	v32 =	vadd.s32 $0x2, v5;
	v33 =	vadd.s32 $0x3, v5;
	v30 =	vor.u32 v0, v30;
	v34 =	vld.idx.msk [tilespmem:v17+s20+$0x0], $0xffff  }
0x18e: {  	v32 =	vand.u32 $0x7F, v32;
	v16 =	vand.u32 $0x7F, v16;
	v17 =	vand.u32 $0x7F, v18;
	v35 =	vld.idx.msk [tilespmem:v26+s19+$0x0], $0xffff  }
0x18f: {  	v13 =	vmul.f32 v6, v13;
	v18 =	vor.u32 v0, v16;
	v6 =	vld.idx.msk [tilespmem:v26+s20+$0x0], $0xffff;
	v26 =	vmul.f32 v9, v7  }
.Ltmp5:
0x190: {  	v36 =	vmul.f32 v12, v8;
	v19 =	vmul.f32 v22, v19;
	v17 =	vor.u32 v0, v17;
	v7 =	vld.idx.msk [tilespmem:v29+s19+$0x0], $0xffff;
	(pc) =	sbr.rel @p0 .LBB2_13-.Ltmp5, $4  }
0x191: {  	v16 =	vor.u32 v0, v32;
	v22 =	vmul.f32 v27, v25;
	v23 =	vmul.f32 v23, v28;
	v9 =	vld.idx.msk [tilespmem:v29+s20+$0x0], $0xffff  }
0x192: {  	v25 =	vadd.f32 v13, v14;
	v15 =	vadd.f32 v19, v15;
	v19 =	vmul.f32 v24, v10;
	v8 =	vld.idx.msk [tilespmem:v30+s19+$0x0], $0xffff  }
0x193: {  	v21 =	vadd.f32 v22, v21;
	v20 =	vadd.f32 v23, v20;
	v22 =	vmul.f32 v34, v31;
	v12 =	vld.idx.msk [tilespmem:v30+s20+$0x0], $0xffff  }
0x194: {  	s29 =	sadd.s32 $0xFFFFFFFF, s29;
	v15 =	vadd.f32 v36, v15;
	v14 =	vadd.f32 v26, v25;
	v23 =	vand.u32 $0x7F, v33;
	v13 =	vmovc v35;
	v10 =	vld.idx.msk [tilespmem:v18+s19+$0x0], $0xffff  }
0x195: {  	_ =	sdelay $0x3  }
0x196: {  	v5 =	vor.u32 v0, v23;
	v18 =	vld.idx.msk [tilespmem:v18+s20+$0x0], $0xffff  }
0x197: {  	v23 =	vld.idx.msk [tilespmem:v17+s19+$0x0], $0xffff;
	v11 =	vand.u32 $0x7F, v11  }
0x198: {  	v17 =	vld.idx.msk [tilespmem:v17+s20+$0x0], $0xffff;
	v11 =	vor.u32 v0, v11  }
0x199: {  	v24 =	vld.idx.msk [tilespmem:v16+s19+$0x0], $0xffff  }
0x19a: {  	v16 =	vld.idx.msk [tilespmem:v16+s20+$0x0], $0xffff  }
0x19b: {  	v25 =	vld.idx.msk [tilespmem:v5+s19+$0x0], $0xffff  }
0x19c: {  	v5 =	vld.idx.msk [tilespmem:v5+s20+$0x0], $0xffff  }
0x19d: {  	v26 =	vld.idx.msk [tilespmem:v11+s19+$0x0], $0xffff  }
0x19e: {  	v11 =	vld.idx.msk [tilespmem:v11+s20+$0x0], $0xffff  }
0x19f: {  	v6 =	vmul.f32 v6, v13;
	v7 =	vmul.f32 v9, v7  }
0x1a0: {  	v9 =	vadd.f32 v19, v21;
	v8 =	vmul.f32 v12, v8;
	v13 =	vmul.f32 v17, v23  }
0x1a1: {  	v12 =	vadd.f32 v22, v20;
	v16 =	vmul.f32 v16, v24;
	v5 =	vmul.f32 v5, v25  }
0x1a2: {  	v6 =	vadd.f32 v6, v14;
	v10 =	vmul.f32 v18, v10;
	v13 =	vadd.f32 v13, v15  }
0x1a3: {  	v9 =	vadd.f32 v16, v9;
	v11 =	vmul.f32 v11, v26;
	v5 =	vadd.f32 v5, v12  }
0x1a4: {  	v6 =	vadd.f32 v7, v6;
	v7 =	vadd.f32 v8, v13  }
0x1a5: {  	v8 =	vadd.f32 v10, v9;
	v9 =	vlaneseq.u32;
	v5 =	vadd.f32 v11, v5  }
0x1a6: {  	v6 =	vadd.f32 v7, v6;
	v7 =	vand.u32 $0x7F, v9  }
0x1a7: {  	v7 =	vor.u32 v1, v7;
	v11 =	vadd.s32 $0x1, v9;
	v5 =	vadd.f32 v5, v8  }
0x1a8: {  	v11 =	vand.u32 $0x7F, v11;
	v8 =	vadd.s32 $0x4, v9  }
0x1a9: {  	v11 =	vor.u32 v1, v11;
	v8 =	vand.u32 $0x7F, v8;
	v5 =	vadd.f32 v5, v6  }
0x1aa: {  	v6 =	vor.u32 v1, v8;
	v8 =	vadd.s32 $0x5, v9  }
0x1ab: {  	v8 =	vand.u32 $0x7F, v8;
	[tilespmem:$0xEF80] =	vst v5  }
0x1ac: {  	v5 =	vadd.s32 $0x6, v9;
	v8 =	vor.u32 v1, v8;
	v10 =	vld.idx.msk [tilespmem:v7+s19+$0x0], $0xffff  }
0x1ad: {  	v5 =	vand.u32 $0x7F, v5;
	v7 =	vld.idx.msk [tilespmem:v7+s20+$0x0], $0xffff  }
0x1ae: {  	v21 =	vld.idx.msk [tilespmem:v11+s19+$0x0], $0xffff;
	v5 =	vor.u32 v1, v5  }
0x1af: {  	v13 =	vadd.s32 $0x2, v9;
	v12 =	vld.idx.msk [tilespmem:v6+s19+$0x0], $0xffff  }
0x1b0: {  	v14 =	vld.idx.msk [tilespmem:v6+s20+$0x0], $0xffff;
	v6 =	vand.u32 $0x7F, v13  }
0x1b1: {  	v13 =	vadd.s32 $0x3, v9;
	v6 =	vor.u32 v1, v6;
	v15 =	vld.idx.msk [tilespmem:v8+s19+$0x0], $0xffff  }
0x1b2: {  	v13 =	vand.u32 $0x7F, v13;
	v8 =	vld.idx.msk [tilespmem:v8+s20+$0x0], $0xffff  }
0x1b3: {  	v16 =	vadd.s32 $0x7, v9;
	v13 =	vor.u32 v1, v13;
	v19 =	vld.idx.msk [tilespmem:v5+s19+$0x0], $0xffff  }
0x1b4: {  	v20 =	vld.idx.msk [tilespmem:v5+s20+$0x0], $0xffff;
	v5 =	vand.u32 $0x7F, v16  }
0x1b5: {  	v16 =	vld.idx.msk [tilespmem:v11+s20+$0x0], $0xffff;
	v17 =	vor.u32 v1, v5;
	v5 =	vadd.s32 $0x8, v9  }
0x1b6: {  	v9 =	vand.u32 $0x7F, v5;
	v22 =	vld.idx.msk [tilespmem:v6+s19+$0x0], $0xffff  }
0x1b7: {  	v11 =	vadd.s32 $0x4, v5;
	v23 =	vld.idx.msk [tilespmem:v6+s20+$0x0], $0xffff;
	v9 =	vor.u32 v1, v9  }
0x1b8: {  	v58 =	vimm.f32 $0.0e+00;
	v6 =	vand.u32 $0x7F, v11;
	v59 =	vld.idx.msk [tilespmem:v13+s19+$0x0], $0xffff  }
0x1b9: {  	v10 =	vmul.f32 v7, v10;
	v18 =	vadd.s32 $0x6, v5;
	v27 =	vld.idx.msk [tilespmem:v13+s20+$0x0], $0xffff;
	v60 =	vor.u32 v1, v6  }
0x1ba: {  	v14 =	vmul.f32 v14, v12;
	v18 =	vand.u32 $0x7F, v18;
	v6 =	vadd.s32 $0x5, v5;
	v29 =	vld.idx.msk [tilespmem:v17+s19+$0x0], $0xffff  }
0x1bb: {  	v62 =	vadd.f32 v10, v58;
	v18 =	vor.u32 v1, v18;
	v6 =	vand.u32 $0x7F, v6;
	v33 =	vld.idx.msk [tilespmem:v17+s20+$0x0], $0xffff  }
0x1bc: {  	v28 =	vadd.s32 $0x1, v5;
	v30 =	vadd.s32 $0x2, v5;
	v32 =	vor.u32 v1, v6;
	v13 =	vld.idx.msk [tilespmem:v9+s19+$0x0], $0xffff  }
0x1bd: {  	v31 =	vadd.s32 $0x3, v5;
	v11 =	vadd.s32 $0x7, v5;
	v61 =	vand.u32 $0x7F, v30;
	v6 =	vld.idx.msk [tilespmem:v9+s20+$0x0], $0xffff  }
0x1be: {  	v15 =	vmul.f32 v8, v15;
	v12 =	vmul.f32 v16, v21;
	v17 =	vand.u32 $0x7F, v28;
	v7 =	vld.idx.msk [tilespmem:v60+s19+$0x0], $0xffff  }
0x1bf: {  	v17 =	vor.u32 v1, v17;
	v21 =	vmul.f32 v23, v22;
	v22 =	vmul.f32 v27, v59;
	v9 =	vld.idx.msk [tilespmem:v60+s20+$0x0], $0xffff  }
0x1c0: {  	v16 =	vor.u32 v1, v61;
	v19 =	vmul.f32 v20, v19;
	v63 =	vadd.f32 v12, v58;
	v10 =	vld.idx.msk [tilespmem:v18+s19+$0x0], $0xffff  }
0x1c1: {  	v21 =	vadd.f32 v21, v58;
	v20 =	vadd.f32 v22, v58;
	v8 =	vld.idx.msk [tilespmem:v32+s19+$0x0], $0xffff;
	v22 =	vmul.f32 v33, v29  }
0x1c2: {  	s29 =	simm.s32 $0xE;
	v14 =	vadd.f32 v14, v62;
	v23 =	vand.u32 $0x7F, v31;
	v15 =	vadd.f32 v15, v63;
	v12 =	vld.idx.msk [tilespmem:v32+s20+$0x0], $0xffff  }
.LBB2_15:
0x1c3: {  	p0 =	sne.s32 s29, $0x1;
	v23 =	vor.u32 v1, v23;
	v24 =	vld.idx.msk [tilespmem:v18+s20+$0x0], $0xffff;
	v21 =	vadd.f32 v19, v21;
	v20 =	vadd.f32 v22, v20  }
0x1c4: {  	v11 =	vand.u32 $0x7F, v11;
	v19 =	vld.idx.msk [tilespmem:v17+s19+$0x0], $0xffff  }
0x1c5: {  	v5 =	vadd.s32 $0x8, v5;
	v22 =	vld.idx.msk [tilespmem:v17+s20+$0x0], $0xffff;
	v17 =	vor.u32 v1, v11  }
0x1c6: {  	v11 =	vand.u32 $0x7F, v5;
	v25 =	vld.idx.msk [tilespmem:v16+s19+$0x0], $0xffff  }
0x1c7: {  	v26 =	vor.u32 v1, v11;
	v11 =	vadd.s32 $0x4, v5;
	v27 =	vld.idx.msk [tilespmem:v16+s20+$0x0], $0xffff  }
0x1c8: {  	v11 =	vand.u32 $0x7F, v11;
	v28 =	vld.idx.msk [tilespmem:v23+s19+$0x0], $0xffff  }
0x1c9: {  	v16 =	vadd.s32 $0x6, v5;
	v29 =	vor.u32 v1, v11;
	v11 =	vadd.s32 $0x5, v5;
	v23 =	vld.idx.msk [tilespmem:v23+s20+$0x0], $0xffff  }
0x1ca: {  	v18 =	vadd.s32 $0x1, v5;
	v30 =	vand.u32 $0x7F, v11;
	v11 =	vadd.s32 $0x7, v5;
	v31 =	vld.idx.msk [tilespmem:v17+s19+$0x0], $0xffff  }
0x1cb: {  	v32 =	vadd.s32 $0x2, v5;
	v33 =	vadd.s32 $0x3, v5;
	v30 =	vor.u32 v1, v30;
	v34 =	vld.idx.msk [tilespmem:v17+s20+$0x0], $0xffff  }
0x1cc: {  	v32 =	vand.u32 $0x7F, v32;
	v16 =	vand.u32 $0x7F, v16;
	v17 =	vand.u32 $0x7F, v18;
	v35 =	vld.idx.msk [tilespmem:v26+s19+$0x0], $0xffff  }
0x1cd: {  	v13 =	vmul.f32 v6, v13;
	v18 =	vor.u32 v1, v16;
	v6 =	vld.idx.msk [tilespmem:v26+s20+$0x0], $0xffff;
	v26 =	vmul.f32 v9, v7  }
.Ltmp6:
0x1ce: {  	v36 =	vmul.f32 v12, v8;
	v19 =	vmul.f32 v22, v19;
	v17 =	vor.u32 v1, v17;
	v7 =	vld.idx.msk [tilespmem:v29+s19+$0x0], $0xffff;
	(pc) =	sbr.rel @p0 .LBB2_15-.Ltmp6, $4  }
0x1cf: {  	v16 =	vor.u32 v1, v32;
	v22 =	vmul.f32 v27, v25;
	v23 =	vmul.f32 v23, v28;
	v9 =	vld.idx.msk [tilespmem:v29+s20+$0x0], $0xffff  }
0x1d0: {  	v25 =	vadd.f32 v13, v14;
	v15 =	vadd.f32 v19, v15;
	v19 =	vmul.f32 v24, v10;
	v8 =	vld.idx.msk [tilespmem:v30+s19+$0x0], $0xffff  }
0x1d1: {  	v21 =	vadd.f32 v22, v21;
	v20 =	vadd.f32 v23, v20;
	v22 =	vmul.f32 v34, v31;
	v12 =	vld.idx.msk [tilespmem:v30+s20+$0x0], $0xffff  }
0x1d2: {  	s29 =	sadd.s32 $0xFFFFFFFF, s29;
	v15 =	vadd.f32 v36, v15;
	v14 =	vadd.f32 v26, v25;
	v23 =	vand.u32 $0x7F, v33;
	v13 =	vmovc v35;
	v10 =	vld.idx.msk [tilespmem:v18+s19+$0x0], $0xffff  }
0x1d3: {  	_ =	sdelay $0x3  }
0x1d4: {  	v5 =	vor.u32 v1, v23;
	v18 =	vld.idx.msk [tilespmem:v18+s20+$0x0], $0xffff  }
0x1d5: {  	v23 =	vld.idx.msk [tilespmem:v17+s19+$0x0], $0xffff;
	v11 =	vand.u32 $0x7F, v11  }
0x1d6: {  	v17 =	vld.idx.msk [tilespmem:v17+s20+$0x0], $0xffff;
	v11 =	vor.u32 v1, v11  }
0x1d7: {  	v24 =	vld.idx.msk [tilespmem:v16+s19+$0x0], $0xffff  }
0x1d8: {  	v16 =	vld.idx.msk [tilespmem:v16+s20+$0x0], $0xffff  }
0x1d9: {  	v25 =	vld.idx.msk [tilespmem:v5+s19+$0x0], $0xffff  }
0x1da: {  	v5 =	vld.idx.msk [tilespmem:v5+s20+$0x0], $0xffff  }
0x1db: {  	v26 =	vld.idx.msk [tilespmem:v11+s19+$0x0], $0xffff  }
0x1dc: {  	v11 =	vld.idx.msk [tilespmem:v11+s20+$0x0], $0xffff  }
0x1dd: {  	v6 =	vmul.f32 v6, v13;
	v7 =	vmul.f32 v9, v7  }
0x1de: {  	v9 =	vadd.f32 v19, v21;
	v8 =	vmul.f32 v12, v8;
	v13 =	vmul.f32 v17, v23  }
0x1df: {  	v12 =	vadd.f32 v22, v20;
	v16 =	vmul.f32 v16, v24;
	v5 =	vmul.f32 v5, v25  }
0x1e0: {  	v6 =	vadd.f32 v6, v14;
	v10 =	vmul.f32 v18, v10;
	v13 =	vadd.f32 v13, v15  }
0x1e1: {  	v9 =	vadd.f32 v16, v9;
	v11 =	vmul.f32 v11, v26;
	v5 =	vadd.f32 v5, v12  }
0x1e2: {  	v6 =	vadd.f32 v7, v6;
	v7 =	vadd.f32 v8, v13  }
0x1e3: {  	v8 =	vadd.f32 v10, v9;
	v9 =	vlaneseq.u32;
	v5 =	vadd.f32 v11, v5  }
0x1e4: {  	v6 =	vadd.f32 v7, v6;
	v7 =	vand.u32 $0x7F, v9  }
0x1e5: {  	v7 =	vor.u32 v2, v7;
	v11 =	vadd.s32 $0x1, v9;
	v5 =	vadd.f32 v5, v8  }
0x1e6: {  	v11 =	vand.u32 $0x7F, v11;
	v8 =	vadd.s32 $0x4, v9  }
0x1e7: {  	v11 =	vor.u32 v2, v11;
	v8 =	vand.u32 $0x7F, v8;
	v5 =	vadd.f32 v5, v6  }
0x1e8: {  	v6 =	vor.u32 v2, v8;
	v8 =	vadd.s32 $0x5, v9  }
0x1e9: {  	v8 =	vand.u32 $0x7F, v8;
	[tilespmem:$0xEF90] =	vst v5  }
0x1ea: {  	v5 =	vadd.s32 $0x6, v9;
	v8 =	vor.u32 v2, v8;
	v10 =	vld.idx.msk [tilespmem:v7+s19+$0x0], $0xffff  }
0x1eb: {  	v5 =	vand.u32 $0x7F, v5;
	v7 =	vld.idx.msk [tilespmem:v7+s20+$0x0], $0xffff  }
0x1ec: {  	v21 =	vld.idx.msk [tilespmem:v11+s19+$0x0], $0xffff;
	v5 =	vor.u32 v2, v5  }
0x1ed: {  	v13 =	vadd.s32 $0x2, v9;
	v12 =	vld.idx.msk [tilespmem:v6+s19+$0x0], $0xffff  }
0x1ee: {  	v14 =	vld.idx.msk [tilespmem:v6+s20+$0x0], $0xffff;
	v6 =	vand.u32 $0x7F, v13  }
0x1ef: {  	v13 =	vadd.s32 $0x3, v9;
	v6 =	vor.u32 v2, v6;
	v15 =	vld.idx.msk [tilespmem:v8+s19+$0x0], $0xffff  }
0x1f0: {  	v13 =	vand.u32 $0x7F, v13;
	v8 =	vld.idx.msk [tilespmem:v8+s20+$0x0], $0xffff  }
0x1f1: {  	v16 =	vadd.s32 $0x7, v9;
	v13 =	vor.u32 v2, v13;
	v19 =	vld.idx.msk [tilespmem:v5+s19+$0x0], $0xffff  }
0x1f2: {  	v20 =	vld.idx.msk [tilespmem:v5+s20+$0x0], $0xffff;
	v5 =	vand.u32 $0x7F, v16  }
0x1f3: {  	v16 =	vld.idx.msk [tilespmem:v11+s20+$0x0], $0xffff;
	v17 =	vor.u32 v2, v5;
	v5 =	vadd.s32 $0x8, v9  }
0x1f4: {  	v9 =	vand.u32 $0x7F, v5;
	v22 =	vld.idx.msk [tilespmem:v6+s19+$0x0], $0xffff  }
0x1f5: {  	v11 =	vadd.s32 $0x4, v5;
	v23 =	vld.idx.msk [tilespmem:v6+s20+$0x0], $0xffff;
	v9 =	vor.u32 v2, v9  }
0x1f6: {  	v58 =	vimm.f32 $0.0e+00;
	v6 =	vand.u32 $0x7F, v11;
	v59 =	vld.idx.msk [tilespmem:v13+s19+$0x0], $0xffff  }
0x1f7: {  	v10 =	vmul.f32 v7, v10;
	v18 =	vadd.s32 $0x6, v5;
	v27 =	vld.idx.msk [tilespmem:v13+s20+$0x0], $0xffff;
	v60 =	vor.u32 v2, v6  }
0x1f8: {  	v14 =	vmul.f32 v14, v12;
	v18 =	vand.u32 $0x7F, v18;
	v6 =	vadd.s32 $0x5, v5;
	v29 =	vld.idx.msk [tilespmem:v17+s19+$0x0], $0xffff  }
0x1f9: {  	v62 =	vadd.f32 v10, v58;
	v18 =	vor.u32 v2, v18;
	v6 =	vand.u32 $0x7F, v6;
	v33 =	vld.idx.msk [tilespmem:v17+s20+$0x0], $0xffff  }
0x1fa: {  	v28 =	vadd.s32 $0x1, v5;
	v30 =	vadd.s32 $0x2, v5;
	v32 =	vor.u32 v2, v6;
	v13 =	vld.idx.msk [tilespmem:v9+s19+$0x0], $0xffff  }
0x1fb: {  	v31 =	vadd.s32 $0x3, v5;
	v11 =	vadd.s32 $0x7, v5;
	v61 =	vand.u32 $0x7F, v30;
	v6 =	vld.idx.msk [tilespmem:v9+s20+$0x0], $0xffff  }
0x1fc: {  	v15 =	vmul.f32 v8, v15;
	v12 =	vmul.f32 v16, v21;
	v17 =	vand.u32 $0x7F, v28;
	v7 =	vld.idx.msk [tilespmem:v60+s19+$0x0], $0xffff  }
0x1fd: {  	v17 =	vor.u32 v2, v17;
	v21 =	vmul.f32 v23, v22;
	v22 =	vmul.f32 v27, v59;
	v9 =	vld.idx.msk [tilespmem:v60+s20+$0x0], $0xffff  }
0x1fe: {  	v16 =	vor.u32 v2, v61;
	v19 =	vmul.f32 v20, v19;
	v63 =	vadd.f32 v12, v58;
	v10 =	vld.idx.msk [tilespmem:v18+s19+$0x0], $0xffff  }
0x1ff: {  	v21 =	vadd.f32 v21, v58;
	v20 =	vadd.f32 v22, v58;
	v8 =	vld.idx.msk [tilespmem:v32+s19+$0x0], $0xffff;
	v22 =	vmul.f32 v33, v29  }
0x200: {  	s29 =	simm.s32 $0xE;
	v14 =	vadd.f32 v14, v62;
	v23 =	vand.u32 $0x7F, v31;
	v15 =	vadd.f32 v15, v63;
	v12 =	vld.idx.msk [tilespmem:v32+s20+$0x0], $0xffff  }
.LBB2_17:
0x201: {  	p0 =	sne.s32 s29, $0x1;
	v23 =	vor.u32 v2, v23;
	v24 =	vld.idx.msk [tilespmem:v18+s20+$0x0], $0xffff;
	v21 =	vadd.f32 v19, v21;
	v20 =	vadd.f32 v22, v20  }
0x202: {  	v11 =	vand.u32 $0x7F, v11;
	v19 =	vld.idx.msk [tilespmem:v17+s19+$0x0], $0xffff  }
0x203: {  	v5 =	vadd.s32 $0x8, v5;
	v22 =	vld.idx.msk [tilespmem:v17+s20+$0x0], $0xffff;
	v17 =	vor.u32 v2, v11  }
0x204: {  	v11 =	vand.u32 $0x7F, v5;
	v25 =	vld.idx.msk [tilespmem:v16+s19+$0x0], $0xffff  }
0x205: {  	v26 =	vor.u32 v2, v11;
	v11 =	vadd.s32 $0x4, v5;
	v27 =	vld.idx.msk [tilespmem:v16+s20+$0x0], $0xffff  }
0x206: {  	v11 =	vand.u32 $0x7F, v11;
	v28 =	vld.idx.msk [tilespmem:v23+s19+$0x0], $0xffff  }
0x207: {  	v16 =	vadd.s32 $0x6, v5;
	v29 =	vor.u32 v2, v11;
	v11 =	vadd.s32 $0x5, v5;
	v23 =	vld.idx.msk [tilespmem:v23+s20+$0x0], $0xffff  }
0x208: {  	v18 =	vadd.s32 $0x1, v5;
	v30 =	vand.u32 $0x7F, v11;
	v11 =	vadd.s32 $0x7, v5;
	v31 =	vld.idx.msk [tilespmem:v17+s19+$0x0], $0xffff  }
0x209: {  	v32 =	vadd.s32 $0x2, v5;
	v33 =	vadd.s32 $0x3, v5;
	v30 =	vor.u32 v2, v30;
	v34 =	vld.idx.msk [tilespmem:v17+s20+$0x0], $0xffff  }
0x20a: {  	v32 =	vand.u32 $0x7F, v32;
	v16 =	vand.u32 $0x7F, v16;
	v17 =	vand.u32 $0x7F, v18;
	v35 =	vld.idx.msk [tilespmem:v26+s19+$0x0], $0xffff  }
0x20b: {  	v13 =	vmul.f32 v6, v13;
	v18 =	vor.u32 v2, v16;
	v6 =	vld.idx.msk [tilespmem:v26+s20+$0x0], $0xffff;
	v26 =	vmul.f32 v9, v7  }
.Ltmp7:
0x20c: {  	v36 =	vmul.f32 v12, v8;
	v19 =	vmul.f32 v22, v19;
	v17 =	vor.u32 v2, v17;
	v7 =	vld.idx.msk [tilespmem:v29+s19+$0x0], $0xffff;
	(pc) =	sbr.rel @p0 .LBB2_17-.Ltmp7, $4  }
0x20d: {  	v16 =	vor.u32 v2, v32;
	v22 =	vmul.f32 v27, v25;
	v23 =	vmul.f32 v23, v28;
	v9 =	vld.idx.msk [tilespmem:v29+s20+$0x0], $0xffff  }
0x20e: {  	v25 =	vadd.f32 v13, v14;
	v15 =	vadd.f32 v19, v15;
	v19 =	vmul.f32 v24, v10;
	v8 =	vld.idx.msk [tilespmem:v30+s19+$0x0], $0xffff  }
0x20f: {  	v21 =	vadd.f32 v22, v21;
	v20 =	vadd.f32 v23, v20;
	v22 =	vmul.f32 v34, v31;
	v12 =	vld.idx.msk [tilespmem:v30+s20+$0x0], $0xffff  }
0x210: {  	s29 =	sadd.s32 $0xFFFFFFFF, s29;
	v15 =	vadd.f32 v36, v15;
	v14 =	vadd.f32 v26, v25;
	v23 =	vand.u32 $0x7F, v33;
	v13 =	vmovc v35;
	v10 =	vld.idx.msk [tilespmem:v18+s19+$0x0], $0xffff  }
0x211: {  	_ =	sdelay $0x3  }
0x212: {  	v5 =	vor.u32 v2, v23;
	v18 =	vld.idx.msk [tilespmem:v18+s20+$0x0], $0xffff  }
0x213: {  	v23 =	vld.idx.msk [tilespmem:v17+s19+$0x0], $0xffff;
	v11 =	vand.u32 $0x7F, v11  }
0x214: {  	v17 =	vld.idx.msk [tilespmem:v17+s20+$0x0], $0xffff;
	v11 =	vor.u32 v2, v11  }
0x215: {  	v24 =	vld.idx.msk [tilespmem:v16+s19+$0x0], $0xffff  }
0x216: {  	v16 =	vld.idx.msk [tilespmem:v16+s20+$0x0], $0xffff  }
0x217: {  	v25 =	vld.idx.msk [tilespmem:v5+s19+$0x0], $0xffff  }
0x218: {  	v5 =	vld.idx.msk [tilespmem:v5+s20+$0x0], $0xffff  }
0x219: {  	v26 =	vld.idx.msk [tilespmem:v11+s19+$0x0], $0xffff  }
0x21a: {  	v11 =	vld.idx.msk [tilespmem:v11+s20+$0x0], $0xffff  }
0x21b: {  	v6 =	vmul.f32 v6, v13;
	v7 =	vmul.f32 v9, v7  }
0x21c: {  	v9 =	vadd.f32 v19, v21;
	v8 =	vmul.f32 v12, v8;
	v13 =	vmul.f32 v17, v23  }
0x21d: {  	v12 =	vadd.f32 v22, v20;
	v16 =	vmul.f32 v16, v24;
	v5 =	vmul.f32 v5, v25  }
0x21e: {  	v6 =	vadd.f32 v6, v14;
	v10 =	vmul.f32 v18, v10;
	v13 =	vadd.f32 v13, v15  }
0x21f: {  	v9 =	vadd.f32 v16, v9;
	v11 =	vmul.f32 v11, v26;
	v5 =	vadd.f32 v5, v12  }
0x220: {  	v6 =	vadd.f32 v7, v6;
	v7 =	vadd.f32 v8, v13  }
0x221: {  	v8 =	vadd.f32 v10, v9;
	v9 =	vlaneseq.u32;
	v5 =	vadd.f32 v11, v5  }
0x222: {  	v6 =	vadd.f32 v7, v6;
	v7 =	vand.u32 $0x7F, v9  }
0x223: {  	v7 =	vor.u32 v3, v7;
	v11 =	vadd.s32 $0x1, v9;
	v5 =	vadd.f32 v5, v8  }
0x224: {  	v11 =	vand.u32 $0x7F, v11;
	v8 =	vadd.s32 $0x4, v9  }
0x225: {  	v11 =	vor.u32 v3, v11;
	v8 =	vand.u32 $0x7F, v8;
	v5 =	vadd.f32 v5, v6  }
0x226: {  	v6 =	vor.u32 v3, v8;
	v8 =	vadd.s32 $0x5, v9  }
0x227: {  	v8 =	vand.u32 $0x7F, v8;
	[tilespmem:$0xEFA0] =	vst v5  }
0x228: {  	v5 =	vadd.s32 $0x6, v9;
	v8 =	vor.u32 v3, v8;
	v10 =	vld.idx.msk [tilespmem:v7+s19+$0x0], $0xffff  }
0x229: {  	v5 =	vand.u32 $0x7F, v5;
	v7 =	vld.idx.msk [tilespmem:v7+s20+$0x0], $0xffff  }
0x22a: {  	v21 =	vld.idx.msk [tilespmem:v11+s19+$0x0], $0xffff;
	v5 =	vor.u32 v3, v5  }
0x22b: {  	v13 =	vadd.s32 $0x2, v9;
	v12 =	vld.idx.msk [tilespmem:v6+s19+$0x0], $0xffff  }
0x22c: {  	v14 =	vld.idx.msk [tilespmem:v6+s20+$0x0], $0xffff;
	v6 =	vand.u32 $0x7F, v13  }
0x22d: {  	v13 =	vadd.s32 $0x3, v9;
	v6 =	vor.u32 v3, v6;
	v15 =	vld.idx.msk [tilespmem:v8+s19+$0x0], $0xffff  }
0x22e: {  	v13 =	vand.u32 $0x7F, v13;
	v8 =	vld.idx.msk [tilespmem:v8+s20+$0x0], $0xffff  }
0x22f: {  	v16 =	vadd.s32 $0x7, v9;
	v13 =	vor.u32 v3, v13;
	v19 =	vld.idx.msk [tilespmem:v5+s19+$0x0], $0xffff  }
0x230: {  	v20 =	vld.idx.msk [tilespmem:v5+s20+$0x0], $0xffff;
	v5 =	vand.u32 $0x7F, v16  }
0x231: {  	v16 =	vld.idx.msk [tilespmem:v11+s20+$0x0], $0xffff;
	v17 =	vor.u32 v3, v5;
	v5 =	vadd.s32 $0x8, v9  }
0x232: {  	v9 =	vand.u32 $0x7F, v5;
	v22 =	vld.idx.msk [tilespmem:v6+s19+$0x0], $0xffff  }
0x233: {  	v11 =	vadd.s32 $0x4, v5;
	v23 =	vld.idx.msk [tilespmem:v6+s20+$0x0], $0xffff;
	v9 =	vor.u32 v3, v9  }
0x234: {  	v58 =	vimm.f32 $0.0e+00;
	v6 =	vand.u32 $0x7F, v11;
	v59 =	vld.idx.msk [tilespmem:v13+s19+$0x0], $0xffff  }
0x235: {  	v10 =	vmul.f32 v7, v10;
	v18 =	vadd.s32 $0x6, v5;
	v27 =	vld.idx.msk [tilespmem:v13+s20+$0x0], $0xffff;
	v60 =	vor.u32 v3, v6  }
0x236: {  	v14 =	vmul.f32 v14, v12;
	v18 =	vand.u32 $0x7F, v18;
	v6 =	vadd.s32 $0x5, v5;
	v29 =	vld.idx.msk [tilespmem:v17+s19+$0x0], $0xffff  }
0x237: {  	v62 =	vadd.f32 v10, v58;
	v18 =	vor.u32 v3, v18;
	v6 =	vand.u32 $0x7F, v6;
	v33 =	vld.idx.msk [tilespmem:v17+s20+$0x0], $0xffff  }
0x238: {  	v28 =	vadd.s32 $0x1, v5;
	v30 =	vadd.s32 $0x2, v5;
	v32 =	vor.u32 v3, v6;
	v13 =	vld.idx.msk [tilespmem:v9+s19+$0x0], $0xffff  }
0x239: {  	v31 =	vadd.s32 $0x3, v5;
	v11 =	vadd.s32 $0x7, v5;
	v61 =	vand.u32 $0x7F, v30;
	v6 =	vld.idx.msk [tilespmem:v9+s20+$0x0], $0xffff  }
0x23a: {  	v15 =	vmul.f32 v8, v15;
	v12 =	vmul.f32 v16, v21;
	v17 =	vand.u32 $0x7F, v28;
	v7 =	vld.idx.msk [tilespmem:v60+s19+$0x0], $0xffff  }
0x23b: {  	v17 =	vor.u32 v3, v17;
	v21 =	vmul.f32 v23, v22;
	v22 =	vmul.f32 v27, v59;
	v9 =	vld.idx.msk [tilespmem:v60+s20+$0x0], $0xffff  }
0x23c: {  	v16 =	vor.u32 v3, v61;
	v19 =	vmul.f32 v20, v19;
	v63 =	vadd.f32 v12, v58;
	v10 =	vld.idx.msk [tilespmem:v18+s19+$0x0], $0xffff  }
0x23d: {  	v21 =	vadd.f32 v21, v58;
	v20 =	vadd.f32 v22, v58;
	v8 =	vld.idx.msk [tilespmem:v32+s19+$0x0], $0xffff;
	v22 =	vmul.f32 v33, v29  }
0x23e: {  	s29 =	simm.s32 $0xE;
	v14 =	vadd.f32 v14, v62;
	v23 =	vand.u32 $0x7F, v31;
	v15 =	vadd.f32 v15, v63;
	v12 =	vld.idx.msk [tilespmem:v32+s20+$0x0], $0xffff  }
.LBB2_19:
0x23f: {  	p0 =	sne.s32 s29, $0x1;
	v23 =	vor.u32 v3, v23;
	v24 =	vld.idx.msk [tilespmem:v18+s20+$0x0], $0xffff;
	v21 =	vadd.f32 v19, v21;
	v20 =	vadd.f32 v22, v20  }
0x240: {  	v11 =	vand.u32 $0x7F, v11;
	v19 =	vld.idx.msk [tilespmem:v17+s19+$0x0], $0xffff  }
0x241: {  	v5 =	vadd.s32 $0x8, v5;
	v22 =	vld.idx.msk [tilespmem:v17+s20+$0x0], $0xffff;
	v17 =	vor.u32 v3, v11  }
0x242: {  	v11 =	vand.u32 $0x7F, v5;
	v25 =	vld.idx.msk [tilespmem:v16+s19+$0x0], $0xffff  }
0x243: {  	v26 =	vor.u32 v3, v11;
	v11 =	vadd.s32 $0x4, v5;
	v27 =	vld.idx.msk [tilespmem:v16+s20+$0x0], $0xffff  }
0x244: {  	v11 =	vand.u32 $0x7F, v11;
	v28 =	vld.idx.msk [tilespmem:v23+s19+$0x0], $0xffff  }
0x245: {  	v16 =	vadd.s32 $0x6, v5;
	v29 =	vor.u32 v3, v11;
	v11 =	vadd.s32 $0x5, v5;
	v23 =	vld.idx.msk [tilespmem:v23+s20+$0x0], $0xffff  }
0x246: {  	v18 =	vadd.s32 $0x1, v5;
	v30 =	vand.u32 $0x7F, v11;
	v11 =	vadd.s32 $0x7, v5;
	v31 =	vld.idx.msk [tilespmem:v17+s19+$0x0], $0xffff  }
0x247: {  	v32 =	vadd.s32 $0x2, v5;
	v33 =	vadd.s32 $0x3, v5;
	v30 =	vor.u32 v3, v30;
	v34 =	vld.idx.msk [tilespmem:v17+s20+$0x0], $0xffff  }
0x248: {  	v32 =	vand.u32 $0x7F, v32;
	v16 =	vand.u32 $0x7F, v16;
	v17 =	vand.u32 $0x7F, v18;
	v35 =	vld.idx.msk [tilespmem:v26+s19+$0x0], $0xffff  }
0x249: {  	v13 =	vmul.f32 v6, v13;
	v18 =	vor.u32 v3, v16;
	v6 =	vld.idx.msk [tilespmem:v26+s20+$0x0], $0xffff;
	v26 =	vmul.f32 v9, v7  }
.Ltmp8:
0x24a: {  	v36 =	vmul.f32 v12, v8;
	v19 =	vmul.f32 v22, v19;
	v17 =	vor.u32 v3, v17;
	v7 =	vld.idx.msk [tilespmem:v29+s19+$0x0], $0xffff;
	(pc) =	sbr.rel @p0 .LBB2_19-.Ltmp8, $4  }
0x24b: {  	v16 =	vor.u32 v3, v32;
	v22 =	vmul.f32 v27, v25;
	v23 =	vmul.f32 v23, v28;
	v9 =	vld.idx.msk [tilespmem:v29+s20+$0x0], $0xffff  }
0x24c: {  	v25 =	vadd.f32 v13, v14;
	v15 =	vadd.f32 v19, v15;
	v19 =	vmul.f32 v24, v10;
	v8 =	vld.idx.msk [tilespmem:v30+s19+$0x0], $0xffff  }
0x24d: {  	v21 =	vadd.f32 v22, v21;
	v20 =	vadd.f32 v23, v20;
	v22 =	vmul.f32 v34, v31;
	v12 =	vld.idx.msk [tilespmem:v30+s20+$0x0], $0xffff  }
0x24e: {  	s29 =	sadd.s32 $0xFFFFFFFF, s29;
	v15 =	vadd.f32 v36, v15;
	v14 =	vadd.f32 v26, v25;
	v23 =	vand.u32 $0x7F, v33;
	v13 =	vmovc v35;
	v10 =	vld.idx.msk [tilespmem:v18+s19+$0x0], $0xffff  }
0x24f: {  	_ =	sdelay $0x3  }
0x250: {  	v5 =	vor.u32 v3, v23;
	v18 =	vld.idx.msk [tilespmem:v18+s20+$0x0], $0xffff  }
0x251: {  	v23 =	vld.idx.msk [tilespmem:v17+s19+$0x0], $0xffff;
	v11 =	vand.u32 $0x7F, v11  }
0x252: {  	v17 =	vld.idx.msk [tilespmem:v17+s20+$0x0], $0xffff;
	v11 =	vor.u32 v3, v11  }
0x253: {  	v24 =	vld.idx.msk [tilespmem:v16+s19+$0x0], $0xffff  }
0x254: {  	v16 =	vld.idx.msk [tilespmem:v16+s20+$0x0], $0xffff  }
0x255: {  	v25 =	vld.idx.msk [tilespmem:v5+s19+$0x0], $0xffff  }
0x256: {  	v5 =	vld.idx.msk [tilespmem:v5+s20+$0x0], $0xffff  }
0x257: {  	v26 =	vld.idx.msk [tilespmem:v11+s19+$0x0], $0xffff  }
0x258: {  	v11 =	vld.idx.msk [tilespmem:v11+s20+$0x0], $0xffff  }
0x259: {  	v6 =	vmul.f32 v6, v13;
	v7 =	vmul.f32 v9, v7  }
0x25a: {  	v9 =	vadd.f32 v19, v21;
	v8 =	vmul.f32 v12, v8;
	v13 =	vmul.f32 v17, v23  }
0x25b: {  	v12 =	vadd.f32 v22, v20;
	v16 =	vmul.f32 v16, v24;
	v5 =	vmul.f32 v5, v25  }
0x25c: {  	v6 =	vadd.f32 v6, v14;
	v10 =	vmul.f32 v18, v10;
	v13 =	vadd.f32 v13, v15  }
0x25d: {  	v9 =	vadd.f32 v16, v9;
	v11 =	vmul.f32 v11, v26;
	v5 =	vadd.f32 v5, v12  }
0x25e: {  	v6 =	vadd.f32 v7, v6;
	v7 =	vadd.f32 v8, v13  }
0x25f: {  	v8 =	vadd.f32 v10, v9;
	v9 =	vlaneseq.u32;
	v5 =	vadd.f32 v11, v5  }
0x260: {  	v6 =	vadd.f32 v7, v6;
	v7 =	vand.u32 $0x7F, v9  }
0x261: {  	v7 =	vor.u32 v4, v7;
	v11 =	vadd.s32 $0x1, v9;
	v5 =	vadd.f32 v5, v8  }
0x262: {  	v11 =	vand.u32 $0x7F, v11;
	v8 =	vadd.s32 $0x4, v9  }
0x263: {  	v11 =	vor.u32 v4, v11;
	v8 =	vand.u32 $0x7F, v8;
	v5 =	vadd.f32 v5, v6  }
0x264: {  	v6 =	vor.u32 v4, v8;
	v8 =	vadd.s32 $0x5, v9  }
0x265: {  	v8 =	vand.u32 $0x7F, v8;
	[tilespmem:$0xEFB0] =	vst v5  }
0x266: {  	v5 =	vadd.s32 $0x6, v9;
	v8 =	vor.u32 v4, v8;
	v10 =	vld.idx.msk [tilespmem:v7+s19+$0x0], $0xffff  }
0x267: {  	v5 =	vand.u32 $0x7F, v5;
	v7 =	vld.idx.msk [tilespmem:v7+s20+$0x0], $0xffff  }
0x268: {  	v21 =	vld.idx.msk [tilespmem:v11+s19+$0x0], $0xffff;
	v5 =	vor.u32 v4, v5  }
0x269: {  	v13 =	vadd.s32 $0x2, v9;
	v12 =	vld.idx.msk [tilespmem:v6+s19+$0x0], $0xffff  }
0x26a: {  	v14 =	vld.idx.msk [tilespmem:v6+s20+$0x0], $0xffff;
	v6 =	vand.u32 $0x7F, v13  }
0x26b: {  	v13 =	vadd.s32 $0x3, v9;
	v6 =	vor.u32 v4, v6;
	v15 =	vld.idx.msk [tilespmem:v8+s19+$0x0], $0xffff  }
0x26c: {  	v13 =	vand.u32 $0x7F, v13;
	v8 =	vld.idx.msk [tilespmem:v8+s20+$0x0], $0xffff  }
0x26d: {  	v16 =	vadd.s32 $0x7, v9;
	v13 =	vor.u32 v4, v13;
	v19 =	vld.idx.msk [tilespmem:v5+s19+$0x0], $0xffff  }
0x26e: {  	v20 =	vld.idx.msk [tilespmem:v5+s20+$0x0], $0xffff;
	v5 =	vand.u32 $0x7F, v16  }
0x26f: {  	v16 =	vld.idx.msk [tilespmem:v11+s20+$0x0], $0xffff;
	v17 =	vor.u32 v4, v5;
	v5 =	vadd.s32 $0x8, v9  }
0x270: {  	v9 =	vand.u32 $0x7F, v5;
	v22 =	vld.idx.msk [tilespmem:v6+s19+$0x0], $0xffff  }
0x271: {  	v11 =	vadd.s32 $0x4, v5;
	v23 =	vld.idx.msk [tilespmem:v6+s20+$0x0], $0xffff;
	v9 =	vor.u32 v4, v9  }
0x272: {  	v58 =	vimm.f32 $0.0e+00;
	v6 =	vand.u32 $0x7F, v11;
	v59 =	vld.idx.msk [tilespmem:v13+s19+$0x0], $0xffff  }
0x273: {  	v10 =	vmul.f32 v7, v10;
	v18 =	vadd.s32 $0x6, v5;
	v27 =	vld.idx.msk [tilespmem:v13+s20+$0x0], $0xffff;
	v60 =	vor.u32 v4, v6  }
0x274: {  	v14 =	vmul.f32 v14, v12;
	v18 =	vand.u32 $0x7F, v18;
	v6 =	vadd.s32 $0x5, v5;
	v29 =	vld.idx.msk [tilespmem:v17+s19+$0x0], $0xffff  }
0x275: {  	v62 =	vadd.f32 v10, v58;
	v18 =	vor.u32 v4, v18;
	v6 =	vand.u32 $0x7F, v6;
	v33 =	vld.idx.msk [tilespmem:v17+s20+$0x0], $0xffff  }
0x276: {  	v28 =	vadd.s32 $0x1, v5;
	v30 =	vadd.s32 $0x2, v5;
	v32 =	vor.u32 v4, v6;
	v13 =	vld.idx.msk [tilespmem:v9+s19+$0x0], $0xffff  }
0x277: {  	v31 =	vadd.s32 $0x3, v5;
	v11 =	vadd.s32 $0x7, v5;
	v61 =	vand.u32 $0x7F, v30;
	v6 =	vld.idx.msk [tilespmem:v9+s20+$0x0], $0xffff  }
0x278: {  	v15 =	vmul.f32 v8, v15;
	v12 =	vmul.f32 v16, v21;
	v17 =	vand.u32 $0x7F, v28;
	v7 =	vld.idx.msk [tilespmem:v60+s19+$0x0], $0xffff  }
0x279: {  	v17 =	vor.u32 v4, v17;
	v21 =	vmul.f32 v23, v22;
	v22 =	vmul.f32 v27, v59;
	v9 =	vld.idx.msk [tilespmem:v60+s20+$0x0], $0xffff  }
0x27a: {  	v16 =	vor.u32 v4, v61;
	v19 =	vmul.f32 v20, v19;
	v63 =	vadd.f32 v12, v58;
	v10 =	vld.idx.msk [tilespmem:v18+s19+$0x0], $0xffff  }
0x27b: {  	v21 =	vadd.f32 v21, v58;
	v20 =	vadd.f32 v22, v58;
	v8 =	vld.idx.msk [tilespmem:v32+s19+$0x0], $0xffff;
	v22 =	vmul.f32 v33, v29  }
0x27c: {  	s29 =	simm.s32 $0xE;
	v14 =	vadd.f32 v14, v62;
	v23 =	vand.u32 $0x7F, v31;
	v15 =	vadd.f32 v15, v63;
	v12 =	vld.idx.msk [tilespmem:v32+s20+$0x0], $0xffff  }
.LBB2_21:
0x27d: {  	p0 =	sne.s32 s29, $0x1;
	v23 =	vor.u32 v4, v23;
	v24 =	vld.idx.msk [tilespmem:v18+s20+$0x0], $0xffff;
	v21 =	vadd.f32 v19, v21;
	v20 =	vadd.f32 v22, v20  }
0x27e: {  	v11 =	vand.u32 $0x7F, v11;
	v19 =	vld.idx.msk [tilespmem:v17+s19+$0x0], $0xffff  }
0x27f: {  	v5 =	vadd.s32 $0x8, v5;
	v22 =	vld.idx.msk [tilespmem:v17+s20+$0x0], $0xffff;
	v17 =	vor.u32 v4, v11  }
0x280: {  	v11 =	vand.u32 $0x7F, v5;
	v25 =	vld.idx.msk [tilespmem:v16+s19+$0x0], $0xffff  }
0x281: {  	v26 =	vor.u32 v4, v11;
	v11 =	vadd.s32 $0x4, v5;
	v27 =	vld.idx.msk [tilespmem:v16+s20+$0x0], $0xffff  }
0x282: {  	v11 =	vand.u32 $0x7F, v11;
	v28 =	vld.idx.msk [tilespmem:v23+s19+$0x0], $0xffff  }
0x283: {  	v16 =	vadd.s32 $0x6, v5;
	v29 =	vor.u32 v4, v11;
	v11 =	vadd.s32 $0x5, v5;
	v23 =	vld.idx.msk [tilespmem:v23+s20+$0x0], $0xffff  }
0x284: {  	v18 =	vadd.s32 $0x1, v5;
	v30 =	vand.u32 $0x7F, v11;
	v11 =	vadd.s32 $0x7, v5;
	v31 =	vld.idx.msk [tilespmem:v17+s19+$0x0], $0xffff  }
0x285: {  	v32 =	vadd.s32 $0x2, v5;
	v33 =	vadd.s32 $0x3, v5;
	v30 =	vor.u32 v4, v30;
	v34 =	vld.idx.msk [tilespmem:v17+s20+$0x0], $0xffff  }
0x286: {  	v32 =	vand.u32 $0x7F, v32;
	v16 =	vand.u32 $0x7F, v16;
	v17 =	vand.u32 $0x7F, v18;
	v35 =	vld.idx.msk [tilespmem:v26+s19+$0x0], $0xffff  }
0x287: {  	v13 =	vmul.f32 v6, v13;
	v18 =	vor.u32 v4, v16;
	v6 =	vld.idx.msk [tilespmem:v26+s20+$0x0], $0xffff;
	v26 =	vmul.f32 v9, v7  }
.Ltmp9:
0x288: {  	v36 =	vmul.f32 v12, v8;
	v19 =	vmul.f32 v22, v19;
	v17 =	vor.u32 v4, v17;
	v7 =	vld.idx.msk [tilespmem:v29+s19+$0x0], $0xffff;
	(pc) =	sbr.rel @p0 .LBB2_21-.Ltmp9, $4  }
0x289: {  	v16 =	vor.u32 v4, v32;
	v22 =	vmul.f32 v27, v25;
	v23 =	vmul.f32 v23, v28;
	v9 =	vld.idx.msk [tilespmem:v29+s20+$0x0], $0xffff  }
0x28a: {  	v25 =	vadd.f32 v13, v14;
	v15 =	vadd.f32 v19, v15;
	v19 =	vmul.f32 v24, v10;
	v8 =	vld.idx.msk [tilespmem:v30+s19+$0x0], $0xffff  }
0x28b: {  	v21 =	vadd.f32 v22, v21;
	v20 =	vadd.f32 v23, v20;
	v22 =	vmul.f32 v34, v31;
	v12 =	vld.idx.msk [tilespmem:v30+s20+$0x0], $0xffff  }
0x28c: {  	s29 =	sadd.s32 $0xFFFFFFFF, s29;
	v15 =	vadd.f32 v36, v15;
	v14 =	vadd.f32 v26, v25;
	v23 =	vand.u32 $0x7F, v33;
	v13 =	vmovc v35;
	v10 =	vld.idx.msk [tilespmem:v18+s19+$0x0], $0xffff  }
0x28d: {  	_ =	sdelay $0x3  }
0x28e: {  	v5 =	vor.u32 v4, v23;
	v18 =	vld.idx.msk [tilespmem:v18+s20+$0x0], $0xffff  }
0x28f: {  	v57 =	vld.idx.msk [tilespmem:v17+s19+$0x0], $0xffff;
	v11 =	vand.u32 $0x7F, v11  }
0x290: {  	v58 =	vld.idx.msk [tilespmem:v17+s20+$0x0], $0xffff;
	v11 =	vor.u32 v4, v11  }
0x291: {  	v24 =	vld.idx.msk [tilespmem:v16+s19+$0x0], $0xffff  }
0x292: {  	v59 =	vld.idx.msk [tilespmem:v16+s20+$0x0], $0xffff  }
0x293: {  	v25 =	vld.idx.msk [tilespmem:v5+s19+$0x0], $0xffff  }
0x294: {  	v5 =	vld.idx.msk [tilespmem:v5+s20+$0x0], $0xffff  }
0x295: {  	v26 =	vld.idx.msk [tilespmem:v11+s19+$0x0], $0xffff  }
0x296: {  	v11 =	vld.idx.msk [tilespmem:v11+s20+$0x0], $0xffff  }
0x297: {  	v6 =	vmul.f32 v6, v13;
	v60 =	vadd.f32 v19, v21  }
0x298: {  	v62 =	vadd.f32 v22, v20;
	v7 =	vmul.f32 v9, v7;
	v61 =	vmul.f32 v58, v57  }
0x299: {  	v6 =	vadd.f32 v6, v14;
	v16 =	vmul.f32 v59, v24;
	v5 =	vmul.f32 v5, v25  }
0x29a: {  	v8 =	vmul.f32 v12, v8;
	v10 =	vmul.f32 v18, v10;
	v13 =	vadd.f32 v61, v15  }
0x29b: {  	v9 =	vadd.f32 v16, v60;
	v11 =	vmul.f32 v11, v26;
	v5 =	vadd.f32 v5, v62  }
0x29c: {  	v6 =	vadd.f32 v7, v6;
	v7 =	vadd.f32 v8, v13  }
0x29d: {  	v63 =	vadd.f32 v10, v9;
	v5 =	vadd.f32 v11, v5  }
0x29e: {  	s26 =	sadd.s32 $0x1, s26  }
0x29f: {  	p0 =	sne.s32 s26, $0x3E;
	v6 =	vadd.f32 v7, v6;
	v5 =	vadd.f32 v5, v63  }
.Ltmp10:
0x2a0: {  	_ = 	snop;
	(pc) =	sbr.rel @p0 .LBB2_2-.Ltmp10, $4  }
0x2a1: {  	s28 =	sadd.s32 s6, s28;
	v5 =	vadd.f32 v5, v6  }
0x2a2: {  	s28 =	sshrl.u32 s28, $0x3  }
0x2a3: {  	s28 =	sadd.s32 s4, s28;
	[tilespmem:$0xEFC0] =	vst v5  }
0x2a4: {  	[hbm4b:s28+s5] =	stream.linear.scatter [tilespmem:s15], [sflag:$0x4], $0x50, $0x38;
	[tilespmem:$0xF000] =	vst v63  }
0x2a5: {  	_ =	swait.ge [sflag:s21], $0x2800  }
0x2a6: {  	[sflag:s21] =	ssyncset.done $0x0  }
0x2a7: {  	v5 =	vlaneseq.u32;
	[sflag:s21] =	ssyncadd.s32 $0xFFFFD800  }
0x2a8: {  	v6 =	vand.u32 $0x7F, v5;
	_ =	swait.ge [sflag:s21], $0x2800  }
0x2a9: {  	v7 =	vadd.s32 $0x4, v5;
	v6 =	vor.u32 v0, v6;
	[sflag:s21] =	ssyncset.done $0x0  }
0x2aa: {  	v7 =	vand.u32 $0x7F, v7;
	[sflag:s21] =	ssyncadd.s32 $0xFFFFD800  }
0x2ab: {  	v8 =	vadd.s32 $0x5, v5;
	v7 =	vor.u32 v0, v7;
	_ =	swait.ge [sflag:s22], $0x50  }
0x2ac: {  	v8 =	vand.u32 $0x7F, v8;
	[sflag:s22] =	ssyncset.done $0x0  }
0x2ad: {  	v13 =	vadd.s32 $0x3, v5;
	v8 =	vor.u32 v0, v8;
	[sflag:s22] =	ssyncadd.s32 $0xFFFFFFB0  }
0x2ae: {  	v9 =	vadd.s32 $0x6, v5;
	v13 =	vand.u32 $0x7F, v13;
	v10 =	vld.idx.msk [tilespmem:v6+s17+$0x0], $0xffff  }
0x2af: {  	v9 =	vand.u32 $0x7F, v9;
	v13 =	vor.u32 v0, v13;
	v12 =	vld.idx.msk [tilespmem:v6+s18+$0x0], $0xffff  }
0x2b0: {  	v6 =	vor.u32 v0, v9;
	v14 =	vld.idx.msk [tilespmem:v7+s17+$0x0], $0xffff  }
0x2b1: {  	v11 =	vadd.s32 $0x1, v5;
	v7 =	vld.idx.msk [tilespmem:v7+s18+$0x0], $0xffff  }
0x2b2: {  	v9 =	vand.u32 $0x7F, v11;
	v11 =	vadd.s32 $0x2, v5;
	v15 =	vld.idx.msk [tilespmem:v8+s17+$0x0], $0xffff  }
0x2b3: {  	v8 =	vld.idx.msk [tilespmem:v8+s18+$0x0], $0xffff;
	v9 =	vor.u32 v0, v9;
	v11 =	vand.u32 $0x7F, v11  }
0x2b4: {  	v25 =	vld.idx.msk [tilespmem:v13+s17+$0x0], $0xffff;
	v11 =	vor.u32 v0, v11  }
0x2b5: {  	v16 =	vadd.s32 $0x7, v5;
	v19 =	vld.idx.msk [tilespmem:v6+s17+$0x0], $0xffff  }
0x2b6: {  	v20 =	vld.idx.msk [tilespmem:v6+s18+$0x0], $0xffff;
	v6 =	vand.u32 $0x7F, v16  }
0x2b7: {  	v5 =	vadd.s32 $0x8, v5;
	v27 =	vld.idx.msk [tilespmem:v13+s18+$0x0], $0xffff;
	v6 =	vor.u32 v0, v6  }
0x2b8: {  	v16 =	vand.u32 $0x7F, v5;
	v21 =	vld.idx.msk [tilespmem:v9+s17+$0x0], $0xffff  }
0x2b9: {  	v17 =	vadd.s32 $0x4, v5;
	v16 =	vor.u32 v0, v16;
	v22 =	vld.idx.msk [tilespmem:v11+s17+$0x0], $0xffff  }
0x2ba: {  	v24 =	vimm.f32 $0.0e+00;
	v23 =	vld.idx.msk [tilespmem:v11+s18+$0x0], $0xffff;
	v11 =	vand.u32 $0x7F, v17  }
0x2bb: {  	v18 =	vadd.s32 $0x1, v5;
	v9 =	vld.idx.msk [tilespmem:v9+s18+$0x0], $0xffff;
	v17 =	vadd.s32 $0x6, v5;
	v26 =	vor.u32 v0, v11  }
0x2bc: {  	v29 =	vadd.s32 $0x2, v5;
	v11 =	vadd.s32 $0x5, v5;
	v17 =	vand.u32 $0x7F, v17;
	v28 =	vld.idx.msk [tilespmem:v6+s17+$0x0], $0xffff  }
0x2bd: {  	v33 =	vand.u32 $0x7F, v18;
	v13 =	vand.u32 $0x7F, v11;
	v18 =	vor.u32 v0, v17;
	v32 =	vld.idx.msk [tilespmem:v6+s18+$0x0], $0xffff  }
0x2be: {  	v30 =	vadd.s32 $0x3, v5;
	v10 =	vmul.f32 v12, v10;
	v31 =	vor.u32 v0, v13;
	v13 =	vld.idx.msk [tilespmem:v16+s17+$0x0], $0xffff  }
0x2bf: {  	v29 =	vand.u32 $0x7F, v29;
	v14 =	vmul.f32 v7, v14;
	v15 =	vmul.f32 v8, v15;
	v6 =	vld.idx.msk [tilespmem:v16+s18+$0x0], $0xffff  }
0x2c0: {  	v62 =	vadd.f32 v10, v24;
	v11 =	vadd.s32 $0x7, v5;
	v12 =	vmul.f32 v9, v21;
	v7 =	vld.idx.msk [tilespmem:v26+s17+$0x0], $0xffff  }
0x2c1: {  	v17 =	vor.u32 v0, v33;
	v21 =	vmul.f32 v23, v22;
	v22 =	vmul.f32 v27, v25;
	v9 =	vld.idx.msk [tilespmem:v26+s18+$0x0], $0xffff  }
0x2c2: {  	v19 =	vmul.f32 v20, v19;
	v16 =	vor.u32 v0, v29;
	v63 =	vadd.f32 v12, v24;
	v10 =	vld.idx.msk [tilespmem:v18+s17+$0x0], $0xffff  }
0x2c3: {  	v21 =	vadd.f32 v21, v24;
	v20 =	vadd.f32 v22, v24;
	v8 =	vld.idx.msk [tilespmem:v31+s17+$0x0], $0xffff;
	v22 =	vmul.f32 v32, v28  }
0x2c4: {  	s26 =	simm.s32 $0xE;
	v14 =	vadd.f32 v14, v62;
	v23 =	vand.u32 $0x7F, v30;
	v12 =	vld.idx.msk [tilespmem:v31+s18+$0x0], $0xffff;
	v15 =	vadd.f32 v15, v63  }
.LBB2_24:
0x2c5: {  	p0 =	sne.s32 s26, $0x1;
	v23 =	vor.u32 v0, v23;
	v24 =	vld.idx.msk [tilespmem:v18+s18+$0x0], $0xffff;
	v21 =	vadd.f32 v19, v21;
	v20 =	vadd.f32 v22, v20  }
0x2c6: {  	v11 =	vand.u32 $0x7F, v11;
	v19 =	vld.idx.msk [tilespmem:v17+s17+$0x0], $0xffff  }
0x2c7: {  	v5 =	vadd.s32 $0x8, v5;
	v22 =	vld.idx.msk [tilespmem:v17+s18+$0x0], $0xffff;
	v17 =	vor.u32 v0, v11  }
0x2c8: {  	v11 =	vand.u32 $0x7F, v5;
	v25 =	vld.idx.msk [tilespmem:v16+s17+$0x0], $0xffff  }
0x2c9: {  	v26 =	vor.u32 v0, v11;
	v11 =	vadd.s32 $0x4, v5;
	v27 =	vld.idx.msk [tilespmem:v16+s18+$0x0], $0xffff  }
0x2ca: {  	v11 =	vand.u32 $0x7F, v11;
	v28 =	vld.idx.msk [tilespmem:v23+s17+$0x0], $0xffff  }
0x2cb: {  	v16 =	vadd.s32 $0x6, v5;
	v29 =	vor.u32 v0, v11;
	v11 =	vadd.s32 $0x5, v5;
	v23 =	vld.idx.msk [tilespmem:v23+s18+$0x0], $0xffff  }
0x2cc: {  	v18 =	vadd.s32 $0x1, v5;
	v30 =	vand.u32 $0x7F, v11;
	v11 =	vadd.s32 $0x7, v5;
	v31 =	vld.idx.msk [tilespmem:v17+s17+$0x0], $0xffff  }
0x2cd: {  	v32 =	vadd.s32 $0x2, v5;
	v33 =	vadd.s32 $0x3, v5;
	v30 =	vor.u32 v0, v30;
	v34 =	vld.idx.msk [tilespmem:v17+s18+$0x0], $0xffff  }
0x2ce: {  	v32 =	vand.u32 $0x7F, v32;
	v16 =	vand.u32 $0x7F, v16;
	v17 =	vand.u32 $0x7F, v18;
	v35 =	vld.idx.msk [tilespmem:v26+s17+$0x0], $0xffff  }
0x2cf: {  	v13 =	vmul.f32 v6, v13;
	v18 =	vor.u32 v0, v16;
	v6 =	vld.idx.msk [tilespmem:v26+s18+$0x0], $0xffff;
	v26 =	vmul.f32 v9, v7  }
.Ltmp11:
0x2d0: {  	v36 =	vmul.f32 v12, v8;
	v19 =	vmul.f32 v22, v19;
	v17 =	vor.u32 v0, v17;
	v7 =	vld.idx.msk [tilespmem:v29+s17+$0x0], $0xffff;
	(pc) =	sbr.rel @p0 .LBB2_24-.Ltmp11, $4  }
0x2d1: {  	v16 =	vor.u32 v0, v32;
	v22 =	vmul.f32 v27, v25;
	v23 =	vmul.f32 v23, v28;
	v9 =	vld.idx.msk [tilespmem:v29+s18+$0x0], $0xffff  }
0x2d2: {  	v25 =	vadd.f32 v13, v14;
	v15 =	vadd.f32 v19, v15;
	v19 =	vmul.f32 v24, v10;
	v8 =	vld.idx.msk [tilespmem:v30+s17+$0x0], $0xffff  }
0x2d3: {  	v21 =	vadd.f32 v22, v21;
	v20 =	vadd.f32 v23, v20;
	v22 =	vmul.f32 v34, v31;
	v12 =	vld.idx.msk [tilespmem:v30+s18+$0x0], $0xffff  }
0x2d4: {  	s26 =	sadd.s32 $0xFFFFFFFF, s26;
	v15 =	vadd.f32 v36, v15;
	v14 =	vadd.f32 v26, v25;
	v23 =	vand.u32 $0x7F, v33;
	v13 =	vmovc v35;
	v10 =	vld.idx.msk [tilespmem:v18+s17+$0x0], $0xffff  }
0x2d5: {  	_ =	sdelay $0x3  }
0x2d6: {  	v5 =	vor.u32 v0, v23;
	v18 =	vld.idx.msk [tilespmem:v18+s18+$0x0], $0xffff  }
0x2d7: {  	v23 =	vld.idx.msk [tilespmem:v17+s17+$0x0], $0xffff;
	v11 =	vand.u32 $0x7F, v11  }
0x2d8: {  	v17 =	vld.idx.msk [tilespmem:v17+s18+$0x0], $0xffff;
	v11 =	vor.u32 v0, v11  }
0x2d9: {  	v24 =	vld.idx.msk [tilespmem:v16+s17+$0x0], $0xffff  }
0x2da: {  	v16 =	vld.idx.msk [tilespmem:v16+s18+$0x0], $0xffff  }
0x2db: {  	v25 =	vld.idx.msk [tilespmem:v5+s17+$0x0], $0xffff  }
0x2dc: {  	v5 =	vld.idx.msk [tilespmem:v5+s18+$0x0], $0xffff  }
0x2dd: {  	v26 =	vld.idx.msk [tilespmem:v11+s17+$0x0], $0xffff  }
0x2de: {  	v11 =	vld.idx.msk [tilespmem:v11+s18+$0x0], $0xffff  }
0x2df: {  	v6 =	vmul.f32 v6, v13;
	v7 =	vmul.f32 v9, v7  }
0x2e0: {  	v9 =	vadd.f32 v19, v21;
	v8 =	vmul.f32 v12, v8;
	v13 =	vmul.f32 v17, v23  }
0x2e1: {  	v12 =	vadd.f32 v22, v20;
	v16 =	vmul.f32 v16, v24;
	v5 =	vmul.f32 v5, v25  }
0x2e2: {  	v6 =	vadd.f32 v6, v14;
	v10 =	vmul.f32 v18, v10;
	v13 =	vadd.f32 v13, v15  }
0x2e3: {  	v9 =	vadd.f32 v16, v9;
	v11 =	vmul.f32 v11, v26;
	v5 =	vadd.f32 v5, v12  }
0x2e4: {  	v6 =	vadd.f32 v7, v6;
	v7 =	vadd.f32 v8, v13  }
0x2e5: {  	v8 =	vadd.f32 v10, v9;
	v9 =	vlaneseq.u32;
	v5 =	vadd.f32 v11, v5  }
0x2e6: {  	v6 =	vadd.f32 v7, v6;
	v7 =	vand.u32 $0x7F, v9  }
0x2e7: {  	v7 =	vor.u32 v1, v7;
	v11 =	vadd.s32 $0x1, v9;
	v5 =	vadd.f32 v5, v8  }
0x2e8: {  	v11 =	vand.u32 $0x7F, v11;
	v8 =	vadd.s32 $0x4, v9  }
0x2e9: {  	v11 =	vor.u32 v1, v11;
	v8 =	vand.u32 $0x7F, v8;
	v5 =	vadd.f32 v5, v6  }
0x2ea: {  	v6 =	vor.u32 v1, v8;
	v8 =	vadd.s32 $0x5, v9  }
0x2eb: {  	v8 =	vand.u32 $0x7F, v8;
	[tilespmem:$0xEF00] =	vst v5  }
0x2ec: {  	v5 =	vadd.s32 $0x6, v9;
	v8 =	vor.u32 v1, v8;
	v10 =	vld.idx.msk [tilespmem:v7+s17+$0x0], $0xffff  }
0x2ed: {  	v5 =	vand.u32 $0x7F, v5;
	v7 =	vld.idx.msk [tilespmem:v7+s18+$0x0], $0xffff  }
0x2ee: {  	v21 =	vld.idx.msk [tilespmem:v11+s17+$0x0], $0xffff;
	v5 =	vor.u32 v1, v5  }
0x2ef: {  	v13 =	vadd.s32 $0x2, v9;
	v12 =	vld.idx.msk [tilespmem:v6+s17+$0x0], $0xffff  }
0x2f0: {  	v14 =	vld.idx.msk [tilespmem:v6+s18+$0x0], $0xffff;
	v6 =	vand.u32 $0x7F, v13  }
0x2f1: {  	v13 =	vadd.s32 $0x3, v9;
	v6 =	vor.u32 v1, v6;
	v15 =	vld.idx.msk [tilespmem:v8+s17+$0x0], $0xffff  }
0x2f2: {  	v13 =	vand.u32 $0x7F, v13;
	v8 =	vld.idx.msk [tilespmem:v8+s18+$0x0], $0xffff  }
0x2f3: {  	v16 =	vadd.s32 $0x7, v9;
	v13 =	vor.u32 v1, v13;
	v19 =	vld.idx.msk [tilespmem:v5+s17+$0x0], $0xffff  }
0x2f4: {  	v20 =	vld.idx.msk [tilespmem:v5+s18+$0x0], $0xffff;
	v5 =	vand.u32 $0x7F, v16  }
0x2f5: {  	v16 =	vld.idx.msk [tilespmem:v11+s18+$0x0], $0xffff;
	v17 =	vor.u32 v1, v5;
	v5 =	vadd.s32 $0x8, v9  }
0x2f6: {  	v9 =	vand.u32 $0x7F, v5;
	v22 =	vld.idx.msk [tilespmem:v6+s17+$0x0], $0xffff  }
0x2f7: {  	v11 =	vadd.s32 $0x4, v5;
	v23 =	vld.idx.msk [tilespmem:v6+s18+$0x0], $0xffff;
	v9 =	vor.u32 v1, v9  }
0x2f8: {  	v58 =	vimm.f32 $0.0e+00;
	v6 =	vand.u32 $0x7F, v11;
	v59 =	vld.idx.msk [tilespmem:v13+s17+$0x0], $0xffff  }
0x2f9: {  	v10 =	vmul.f32 v7, v10;
	v18 =	vadd.s32 $0x6, v5;
	v27 =	vld.idx.msk [tilespmem:v13+s18+$0x0], $0xffff;
	v60 =	vor.u32 v1, v6  }
0x2fa: {  	v14 =	vmul.f32 v14, v12;
	v18 =	vand.u32 $0x7F, v18;
	v6 =	vadd.s32 $0x5, v5;
	v29 =	vld.idx.msk [tilespmem:v17+s17+$0x0], $0xffff  }
0x2fb: {  	v62 =	vadd.f32 v10, v58;
	v18 =	vor.u32 v1, v18;
	v6 =	vand.u32 $0x7F, v6;
	v33 =	vld.idx.msk [tilespmem:v17+s18+$0x0], $0xffff  }
0x2fc: {  	v28 =	vadd.s32 $0x1, v5;
	v30 =	vadd.s32 $0x2, v5;
	v32 =	vor.u32 v1, v6;
	v13 =	vld.idx.msk [tilespmem:v9+s17+$0x0], $0xffff  }
0x2fd: {  	v31 =	vadd.s32 $0x3, v5;
	v11 =	vadd.s32 $0x7, v5;
	v61 =	vand.u32 $0x7F, v30;
	v6 =	vld.idx.msk [tilespmem:v9+s18+$0x0], $0xffff  }
0x2fe: {  	v15 =	vmul.f32 v8, v15;
	v12 =	vmul.f32 v16, v21;
	v17 =	vand.u32 $0x7F, v28;
	v7 =	vld.idx.msk [tilespmem:v60+s17+$0x0], $0xffff  }
0x2ff: {  	v17 =	vor.u32 v1, v17;
	v21 =	vmul.f32 v23, v22;
	v22 =	vmul.f32 v27, v59;
	v9 =	vld.idx.msk [tilespmem:v60+s18+$0x0], $0xffff  }
0x300: {  	v16 =	vor.u32 v1, v61;
	v19 =	vmul.f32 v20, v19;
	v63 =	vadd.f32 v12, v58;
	v10 =	vld.idx.msk [tilespmem:v18+s17+$0x0], $0xffff  }
0x301: {  	v21 =	vadd.f32 v21, v58;
	v20 =	vadd.f32 v22, v58;
	v8 =	vld.idx.msk [tilespmem:v32+s17+$0x0], $0xffff;
	v22 =	vmul.f32 v33, v29  }
0x302: {  	s26 =	simm.s32 $0xE;
	v14 =	vadd.f32 v14, v62;
	v23 =	vand.u32 $0x7F, v31;
	v15 =	vadd.f32 v15, v63;
	v12 =	vld.idx.msk [tilespmem:v32+s18+$0x0], $0xffff  }
.LBB2_26:
0x303: {  	p0 =	sne.s32 s26, $0x1;
	v23 =	vor.u32 v1, v23;
	v24 =	vld.idx.msk [tilespmem:v18+s18+$0x0], $0xffff;
	v21 =	vadd.f32 v19, v21;
	v20 =	vadd.f32 v22, v20  }
0x304: {  	v11 =	vand.u32 $0x7F, v11;
	v19 =	vld.idx.msk [tilespmem:v17+s17+$0x0], $0xffff  }
0x305: {  	v5 =	vadd.s32 $0x8, v5;
	v22 =	vld.idx.msk [tilespmem:v17+s18+$0x0], $0xffff;
	v17 =	vor.u32 v1, v11  }
0x306: {  	v11 =	vand.u32 $0x7F, v5;
	v25 =	vld.idx.msk [tilespmem:v16+s17+$0x0], $0xffff  }
0x307: {  	v26 =	vor.u32 v1, v11;
	v11 =	vadd.s32 $0x4, v5;
	v27 =	vld.idx.msk [tilespmem:v16+s18+$0x0], $0xffff  }
0x308: {  	v11 =	vand.u32 $0x7F, v11;
	v28 =	vld.idx.msk [tilespmem:v23+s17+$0x0], $0xffff  }
0x309: {  	v16 =	vadd.s32 $0x6, v5;
	v29 =	vor.u32 v1, v11;
	v11 =	vadd.s32 $0x5, v5;
	v23 =	vld.idx.msk [tilespmem:v23+s18+$0x0], $0xffff  }
0x30a: {  	v18 =	vadd.s32 $0x1, v5;
	v30 =	vand.u32 $0x7F, v11;
	v11 =	vadd.s32 $0x7, v5;
	v31 =	vld.idx.msk [tilespmem:v17+s17+$0x0], $0xffff  }
0x30b: {  	v32 =	vadd.s32 $0x2, v5;
	v33 =	vadd.s32 $0x3, v5;
	v30 =	vor.u32 v1, v30;
	v34 =	vld.idx.msk [tilespmem:v17+s18+$0x0], $0xffff  }
0x30c: {  	v32 =	vand.u32 $0x7F, v32;
	v16 =	vand.u32 $0x7F, v16;
	v17 =	vand.u32 $0x7F, v18;
	v35 =	vld.idx.msk [tilespmem:v26+s17+$0x0], $0xffff  }
0x30d: {  	v13 =	vmul.f32 v6, v13;
	v18 =	vor.u32 v1, v16;
	v6 =	vld.idx.msk [tilespmem:v26+s18+$0x0], $0xffff;
	v26 =	vmul.f32 v9, v7  }
.Ltmp12:
0x30e: {  	v36 =	vmul.f32 v12, v8;
	v19 =	vmul.f32 v22, v19;
	v17 =	vor.u32 v1, v17;
	v7 =	vld.idx.msk [tilespmem:v29+s17+$0x0], $0xffff;
	(pc) =	sbr.rel @p0 .LBB2_26-.Ltmp12, $4  }
0x30f: {  	v16 =	vor.u32 v1, v32;
	v22 =	vmul.f32 v27, v25;
	v23 =	vmul.f32 v23, v28;
	v9 =	vld.idx.msk [tilespmem:v29+s18+$0x0], $0xffff  }
0x310: {  	v25 =	vadd.f32 v13, v14;
	v15 =	vadd.f32 v19, v15;
	v19 =	vmul.f32 v24, v10;
	v8 =	vld.idx.msk [tilespmem:v30+s17+$0x0], $0xffff  }
0x311: {  	v21 =	vadd.f32 v22, v21;
	v20 =	vadd.f32 v23, v20;
	v22 =	vmul.f32 v34, v31;
	v12 =	vld.idx.msk [tilespmem:v30+s18+$0x0], $0xffff  }
0x312: {  	s26 =	sadd.s32 $0xFFFFFFFF, s26;
	v15 =	vadd.f32 v36, v15;
	v14 =	vadd.f32 v26, v25;
	v23 =	vand.u32 $0x7F, v33;
	v13 =	vmovc v35;
	v10 =	vld.idx.msk [tilespmem:v18+s17+$0x0], $0xffff  }
0x313: {  	_ =	sdelay $0x3  }
0x314: {  	v5 =	vor.u32 v1, v23;
	v18 =	vld.idx.msk [tilespmem:v18+s18+$0x0], $0xffff  }
0x315: {  	v23 =	vld.idx.msk [tilespmem:v17+s17+$0x0], $0xffff;
	v11 =	vand.u32 $0x7F, v11  }
0x316: {  	v17 =	vld.idx.msk [tilespmem:v17+s18+$0x0], $0xffff;
	v11 =	vor.u32 v1, v11  }
0x317: {  	v24 =	vld.idx.msk [tilespmem:v16+s17+$0x0], $0xffff  }
0x318: {  	v16 =	vld.idx.msk [tilespmem:v16+s18+$0x0], $0xffff  }
0x319: {  	v25 =	vld.idx.msk [tilespmem:v5+s17+$0x0], $0xffff  }
0x31a: {  	v5 =	vld.idx.msk [tilespmem:v5+s18+$0x0], $0xffff  }
0x31b: {  	v26 =	vld.idx.msk [tilespmem:v11+s17+$0x0], $0xffff  }
0x31c: {  	v11 =	vld.idx.msk [tilespmem:v11+s18+$0x0], $0xffff  }
0x31d: {  	v6 =	vmul.f32 v6, v13;
	v7 =	vmul.f32 v9, v7  }
0x31e: {  	v9 =	vadd.f32 v19, v21;
	v8 =	vmul.f32 v12, v8;
	v13 =	vmul.f32 v17, v23  }
0x31f: {  	v12 =	vadd.f32 v22, v20;
	v16 =	vmul.f32 v16, v24;
	v5 =	vmul.f32 v5, v25  }
0x320: {  	v6 =	vadd.f32 v6, v14;
	v10 =	vmul.f32 v18, v10;
	v13 =	vadd.f32 v13, v15  }
0x321: {  	v9 =	vadd.f32 v16, v9;
	v11 =	vmul.f32 v11, v26;
	v5 =	vadd.f32 v5, v12  }
0x322: {  	v6 =	vadd.f32 v7, v6;
	v7 =	vadd.f32 v8, v13  }
0x323: {  	v8 =	vadd.f32 v10, v9;
	v9 =	vlaneseq.u32;
	v5 =	vadd.f32 v11, v5  }
0x324: {  	v6 =	vadd.f32 v7, v6;
	v7 =	vand.u32 $0x7F, v9  }
0x325: {  	v7 =	vor.u32 v2, v7;
	v11 =	vadd.s32 $0x1, v9;
	v5 =	vadd.f32 v5, v8  }
0x326: {  	v11 =	vand.u32 $0x7F, v11;
	v8 =	vadd.s32 $0x4, v9  }
0x327: {  	v11 =	vor.u32 v2, v11;
	v8 =	vand.u32 $0x7F, v8;
	v5 =	vadd.f32 v5, v6  }
0x328: {  	v6 =	vor.u32 v2, v8;
	v8 =	vadd.s32 $0x5, v9  }
0x329: {  	v8 =	vand.u32 $0x7F, v8;
	[tilespmem:$0xEF10] =	vst v5  }
0x32a: {  	v5 =	vadd.s32 $0x6, v9;
	v8 =	vor.u32 v2, v8;
	v10 =	vld.idx.msk [tilespmem:v7+s17+$0x0], $0xffff  }
0x32b: {  	v5 =	vand.u32 $0x7F, v5;
	v7 =	vld.idx.msk [tilespmem:v7+s18+$0x0], $0xffff  }
0x32c: {  	v21 =	vld.idx.msk [tilespmem:v11+s17+$0x0], $0xffff;
	v5 =	vor.u32 v2, v5  }
0x32d: {  	v13 =	vadd.s32 $0x2, v9;
	v12 =	vld.idx.msk [tilespmem:v6+s17+$0x0], $0xffff  }
0x32e: {  	v14 =	vld.idx.msk [tilespmem:v6+s18+$0x0], $0xffff;
	v6 =	vand.u32 $0x7F, v13  }
0x32f: {  	v13 =	vadd.s32 $0x3, v9;
	v6 =	vor.u32 v2, v6;
	v15 =	vld.idx.msk [tilespmem:v8+s17+$0x0], $0xffff  }
0x330: {  	v13 =	vand.u32 $0x7F, v13;
	v8 =	vld.idx.msk [tilespmem:v8+s18+$0x0], $0xffff  }
0x331: {  	v16 =	vadd.s32 $0x7, v9;
	v13 =	vor.u32 v2, v13;
	v19 =	vld.idx.msk [tilespmem:v5+s17+$0x0], $0xffff  }
0x332: {  	v20 =	vld.idx.msk [tilespmem:v5+s18+$0x0], $0xffff;
	v5 =	vand.u32 $0x7F, v16  }
0x333: {  	v16 =	vld.idx.msk [tilespmem:v11+s18+$0x0], $0xffff;
	v17 =	vor.u32 v2, v5;
	v5 =	vadd.s32 $0x8, v9  }
0x334: {  	v9 =	vand.u32 $0x7F, v5;
	v22 =	vld.idx.msk [tilespmem:v6+s17+$0x0], $0xffff  }
0x335: {  	v11 =	vadd.s32 $0x4, v5;
	v23 =	vld.idx.msk [tilespmem:v6+s18+$0x0], $0xffff;
	v9 =	vor.u32 v2, v9  }
0x336: {  	v58 =	vimm.f32 $0.0e+00;
	v6 =	vand.u32 $0x7F, v11;
	v59 =	vld.idx.msk [tilespmem:v13+s17+$0x0], $0xffff  }
0x337: {  	v10 =	vmul.f32 v7, v10;
	v18 =	vadd.s32 $0x6, v5;
	v27 =	vld.idx.msk [tilespmem:v13+s18+$0x0], $0xffff;
	v60 =	vor.u32 v2, v6  }
0x338: {  	v14 =	vmul.f32 v14, v12;
	v18 =	vand.u32 $0x7F, v18;
	v6 =	vadd.s32 $0x5, v5;
	v29 =	vld.idx.msk [tilespmem:v17+s17+$0x0], $0xffff  }
0x339: {  	v62 =	vadd.f32 v10, v58;
	v18 =	vor.u32 v2, v18;
	v6 =	vand.u32 $0x7F, v6;
	v33 =	vld.idx.msk [tilespmem:v17+s18+$0x0], $0xffff  }
0x33a: {  	v28 =	vadd.s32 $0x1, v5;
	v30 =	vadd.s32 $0x2, v5;
	v32 =	vor.u32 v2, v6;
	v13 =	vld.idx.msk [tilespmem:v9+s17+$0x0], $0xffff  }
0x33b: {  	v31 =	vadd.s32 $0x3, v5;
	v11 =	vadd.s32 $0x7, v5;
	v61 =	vand.u32 $0x7F, v30;
	v6 =	vld.idx.msk [tilespmem:v9+s18+$0x0], $0xffff  }
0x33c: {  	v15 =	vmul.f32 v8, v15;
	v12 =	vmul.f32 v16, v21;
	v17 =	vand.u32 $0x7F, v28;
	v7 =	vld.idx.msk [tilespmem:v60+s17+$0x0], $0xffff  }
0x33d: {  	v17 =	vor.u32 v2, v17;
	v21 =	vmul.f32 v23, v22;
	v22 =	vmul.f32 v27, v59;
	v9 =	vld.idx.msk [tilespmem:v60+s18+$0x0], $0xffff  }
0x33e: {  	v16 =	vor.u32 v2, v61;
	v19 =	vmul.f32 v20, v19;
	v63 =	vadd.f32 v12, v58;
	v10 =	vld.idx.msk [tilespmem:v18+s17+$0x0], $0xffff  }
0x33f: {  	v21 =	vadd.f32 v21, v58;
	v20 =	vadd.f32 v22, v58;
	v8 =	vld.idx.msk [tilespmem:v32+s17+$0x0], $0xffff;
	v22 =	vmul.f32 v33, v29  }
0x340: {  	s26 =	simm.s32 $0xE;
	v14 =	vadd.f32 v14, v62;
	v23 =	vand.u32 $0x7F, v31;
	v15 =	vadd.f32 v15, v63;
	v12 =	vld.idx.msk [tilespmem:v32+s18+$0x0], $0xffff  }
.LBB2_28:
0x341: {  	p0 =	sne.s32 s26, $0x1;
	v23 =	vor.u32 v2, v23;
	v24 =	vld.idx.msk [tilespmem:v18+s18+$0x0], $0xffff;
	v21 =	vadd.f32 v19, v21;
	v20 =	vadd.f32 v22, v20  }
0x342: {  	v11 =	vand.u32 $0x7F, v11;
	v19 =	vld.idx.msk [tilespmem:v17+s17+$0x0], $0xffff  }
0x343: {  	v5 =	vadd.s32 $0x8, v5;
	v22 =	vld.idx.msk [tilespmem:v17+s18+$0x0], $0xffff;
	v17 =	vor.u32 v2, v11  }
0x344: {  	v11 =	vand.u32 $0x7F, v5;
	v25 =	vld.idx.msk [tilespmem:v16+s17+$0x0], $0xffff  }
0x345: {  	v26 =	vor.u32 v2, v11;
	v11 =	vadd.s32 $0x4, v5;
	v27 =	vld.idx.msk [tilespmem:v16+s18+$0x0], $0xffff  }
0x346: {  	v11 =	vand.u32 $0x7F, v11;
	v28 =	vld.idx.msk [tilespmem:v23+s17+$0x0], $0xffff  }
0x347: {  	v16 =	vadd.s32 $0x6, v5;
	v29 =	vor.u32 v2, v11;
	v11 =	vadd.s32 $0x5, v5;
	v23 =	vld.idx.msk [tilespmem:v23+s18+$0x0], $0xffff  }
0x348: {  	v18 =	vadd.s32 $0x1, v5;
	v30 =	vand.u32 $0x7F, v11;
	v11 =	vadd.s32 $0x7, v5;
	v31 =	vld.idx.msk [tilespmem:v17+s17+$0x0], $0xffff  }
0x349: {  	v32 =	vadd.s32 $0x2, v5;
	v33 =	vadd.s32 $0x3, v5;
	v30 =	vor.u32 v2, v30;
	v34 =	vld.idx.msk [tilespmem:v17+s18+$0x0], $0xffff  }
0x34a: {  	v32 =	vand.u32 $0x7F, v32;
	v16 =	vand.u32 $0x7F, v16;
	v17 =	vand.u32 $0x7F, v18;
	v35 =	vld.idx.msk [tilespmem:v26+s17+$0x0], $0xffff  }
0x34b: {  	v13 =	vmul.f32 v6, v13;
	v18 =	vor.u32 v2, v16;
	v6 =	vld.idx.msk [tilespmem:v26+s18+$0x0], $0xffff;
	v26 =	vmul.f32 v9, v7  }
.Ltmp13:
0x34c: {  	v36 =	vmul.f32 v12, v8;
	v19 =	vmul.f32 v22, v19;
	v17 =	vor.u32 v2, v17;
	v7 =	vld.idx.msk [tilespmem:v29+s17+$0x0], $0xffff;
	(pc) =	sbr.rel @p0 .LBB2_28-.Ltmp13, $4  }
0x34d: {  	v16 =	vor.u32 v2, v32;
	v22 =	vmul.f32 v27, v25;
	v23 =	vmul.f32 v23, v28;
	v9 =	vld.idx.msk [tilespmem:v29+s18+$0x0], $0xffff  }
0x34e: {  	v25 =	vadd.f32 v13, v14;
	v15 =	vadd.f32 v19, v15;
	v19 =	vmul.f32 v24, v10;
	v8 =	vld.idx.msk [tilespmem:v30+s17+$0x0], $0xffff  }
0x34f: {  	v21 =	vadd.f32 v22, v21;
	v20 =	vadd.f32 v23, v20;
	v22 =	vmul.f32 v34, v31;
	v12 =	vld.idx.msk [tilespmem:v30+s18+$0x0], $0xffff  }
0x350: {  	s26 =	sadd.s32 $0xFFFFFFFF, s26;
	v15 =	vadd.f32 v36, v15;
	v14 =	vadd.f32 v26, v25;
	v23 =	vand.u32 $0x7F, v33;
	v13 =	vmovc v35;
	v10 =	vld.idx.msk [tilespmem:v18+s17+$0x0], $0xffff  }
0x351: {  	_ =	sdelay $0x3  }
0x352: {  	v5 =	vor.u32 v2, v23;
	v18 =	vld.idx.msk [tilespmem:v18+s18+$0x0], $0xffff  }
0x353: {  	v23 =	vld.idx.msk [tilespmem:v17+s17+$0x0], $0xffff;
	v11 =	vand.u32 $0x7F, v11  }
0x354: {  	v17 =	vld.idx.msk [tilespmem:v17+s18+$0x0], $0xffff;
	v11 =	vor.u32 v2, v11  }
0x355: {  	v24 =	vld.idx.msk [tilespmem:v16+s17+$0x0], $0xffff  }
0x356: {  	v16 =	vld.idx.msk [tilespmem:v16+s18+$0x0], $0xffff  }
0x357: {  	v25 =	vld.idx.msk [tilespmem:v5+s17+$0x0], $0xffff  }
0x358: {  	v5 =	vld.idx.msk [tilespmem:v5+s18+$0x0], $0xffff  }
0x359: {  	v26 =	vld.idx.msk [tilespmem:v11+s17+$0x0], $0xffff  }
0x35a: {  	v11 =	vld.idx.msk [tilespmem:v11+s18+$0x0], $0xffff  }
0x35b: {  	v6 =	vmul.f32 v6, v13;
	v7 =	vmul.f32 v9, v7  }
0x35c: {  	v9 =	vadd.f32 v19, v21;
	v8 =	vmul.f32 v12, v8;
	v13 =	vmul.f32 v17, v23  }
0x35d: {  	v12 =	vadd.f32 v22, v20;
	v16 =	vmul.f32 v16, v24;
	v5 =	vmul.f32 v5, v25  }
0x35e: {  	v6 =	vadd.f32 v6, v14;
	v10 =	vmul.f32 v18, v10;
	v13 =	vadd.f32 v13, v15  }
0x35f: {  	v9 =	vadd.f32 v16, v9;
	v11 =	vmul.f32 v11, v26;
	v5 =	vadd.f32 v5, v12  }
0x360: {  	v6 =	vadd.f32 v7, v6;
	v7 =	vadd.f32 v8, v13  }
0x361: {  	v8 =	vadd.f32 v10, v9;
	v9 =	vlaneseq.u32;
	v5 =	vadd.f32 v11, v5  }
0x362: {  	v6 =	vadd.f32 v7, v6;
	v7 =	vand.u32 $0x7F, v9  }
0x363: {  	v7 =	vor.u32 v3, v7;
	v11 =	vadd.s32 $0x1, v9;
	v5 =	vadd.f32 v5, v8  }
0x364: {  	v11 =	vand.u32 $0x7F, v11;
	v8 =	vadd.s32 $0x4, v9  }
0x365: {  	v11 =	vor.u32 v3, v11;
	v8 =	vand.u32 $0x7F, v8;
	v5 =	vadd.f32 v5, v6  }
0x366: {  	v6 =	vor.u32 v3, v8;
	v8 =	vadd.s32 $0x5, v9  }
0x367: {  	v8 =	vand.u32 $0x7F, v8;
	[tilespmem:$0xEF20] =	vst v5  }
0x368: {  	v5 =	vadd.s32 $0x6, v9;
	v8 =	vor.u32 v3, v8;
	v10 =	vld.idx.msk [tilespmem:v7+s17+$0x0], $0xffff  }
0x369: {  	v5 =	vand.u32 $0x7F, v5;
	v7 =	vld.idx.msk [tilespmem:v7+s18+$0x0], $0xffff  }
0x36a: {  	v21 =	vld.idx.msk [tilespmem:v11+s17+$0x0], $0xffff;
	v5 =	vor.u32 v3, v5  }
0x36b: {  	v13 =	vadd.s32 $0x2, v9;
	v12 =	vld.idx.msk [tilespmem:v6+s17+$0x0], $0xffff  }
0x36c: {  	v14 =	vld.idx.msk [tilespmem:v6+s18+$0x0], $0xffff;
	v6 =	vand.u32 $0x7F, v13  }
0x36d: {  	v13 =	vadd.s32 $0x3, v9;
	v6 =	vor.u32 v3, v6;
	v15 =	vld.idx.msk [tilespmem:v8+s17+$0x0], $0xffff  }
0x36e: {  	v13 =	vand.u32 $0x7F, v13;
	v8 =	vld.idx.msk [tilespmem:v8+s18+$0x0], $0xffff  }
0x36f: {  	v16 =	vadd.s32 $0x7, v9;
	v13 =	vor.u32 v3, v13;
	v19 =	vld.idx.msk [tilespmem:v5+s17+$0x0], $0xffff  }
0x370: {  	v20 =	vld.idx.msk [tilespmem:v5+s18+$0x0], $0xffff;
	v5 =	vand.u32 $0x7F, v16  }
0x371: {  	v16 =	vld.idx.msk [tilespmem:v11+s18+$0x0], $0xffff;
	v17 =	vor.u32 v3, v5;
	v5 =	vadd.s32 $0x8, v9  }
0x372: {  	v9 =	vand.u32 $0x7F, v5;
	v22 =	vld.idx.msk [tilespmem:v6+s17+$0x0], $0xffff  }
0x373: {  	v11 =	vadd.s32 $0x4, v5;
	v23 =	vld.idx.msk [tilespmem:v6+s18+$0x0], $0xffff;
	v9 =	vor.u32 v3, v9  }
0x374: {  	v58 =	vimm.f32 $0.0e+00;
	v6 =	vand.u32 $0x7F, v11;
	v59 =	vld.idx.msk [tilespmem:v13+s17+$0x0], $0xffff  }
0x375: {  	v10 =	vmul.f32 v7, v10;
	v18 =	vadd.s32 $0x6, v5;
	v27 =	vld.idx.msk [tilespmem:v13+s18+$0x0], $0xffff;
	v60 =	vor.u32 v3, v6  }
0x376: {  	v14 =	vmul.f32 v14, v12;
	v18 =	vand.u32 $0x7F, v18;
	v6 =	vadd.s32 $0x5, v5;
	v29 =	vld.idx.msk [tilespmem:v17+s17+$0x0], $0xffff  }
0x377: {  	v62 =	vadd.f32 v10, v58;
	v18 =	vor.u32 v3, v18;
	v6 =	vand.u32 $0x7F, v6;
	v33 =	vld.idx.msk [tilespmem:v17+s18+$0x0], $0xffff  }
0x378: {  	v28 =	vadd.s32 $0x1, v5;
	v30 =	vadd.s32 $0x2, v5;
	v32 =	vor.u32 v3, v6;
	v13 =	vld.idx.msk [tilespmem:v9+s17+$0x0], $0xffff  }
0x379: {  	v31 =	vadd.s32 $0x3, v5;
	v11 =	vadd.s32 $0x7, v5;
	v61 =	vand.u32 $0x7F, v30;
	v6 =	vld.idx.msk [tilespmem:v9+s18+$0x0], $0xffff  }
0x37a: {  	v15 =	vmul.f32 v8, v15;
	v12 =	vmul.f32 v16, v21;
	v17 =	vand.u32 $0x7F, v28;
	v7 =	vld.idx.msk [tilespmem:v60+s17+$0x0], $0xffff  }
0x37b: {  	v17 =	vor.u32 v3, v17;
	v21 =	vmul.f32 v23, v22;
	v22 =	vmul.f32 v27, v59;
	v9 =	vld.idx.msk [tilespmem:v60+s18+$0x0], $0xffff  }
0x37c: {  	v16 =	vor.u32 v3, v61;
	v19 =	vmul.f32 v20, v19;
	v63 =	vadd.f32 v12, v58;
	v10 =	vld.idx.msk [tilespmem:v18+s17+$0x0], $0xffff  }
0x37d: {  	v21 =	vadd.f32 v21, v58;
	v20 =	vadd.f32 v22, v58;
	v8 =	vld.idx.msk [tilespmem:v32+s17+$0x0], $0xffff;
	v22 =	vmul.f32 v33, v29  }
0x37e: {  	s26 =	simm.s32 $0xE;
	v14 =	vadd.f32 v14, v62;
	v23 =	vand.u32 $0x7F, v31;
	v15 =	vadd.f32 v15, v63;
	v12 =	vld.idx.msk [tilespmem:v32+s18+$0x0], $0xffff  }
.LBB2_30:
0x37f: {  	p0 =	sne.s32 s26, $0x1;
	v23 =	vor.u32 v3, v23;
	v24 =	vld.idx.msk [tilespmem:v18+s18+$0x0], $0xffff;
	v21 =	vadd.f32 v19, v21;
	v20 =	vadd.f32 v22, v20  }
0x380: {  	v11 =	vand.u32 $0x7F, v11;
	v19 =	vld.idx.msk [tilespmem:v17+s17+$0x0], $0xffff  }
0x381: {  	v5 =	vadd.s32 $0x8, v5;
	v22 =	vld.idx.msk [tilespmem:v17+s18+$0x0], $0xffff;
	v17 =	vor.u32 v3, v11  }
0x382: {  	v11 =	vand.u32 $0x7F, v5;
	v25 =	vld.idx.msk [tilespmem:v16+s17+$0x0], $0xffff  }
0x383: {  	v26 =	vor.u32 v3, v11;
	v11 =	vadd.s32 $0x4, v5;
	v27 =	vld.idx.msk [tilespmem:v16+s18+$0x0], $0xffff  }
0x384: {  	v11 =	vand.u32 $0x7F, v11;
	v28 =	vld.idx.msk [tilespmem:v23+s17+$0x0], $0xffff  }
0x385: {  	v16 =	vadd.s32 $0x6, v5;
	v29 =	vor.u32 v3, v11;
	v11 =	vadd.s32 $0x5, v5;
	v23 =	vld.idx.msk [tilespmem:v23+s18+$0x0], $0xffff  }
0x386: {  	v18 =	vadd.s32 $0x1, v5;
	v30 =	vand.u32 $0x7F, v11;
	v11 =	vadd.s32 $0x7, v5;
	v31 =	vld.idx.msk [tilespmem:v17+s17+$0x0], $0xffff  }
0x387: {  	v32 =	vadd.s32 $0x2, v5;
	v33 =	vadd.s32 $0x3, v5;
	v30 =	vor.u32 v3, v30;
	v34 =	vld.idx.msk [tilespmem:v17+s18+$0x0], $0xffff  }
0x388: {  	v32 =	vand.u32 $0x7F, v32;
	v16 =	vand.u32 $0x7F, v16;
	v17 =	vand.u32 $0x7F, v18;
	v35 =	vld.idx.msk [tilespmem:v26+s17+$0x0], $0xffff  }
0x389: {  	v13 =	vmul.f32 v6, v13;
	v18 =	vor.u32 v3, v16;
	v6 =	vld.idx.msk [tilespmem:v26+s18+$0x0], $0xffff;
	v26 =	vmul.f32 v9, v7  }
.Ltmp14:
0x38a: {  	v36 =	vmul.f32 v12, v8;
	v19 =	vmul.f32 v22, v19;
	v17 =	vor.u32 v3, v17;
	v7 =	vld.idx.msk [tilespmem:v29+s17+$0x0], $0xffff;
	(pc) =	sbr.rel @p0 .LBB2_30-.Ltmp14, $4  }
0x38b: {  	v16 =	vor.u32 v3, v32;
	v22 =	vmul.f32 v27, v25;
	v23 =	vmul.f32 v23, v28;
	v9 =	vld.idx.msk [tilespmem:v29+s18+$0x0], $0xffff  }
0x38c: {  	v25 =	vadd.f32 v13, v14;
	v15 =	vadd.f32 v19, v15;
	v19 =	vmul.f32 v24, v10;
	v8 =	vld.idx.msk [tilespmem:v30+s17+$0x0], $0xffff  }
0x38d: {  	v21 =	vadd.f32 v22, v21;
	v20 =	vadd.f32 v23, v20;
	v22 =	vmul.f32 v34, v31;
	v12 =	vld.idx.msk [tilespmem:v30+s18+$0x0], $0xffff  }
0x38e: {  	s26 =	sadd.s32 $0xFFFFFFFF, s26;
	v15 =	vadd.f32 v36, v15;
	v14 =	vadd.f32 v26, v25;
	v23 =	vand.u32 $0x7F, v33;
	v13 =	vmovc v35;
	v10 =	vld.idx.msk [tilespmem:v18+s17+$0x0], $0xffff  }
0x38f: {  	_ =	sdelay $0x3  }
0x390: {  	v5 =	vor.u32 v3, v23;
	v18 =	vld.idx.msk [tilespmem:v18+s18+$0x0], $0xffff  }
0x391: {  	v23 =	vld.idx.msk [tilespmem:v17+s17+$0x0], $0xffff;
	v11 =	vand.u32 $0x7F, v11  }
0x392: {  	v17 =	vld.idx.msk [tilespmem:v17+s18+$0x0], $0xffff;
	v11 =	vor.u32 v3, v11  }
0x393: {  	v24 =	vld.idx.msk [tilespmem:v16+s17+$0x0], $0xffff  }
0x394: {  	v16 =	vld.idx.msk [tilespmem:v16+s18+$0x0], $0xffff  }
0x395: {  	v25 =	vld.idx.msk [tilespmem:v5+s17+$0x0], $0xffff  }
0x396: {  	v5 =	vld.idx.msk [tilespmem:v5+s18+$0x0], $0xffff  }
0x397: {  	v26 =	vld.idx.msk [tilespmem:v11+s17+$0x0], $0xffff  }
0x398: {  	v11 =	vld.idx.msk [tilespmem:v11+s18+$0x0], $0xffff  }
0x399: {  	v6 =	vmul.f32 v6, v13;
	v7 =	vmul.f32 v9, v7  }
0x39a: {  	v9 =	vadd.f32 v19, v21;
	v8 =	vmul.f32 v12, v8;
	v13 =	vmul.f32 v17, v23  }
0x39b: {  	v12 =	vadd.f32 v22, v20;
	v16 =	vmul.f32 v16, v24;
	v5 =	vmul.f32 v5, v25  }
0x39c: {  	v6 =	vadd.f32 v6, v14;
	v10 =	vmul.f32 v18, v10;
	v13 =	vadd.f32 v13, v15  }
0x39d: {  	v9 =	vadd.f32 v16, v9;
	v11 =	vmul.f32 v11, v26;
	v5 =	vadd.f32 v5, v12  }
0x39e: {  	v6 =	vadd.f32 v7, v6;
	v7 =	vadd.f32 v8, v13  }
0x39f: {  	v8 =	vadd.f32 v10, v9;
	v9 =	vlaneseq.u32;
	v5 =	vadd.f32 v11, v5  }
0x3a0: {  	v6 =	vadd.f32 v7, v6;
	v7 =	vand.u32 $0x7F, v9  }
0x3a1: {  	v7 =	vor.u32 v4, v7;
	v11 =	vadd.s32 $0x1, v9;
	v5 =	vadd.f32 v5, v8  }
0x3a2: {  	v11 =	vand.u32 $0x7F, v11;
	v8 =	vadd.s32 $0x4, v9  }
0x3a3: {  	v11 =	vor.u32 v4, v11;
	v8 =	vand.u32 $0x7F, v8;
	v5 =	vadd.f32 v5, v6  }
0x3a4: {  	v6 =	vor.u32 v4, v8;
	v8 =	vadd.s32 $0x5, v9  }
0x3a5: {  	v8 =	vand.u32 $0x7F, v8;
	[tilespmem:$0xEF30] =	vst v5  }
0x3a6: {  	v5 =	vadd.s32 $0x6, v9;
	v8 =	vor.u32 v4, v8;
	v10 =	vld.idx.msk [tilespmem:v7+s17+$0x0], $0xffff  }
0x3a7: {  	v5 =	vand.u32 $0x7F, v5;
	v7 =	vld.idx.msk [tilespmem:v7+s18+$0x0], $0xffff  }
0x3a8: {  	v21 =	vld.idx.msk [tilespmem:v11+s17+$0x0], $0xffff;
	v5 =	vor.u32 v4, v5  }
0x3a9: {  	v13 =	vadd.s32 $0x2, v9;
	v12 =	vld.idx.msk [tilespmem:v6+s17+$0x0], $0xffff  }
0x3aa: {  	v14 =	vld.idx.msk [tilespmem:v6+s18+$0x0], $0xffff;
	v6 =	vand.u32 $0x7F, v13  }
0x3ab: {  	v13 =	vadd.s32 $0x3, v9;
	v6 =	vor.u32 v4, v6;
	v15 =	vld.idx.msk [tilespmem:v8+s17+$0x0], $0xffff  }
0x3ac: {  	v13 =	vand.u32 $0x7F, v13;
	v8 =	vld.idx.msk [tilespmem:v8+s18+$0x0], $0xffff  }
0x3ad: {  	v16 =	vadd.s32 $0x7, v9;
	v13 =	vor.u32 v4, v13;
	v19 =	vld.idx.msk [tilespmem:v5+s17+$0x0], $0xffff  }
0x3ae: {  	v20 =	vld.idx.msk [tilespmem:v5+s18+$0x0], $0xffff;
	v5 =	vand.u32 $0x7F, v16  }
0x3af: {  	v16 =	vld.idx.msk [tilespmem:v11+s18+$0x0], $0xffff;
	v17 =	vor.u32 v4, v5;
	v5 =	vadd.s32 $0x8, v9  }
0x3b0: {  	v9 =	vand.u32 $0x7F, v5;
	v22 =	vld.idx.msk [tilespmem:v6+s17+$0x0], $0xffff  }
0x3b1: {  	v11 =	vadd.s32 $0x4, v5;
	v23 =	vld.idx.msk [tilespmem:v6+s18+$0x0], $0xffff;
	v9 =	vor.u32 v4, v9  }
0x3b2: {  	v58 =	vimm.f32 $0.0e+00;
	v6 =	vand.u32 $0x7F, v11;
	v59 =	vld.idx.msk [tilespmem:v13+s17+$0x0], $0xffff  }
0x3b3: {  	v10 =	vmul.f32 v7, v10;
	v18 =	vadd.s32 $0x6, v5;
	v27 =	vld.idx.msk [tilespmem:v13+s18+$0x0], $0xffff;
	v60 =	vor.u32 v4, v6  }
0x3b4: {  	v14 =	vmul.f32 v14, v12;
	v18 =	vand.u32 $0x7F, v18;
	v6 =	vadd.s32 $0x5, v5;
	v29 =	vld.idx.msk [tilespmem:v17+s17+$0x0], $0xffff  }
0x3b5: {  	v62 =	vadd.f32 v10, v58;
	v18 =	vor.u32 v4, v18;
	v6 =	vand.u32 $0x7F, v6;
	v33 =	vld.idx.msk [tilespmem:v17+s18+$0x0], $0xffff  }
0x3b6: {  	v28 =	vadd.s32 $0x1, v5;
	v30 =	vadd.s32 $0x2, v5;
	v32 =	vor.u32 v4, v6;
	v13 =	vld.idx.msk [tilespmem:v9+s17+$0x0], $0xffff  }
0x3b7: {  	v31 =	vadd.s32 $0x3, v5;
	v11 =	vadd.s32 $0x7, v5;
	v61 =	vand.u32 $0x7F, v30;
	v6 =	vld.idx.msk [tilespmem:v9+s18+$0x0], $0xffff  }
0x3b8: {  	v15 =	vmul.f32 v8, v15;
	v12 =	vmul.f32 v16, v21;
	v17 =	vand.u32 $0x7F, v28;
	v7 =	vld.idx.msk [tilespmem:v60+s17+$0x0], $0xffff  }
0x3b9: {  	v17 =	vor.u32 v4, v17;
	v21 =	vmul.f32 v23, v22;
	v22 =	vmul.f32 v27, v59;
	v9 =	vld.idx.msk [tilespmem:v60+s18+$0x0], $0xffff  }
0x3ba: {  	v16 =	vor.u32 v4, v61;
	v19 =	vmul.f32 v20, v19;
	v63 =	vadd.f32 v12, v58;
	v10 =	vld.idx.msk [tilespmem:v18+s17+$0x0], $0xffff  }
0x3bb: {  	v21 =	vadd.f32 v21, v58;
	v20 =	vadd.f32 v22, v58;
	v8 =	vld.idx.msk [tilespmem:v32+s17+$0x0], $0xffff;
	v22 =	vmul.f32 v33, v29  }
0x3bc: {  	s26 =	simm.s32 $0xE;
	v14 =	vadd.f32 v14, v62;
	v23 =	vand.u32 $0x7F, v31;
	v15 =	vadd.f32 v15, v63;
	v12 =	vld.idx.msk [tilespmem:v32+s18+$0x0], $0xffff  }
.LBB2_32:
0x3bd: {  	p0 =	sne.s32 s26, $0x1;
	v23 =	vor.u32 v4, v23;
	v24 =	vld.idx.msk [tilespmem:v18+s18+$0x0], $0xffff;
	v21 =	vadd.f32 v19, v21;
	v20 =	vadd.f32 v22, v20  }
0x3be: {  	v11 =	vand.u32 $0x7F, v11;
	v19 =	vld.idx.msk [tilespmem:v17+s17+$0x0], $0xffff  }
0x3bf: {  	v5 =	vadd.s32 $0x8, v5;
	v22 =	vld.idx.msk [tilespmem:v17+s18+$0x0], $0xffff;
	v17 =	vor.u32 v4, v11  }
0x3c0: {  	v11 =	vand.u32 $0x7F, v5;
	v25 =	vld.idx.msk [tilespmem:v16+s17+$0x0], $0xffff  }
0x3c1: {  	v26 =	vor.u32 v4, v11;
	v11 =	vadd.s32 $0x4, v5;
	v27 =	vld.idx.msk [tilespmem:v16+s18+$0x0], $0xffff  }
0x3c2: {  	v11 =	vand.u32 $0x7F, v11;
	v28 =	vld.idx.msk [tilespmem:v23+s17+$0x0], $0xffff  }
0x3c3: {  	v16 =	vadd.s32 $0x6, v5;
	v29 =	vor.u32 v4, v11;
	v11 =	vadd.s32 $0x5, v5;
	v23 =	vld.idx.msk [tilespmem:v23+s18+$0x0], $0xffff  }
0x3c4: {  	v18 =	vadd.s32 $0x1, v5;
	v30 =	vand.u32 $0x7F, v11;
	v11 =	vadd.s32 $0x7, v5;
	v31 =	vld.idx.msk [tilespmem:v17+s17+$0x0], $0xffff  }
0x3c5: {  	v32 =	vadd.s32 $0x2, v5;
	v33 =	vadd.s32 $0x3, v5;
	v30 =	vor.u32 v4, v30;
	v34 =	vld.idx.msk [tilespmem:v17+s18+$0x0], $0xffff  }
0x3c6: {  	v32 =	vand.u32 $0x7F, v32;
	v16 =	vand.u32 $0x7F, v16;
	v17 =	vand.u32 $0x7F, v18;
	v35 =	vld.idx.msk [tilespmem:v26+s17+$0x0], $0xffff  }
0x3c7: {  	v13 =	vmul.f32 v6, v13;
	v18 =	vor.u32 v4, v16;
	v6 =	vld.idx.msk [tilespmem:v26+s18+$0x0], $0xffff;
	v26 =	vmul.f32 v9, v7  }
.Ltmp15:
0x3c8: {  	v36 =	vmul.f32 v12, v8;
	v19 =	vmul.f32 v22, v19;
	v17 =	vor.u32 v4, v17;
	v7 =	vld.idx.msk [tilespmem:v29+s17+$0x0], $0xffff;
	(pc) =	sbr.rel @p0 .LBB2_32-.Ltmp15, $4  }
0x3c9: {  	v16 =	vor.u32 v4, v32;
	v22 =	vmul.f32 v27, v25;
	v23 =	vmul.f32 v23, v28;
	v9 =	vld.idx.msk [tilespmem:v29+s18+$0x0], $0xffff  }
0x3ca: {  	v25 =	vadd.f32 v13, v14;
	v15 =	vadd.f32 v19, v15;
	v19 =	vmul.f32 v24, v10;
	v8 =	vld.idx.msk [tilespmem:v30+s17+$0x0], $0xffff  }
0x3cb: {  	v21 =	vadd.f32 v22, v21;
	v20 =	vadd.f32 v23, v20;
	v22 =	vmul.f32 v34, v31;
	v12 =	vld.idx.msk [tilespmem:v30+s18+$0x0], $0xffff  }
0x3cc: {  	s26 =	sadd.s32 $0xFFFFFFFF, s26;
	v15 =	vadd.f32 v36, v15;
	v14 =	vadd.f32 v26, v25;
	v23 =	vand.u32 $0x7F, v33;
	v13 =	vmovc v35;
	v10 =	vld.idx.msk [tilespmem:v18+s17+$0x0], $0xffff  }
0x3cd: {  	_ =	sdelay $0x3  }
0x3ce: {  	v5 =	vor.u32 v4, v23;
	v18 =	vld.idx.msk [tilespmem:v18+s18+$0x0], $0xffff  }
0x3cf: {  	v55 =	vld.idx.msk [tilespmem:v17+s17+$0x0], $0xffff;
	v11 =	vand.u32 $0x7F, v11  }
0x3d0: {  	v56 =	vld.idx.msk [tilespmem:v17+s18+$0x0], $0xffff;
	v4 =	vor.u32 v4, v11  }
0x3d1: {  	v57 =	vld.idx.msk [tilespmem:v16+s17+$0x0], $0xffff  }
0x3d2: {  	v58 =	vld.idx.msk [tilespmem:v16+s18+$0x0], $0xffff  }
0x3d3: {  	v24 =	vld.idx.msk [tilespmem:v5+s17+$0x0], $0xffff  }
0x3d4: {  	v5 =	vld.idx.msk [tilespmem:v5+s18+$0x0], $0xffff  }
0x3d5: {  	v25 =	vld.idx.msk [tilespmem:v4+s17+$0x0], $0xffff  }
0x3d6: {  	v4 =	vld.idx.msk [tilespmem:v4+s18+$0x0], $0xffff  }
0x3d7: {  	v6 =	vmul.f32 v6, v13;
	v59 =	vadd.f32 v19, v21  }
0x3d8: {  	v61 =	vadd.f32 v22, v20;
	v7 =	vmul.f32 v9, v7;
	v60 =	vmul.f32 v56, v55  }
0x3d9: {  	v6 =	vadd.f32 v6, v14;
	v11 =	vmul.f32 v58, v57;
	v5 =	vmul.f32 v5, v24  }
0x3da: {  	v8 =	vmul.f32 v12, v8;
	v10 =	vmul.f32 v18, v10;
	v13 =	vadd.f32 v60, v15  }
0x3db: {  	v9 =	vadd.f32 v11, v59;
	v4 =	vmul.f32 v4, v25;
	v5 =	vadd.f32 v5, v61  }
0x3dc: {  	v6 =	vadd.f32 v7, v6;
	v62 =	vadd.f32 v8, v13  }
0x3dd: {  	v63 =	vadd.f32 v10, v9;
	v4 =	vadd.f32 v4, v5;
	_ =	sdelay $0x1  }
0x3de: {  	v5 =	vadd.f32 v62, v6;
	v4 =	vadd.f32 v4, v63;
	_ =	sdelay $0x1  }
0x3df: {  	v4 =	vadd.f32 v4, v5;
	_ =	sdelay $0x1  }
0x3e0: {  	s25 =	sadd.s32 $0x1, s25;
	[tilespmem:$0xEF40] =	vst v4  }
0x3e1: {  	[hbm4b:s10+s5] =	stream.linear.scatter [tilespmem:s14], [sflag:$0x3], $0x50, $0x38;
	[tilespmem:$0xF000] =	vst v63  }
0x3e2: {  	p0 =	sne.s32 s25, s11;
	_ =	swait.ge [sflag:s22], $0x50  }
.Ltmp16:
0x3e3: {  	[sflag:s22] =	ssyncset.done $0x0;
	(pc) =	sbr.rel @p0 .LBB2_1-.Ltmp16, $4  }
0x3e4: {  	[sflag:s22] =	ssyncadd.s32 $0xFFFFFFB0  }
0x3e5: {  	_ =	swait.ge [sflag:s24], $0x50  }
0x3e6: {  	[sflag:s24] =	ssyncset.done $0x0  }
0x3e7: {  	[sflag:s24] =	ssyncadd.s32 $0xFFFFFFB0  }
0x3e8: {  	_ =	sfence.sel $0x180000  }
0x3e9: {  	[bflag:$0x0] =	sbarrier.arrive $0xFFFF  }
0x3ea: {  	p0 =	sne.s32 s0, $0x0;
	_ =	strace $0x90000047  }
0x3eb: {  	s0 =	sadd.s32 @!p0 $0x100000, s3;
	[bflag:$0x2] =	sbarrier.arrive $0xFFFF  }
0x3ec: {  	[sflag:s0] =	ssyncadd.tile.s32 @!p0 $0x1;
	_ =	shalt  }
.Lfunc_end2:
_tile_overlayer_lowered:
.L_overlay_start_2:
0x3ed: {  	(tag) =	ssettag $0x2  }
0x3ee: {  	s0 =	rddreg [dreg:$0x0];
	s2 =	stileid.u32  }
0x3ef: {  	s1 =	rddreg [dreg:$0x1];
	p0 =	sne.s32 s2, $0x0  }
0x3f0: {  	s3 =	rddreg [dreg:$0x2];
	[bflag:$0x3] =	sbarrier.arrive $0xFFFF;
	s2 =	simm.s32 @!p0 $0x1C05  }
0x3f1: {  	[timem:s3], [sflag:s2] =	dma.local @!p0 [hbm:s0], s1  }
0x3f2: {  	s0 =	simm.s32 @!p0 $0x5  }
0x3f3: {  	_ =	swait.ge @!p0 [sflag:s0], s1  }
0x3f4: {  	s1 =	ssub.s32 @!p0 $0x0, s1;
	[sflag:s0] =	ssyncset.done @!p0 $0x0  }
0x3f5: {  	[sflag:s0] =	ssyncadd.s32 @!p0 s1  }
0x3f6: {  	[bflag:$0x3] =	sbarrier.arrive $0xFFFF  }
0x3f7: {  	_ =	shalt  }

</sc_bundles>
